<compile_context>
chip_gen: v7x
topology: tpu7x:2x2x1
jax: 0.10.2.dev20260603
libtpu: 0.0.44.dev20260713+nightly
codegen_flags: <defaults>
</compile_context>

<pallas_src>
import math

import jax
import jax.numpy as jnp
from jax import lax
from jax.experimental import pallas as pl
from jax.experimental.pallas import tpu as pltpu
from jax.experimental.pallas import tpu_sc as plsc

D = 32
SCALE = math.sqrt(float(D))
NW = 32
BS = 128


def _body(xt_hbm, tbl_hbm, outA_hbm, idxs, rows0, rows1, outb, sem0, sem1):
    T = xt_hbm.shape[0]
    wid = lax.axis_index("s") * 2 + lax.axis_index("c")
    b0 = pl.multiple_of(wid * BS, BS)

    pltpu.sync_copy(xt_hbm.at[:, pl.ds(b0, BS)], idxs)

    iota16 = lax.iota(jnp.int32, 16)
    row_gs = [iota16 + 16 * g for g in range(BS // 16)]
    bufs = ((rows0, sem0), (rows1, sem1))

    pltpu.async_copy(tbl_hbm.at[idxs.at[0]], rows0, sem0)

    @pl.loop(0, T // 2)
    def _pair(tt):
        for p in range(2):
            t = tt * 2 + p
            rows, sem = bufs[p]
            rows_n, sem_n = bufs[1 - p]

            @pl.when(t + 1 < T)
            def _():
                pltpu.async_copy(tbl_hbm.at[idxs.at[t + 1]], rows_n, sem_n)

            pltpu.make_async_copy(tbl_hbm.at[idxs.at[t]], rows, sem).wait()

            @plsc.parallel_loop(0, D, unroll=4)
            def _d(d):
                dv = jnp.full((16,), 0, jnp.int32) + d
                for g in range(BS // 16):
                    vals = plsc.load_gather(rows, [row_gs[g], dv])
                    outb[d >> 3, d & 7, g * 16:(g + 1) * 16] = vals * SCALE

            pltpu.sync_copy(outb, outA_hbm.at[t, :, wid, :, :])


VC = 512
NCH = 1954
TAIL_V0 = 999936


def _tr_body(tt_hbm, tail_hbm, tr_hbm, vb0, vb1, ob, sem0, sem1):
    wid = lax.axis_index("s") * 2 + lax.axis_index("c")
    iota16 = lax.iota(jnp.int32, 16)
    dvecs = [iota16, iota16 + 16]
    bufs = ((vb0, sem0), (vb1, sem1))

    @pl.when(wid == 0)
    def _():
        pltpu.sync_copy(tail_hbm, tr_hbm.at[pl.ds((NCH - 1) * 128, 16)])

    def issue(c, vb, sem):
        pltpu.async_copy(tt_hbm.at[:, pl.ds(c * VC, VC)], vb, sem)

    def work(c, vb, sem):
        pltpu.make_async_copy(
            tt_hbm.at[:, pl.ds(c * VC, VC)], vb, sem).wait()

        @plsc.parallel_loop(0, 128, unroll=2)
        def _jj(jj):
            s0 = jj * 4
            for k in range(4):
                vvec = jnp.full((16,), 0, jnp.int32) + (s0 + k)
                for h in range(2):
                    vals = plsc.load_gather(vb, [dvecs[h], vvec])
                    ob[jj, k * 32 + h * 16:k * 32 + h * 16 + 16] = vals

        pltpu.sync_copy(ob, tr_hbm.at[pl.ds(c * 128, 128)])

    issue(wid, vb0, sem0)

    @pl.loop(0, (NCH - 1 + NW - 1) // NW // 2 + 1)
    def _pair(ii):
        for p in range(2):
            i = ii * 2 + p
            c = wid + NW * i
            vb, sem = bufs[p]
            vb_n, sem_n = bufs[1 - p]
            c_n = wid + NW * (i + 1)

            @pl.when(c_n < NCH - 1)
            def _():
                issue(c_n, vb_n, sem_n)

            @pl.when(c < NCH - 1)
            def _():
                work(c, vb, sem)


def _regroup_table(table):
    v, d = table.shape
    tt = jnp.transpose(table)
    tail = jnp.reshape(table[TAIL_V0:], (16, 128))
    mesh = plsc.VectorSubcoreMesh(core_axis_name="c", subcore_axis_name="s")
    return pl.kernel(
        _tr_body,
        out_type=jax.ShapeDtypeStruct((v * d // 128, 128), jnp.float32),
        mesh=mesh,
        scratch_types=[
            pltpu.VMEM((d, VC), jnp.float32),
            pltpu.VMEM((d, VC), jnp.float32),
            pltpu.VMEM((128, 128), jnp.float32),
            pltpu.SemaphoreType.DMA,
            pltpu.SemaphoreType.DMA,
        ],
        compiler_params=pltpu.CompilerParams(needs_layout_passes=False),
    )(tt, tail)


def kernel(x, table):
    b, t = x.shape
    v, d = table.shape
    xt = jnp.transpose(x)
    tr = _regroup_table(table)
    tbl2 = jnp.reshape(tr, (v, d))
    mesh = plsc.VectorSubcoreMesh(core_axis_name="c", subcore_axis_name="s")
    outA = pl.kernel(
        _body,
        out_type=jax.ShapeDtypeStruct((t, 4, NW, 8, 128), jnp.float32),
        mesh=mesh,
        scratch_types=[
            pltpu.VMEM((t, BS), jnp.int32),
            pltpu.VMEM((BS, d), jnp.float32),
            pltpu.VMEM((BS, d), jnp.float32),
            pltpu.VMEM((4, 8, 128), jnp.float32),
            pltpu.SemaphoreType.DMA,
            pltpu.SemaphoreType.DMA,
        ],
        compiler_params=pltpu.CompilerParams(
            needs_layout_passes=False, use_tc_tiling_on_sc=False),
    )(xt, tbl2)
    return jnp.reshape(jnp.transpose(outA, (2, 4, 0, 1, 3)), (b, t, d))

# --- scband reference (transcript-rebuilt; emitter-appended) ---
"""Pipeline reference for scband-embeddings-21672404975628 (READ-ONLY COPY).

The authoritative reference and input builder live on the scoring server;
editing this copy changes nothing except your own understanding.
"""

import math
import jax, jax.numpy as jnp
import numpy as np

VOCAB = 1000000
D_MODEL = 32
PAD_IDX = 0

def setup_inputs(seed: int = 0) -> dict:
    key = jax.random.key(seed)
    k1, k2 = jax.random.split(key)
    x = jax.random.randint(k1, (4096, 200), 0, VOCAB, dtype=jnp.int64 if jax.config.jax_enable_x64 else jnp.int32).astype(jnp.int32)
    table = jax.random.normal(k2, (VOCAB, D_MODEL), dtype=jnp.float32)
    # padding_idx row is initialized to zeros in nn.Embedding
    table = table.at[PAD_IDX].set(0.0)
    return {"x": x, "table": table}

def reference(x, table):
    # Embeddings.forward: self.embed(x) * sqrt(d_model)
    emb = jnp.take(table, x, axis=0)
    return emb * math.sqrt(D_MODEL)

if __name__ == "__main__":
    import jax
    _d = setup_inputs()
    print(jax.jit(kernel)(*tuple(_d.values())))

</pallas_src>

<mosaic_0001>
#map = affine_map<(d0, d1) -> (0, 0)>
module attributes {stable_mosaic.version = 14 : i64} {
  func.func @_tr_body(%arg0: i32, %arg1: i32, %arg2: memref<32x1000000xf32, #tpu.memory_space<hbm>>, %arg3: memref<16x128xf32, #tpu.memory_space<hbm>>, %arg4: memref<250000x128xf32, #tpu.memory_space<hbm>>, %arg5: memref<32x512xf32, #tpu.memory_space<vmem>>, %arg6: memref<32x512xf32, #tpu.memory_space<vmem>>, %arg7: memref<128x128xf32, #tpu.memory_space<vmem>>, %arg8: memref<!tpu.dma_semaphore, #tpu.memory_space<semaphore_mem>>, %arg9: memref<!tpu.dma_semaphore, #tpu.memory_space<semaphore_mem>>) attributes {dimension_semantics = [#tpu.dimension_semantics<core_parallel>, #tpu.dimension_semantics<subcore_parallel>], iteration_bounds = array<i64: 2, 16>, scalar_prefetch = 0 : i64, scratch_operands = 5 : i64, tpu.core_type = #tpu.core_type<sc_vector_subcore>, window_params = [{transform_indices = #map}, {transform_indices = #map}, {transform_indices = #map}]} {
    %mul3A = arith.constant 2 : i32
    %mul3A_0 = arith.muli %arg1, %mul3A : i32
    %add3A = arith.addi %mul3A_0, %arg0 : i32
    %iota3A = tpu.iota {dimensions = array<i32: 0>} : vector<16xi32>
    %add3A_1 = arith.constant 16 : i32
    %add3A_2 = vector.broadcast %add3A_1 : i32 to vector<16xi32>
    %add3A_3 = arith.addi %iota3A, %add3A_2 : vector<16xi32>
    %eq3A = arith.constant 0 : i32
    %eq3A_4 = arith.cmpi eq, %add3A, %eq3A : i32
    %convert_element_type3A = arith.extui %eq3A_4 : i1 to i32
    %cond3A = arith.constant 0 : i32
    %cond3A_5 = arith.cmpi ne, %convert_element_type3A, %cond3A : i32
    scf.if %cond3A_5 {
      "tpu.region"() ({
        %run_scoped3A = tpu.sem_alloc : memref<!tpu.dma_semaphore, #tpu.memory_space<semaphore_mem>>
        %dma_start3A_15 = arith.constant 249984 : i32
        %dma_start3A_16 = arith.constant 0 : i32
        %dma_start3A_17 = tpu.memref_slice %arg4[%dma_start3A_15, %dma_start3A_16] : memref<250000x128xf32, #tpu.memory_space<hbm>> -> memref<16x128xf32, #tpu.memory_space<hbm>>
        tpu.enqueue_dma source(%arg3 : memref<16x128xf32, #tpu.memory_space<hbm>>) target(%dma_start3A_17 : memref<16x128xf32, #tpu.memory_space<hbm>>) target_semaphore(%run_scoped3A : memref<!tpu.dma_semaphore, #tpu.memory_space<semaphore_mem>>)
        %dma_wait3A = arith.constant 249984 : i32
        %dma_wait3A_18 = arith.constant 0 : i32
        %dma_wait3A_19 = tpu.memref_slice %arg4[%dma_wait3A, %dma_wait3A_18] : memref<250000x128xf32, #tpu.memory_space<hbm>> -> memref<16x128xf32, #tpu.memory_space<hbm>>
        tpu.wait_dma2 semaphore(%run_scoped3A : memref<!tpu.dma_semaphore, #tpu.memory_space<semaphore_mem>>) src(%arg3 : memref<16x128xf32, #tpu.memory_space<hbm>>) dst(%dma_wait3A_19 : memref<16x128xf32, #tpu.memory_space<hbm>>)
        tpu.yield
      }) : () -> ()
    } else {
    }
    %mul3A_6 = arith.constant 512 : i32
    %mul3A_7 = arith.muli %add3A, %mul3A_6 : i32
    %dma_start3A = arith.constant 0 : i32
    %dma_start3A_8 = tpu.memref_slice %arg2[%dma_start3A, %mul3A_7] : memref<32x1000000xf32, #tpu.memory_space<hbm>> -> memref<32x512xf32, #tpu.memory_space<hbm>>
    %dma_start3A_9 = arith.constant 0 : i32
    %dma_start3A_10 = tpu.memref_slice %arg2[%dma_start3A_9, %mul3A_7] : memref<32x1000000xf32, #tpu.memory_space<hbm>> -> memref<32x512xf32, #tpu.memory_space<hbm>>
    tpu.enqueue_dma source(%dma_start3A_10 : memref<32x512xf32, #tpu.memory_space<hbm>>) target(%arg5 : memref<32x512xf32, #tpu.memory_space<vmem>>) target_semaphore(%arg8 : memref<!tpu.dma_semaphore, #tpu.memory_space<semaphore_mem>>)
    %scan3A = arith.constant 0 : i32
    %scan3A_11 = arith.constant 32 : i32
    %scan3A_12 = arith.addi %scan3A, %scan3A_11 : i32
    %scan3A_13 = arith.constant 1 : i32
    scf.for %scan3A_15 = %scan3A to %scan3A_12 step %scan3A_13  : i32 {
      %mul3A_16 = arith.constant 1 : i32
      %mul3A_17 = arith.muli %scan3A_15, %mul3A_16 : i32
      %add3A_18 = arith.constant 0 : i32
      %add3A_19 = arith.addi %add3A_18, %mul3A_17 : i32
      %mul3A_20 = arith.constant 2 : i32
      %mul3A_21 = arith.muli %add3A_19, %mul3A_20 : i32
      %add3A_22 = arith.constant 0 : i32
      %add3A_23 = arith.addi %mul3A_21, %add3A_22 : i32
      %mul3A_24 = arith.constant 32 : i32
      %mul3A_25 = arith.muli %mul3A_24, %add3A_23 : i32
      %add3A_26 = arith.addi %add3A, %mul3A_25 : i32
      %add3A_27 = arith.constant 1 : i32
      %add3A_28 = arith.addi %add3A_23, %add3A_27 : i32
      %mul3A_29 = arith.constant 32 : i32
      %mul3A_30 = arith.muli %mul3A_29, %add3A_28 : i32
      %add3A_31 = arith.addi %add3A, %mul3A_30 : i32
      %lt3A = arith.constant 1953 : i32
      %lt3A_32 = arith.cmpi slt, %add3A_31, %lt3A : i32
      %convert_element_type3A_33 = arith.extui %lt3A_32 : i1 to i32
      %cond3A_34 = arith.constant 0 : i32
      %cond3A_35 = arith.cmpi ne, %convert_element_type3A_33, %cond3A_34 : i32
      scf.if %cond3A_35 {
        %mul3A_63 = arith.constant 512 : i32
        %mul3A_64 = arith.muli %add3A_31, %mul3A_63 : i32
        %dma_start3A_65 = arith.constant 0 : i32
        %dma_start3A_66 = tpu.memref_slice %arg2[%dma_start3A_65, %mul3A_64] : memref<32x1000000xf32, #tpu.memory_space<hbm>> -> memref<32x512xf32, #tpu.memory_space<hbm>>
        %dma_start3A_67 = arith.constant 0 : i32
        %dma_start3A_68 = tpu.memref_slice %arg2[%dma_start3A_67, %mul3A_64] : memref<32x1000000xf32, #tpu.memory_space<hbm>> -> memref<32x512xf32, #tpu.memory_space<hbm>>
        tpu.enqueue_dma source(%dma_start3A_68 : memref<32x512xf32, #tpu.memory_space<hbm>>) target(%arg6 : memref<32x512xf32, #tpu.memory_space<vmem>>) target_semaphore(%arg9 : memref<!tpu.dma_semaphore, #tpu.memory_space<semaphore_mem>>)
      } else {
      }
      %lt3A_36 = arith.constant 1953 : i32
      %lt3A_37 = arith.cmpi slt, %add3A_26, %lt3A_36 : i32
      %convert_element_type3A_38 = arith.extui %lt3A_37 : i1 to i32
      %cond3A_39 = arith.constant 0 : i32
      %cond3A_40 = arith.cmpi ne, %convert_element_type3A_38, %cond3A_39 : i32
      scf.if %cond3A_40 {
        %mul3A_63 = arith.constant 512 : i32
        %mul3A_64 = arith.muli %add3A_26, %mul3A_63 : i32
        %dma_wait3A = arith.constant 0 : i32
        %dma_wait3A_65 = tpu.memref_slice %arg2[%dma_wait3A, %mul3A_64] : memref<32x1000000xf32, #tpu.memory_space<hbm>> -> memref<32x512xf32, #tpu.memory_space<hbm>>
        %dma_wait3A_66 = arith.constant 0 : i32
        %dma_wait3A_67 = tpu.memref_slice %arg2[%dma_wait3A_66, %mul3A_64] : memref<32x1000000xf32, #tpu.memory_space<hbm>> -> memref<32x512xf32, #tpu.memory_space<hbm>>
        tpu.wait_dma2 semaphore(%arg8 : memref<!tpu.dma_semaphore, #tpu.memory_space<semaphore_mem>>) src(%dma_wait3A_67 : memref<32x512xf32, #tpu.memory_space<hbm>>) dst(%arg5 : memref<32x512xf32, #tpu.memory_space<vmem>>)
        %parallel_loop3A = arith.constant 0 : i32
        %parallel_loop3A_68 = arith.constant 128 : i32
        %parallel_loop3A_69 = arith.constant 1 : i32
        scf.for %parallel_loop3A_72 = %parallel_loop3A to %parallel_loop3A_68 step %parallel_loop3A_69  : i32 {
          %parallel_loop3A_73 = arith.constant 4 : i32
          %parallel_loop3A_74 = arith.muli %parallel_loop3A_72, %parallel_loop3A_73 : i32
          %parallel_loop3A_75 = arith.constant 0 : i32
          %parallel_loop3A_76 = vector.broadcast %parallel_loop3A_75 : i32 to vector<16xi32>
          %parallel_loop3A_77 = arith.constant 0 : i32
          %parallel_loop3A_78 = arith.addi %parallel_loop3A_74, %parallel_loop3A_77 : i32
          %parallel_loop3A_79 = vector.broadcast %parallel_loop3A_78 : i32 to vector<16xi32>
          %parallel_loop3A_80 = arith.addi %parallel_loop3A_76, %parallel_loop3A_79 : vector<16xi32>
          %parallel_loop3A_81 = tpu.vector_load_idx %arg5[%iota3A, %parallel_loop3A_80] : memref<32x512xf32, #tpu.memory_space<vmem>>[vector<16xi32>, vector<16xi32>], vector<16xf32>,
          %parallel_loop3A_82 = arith.index_cast %parallel_loop3A_72 : i32 to index
          %parallel_loop3A_83 = arith.constant 0 : index
          %parallel_loop3A_84 = tpu.vector_load %arg7[%parallel_loop3A_82, %parallel_loop3A_83] {strides = array<i32>} : memref<128x128xf32, #tpu.memory_space<vmem>>, vector<16xf32>,
          tpu.vector_store %arg7[%parallel_loop3A_82, %parallel_loop3A_83], %parallel_loop3A_81 {strides = array<i32>} : memref<128x128xf32, #tpu.memory_space<vmem>>, vector<16xf32>,
          %parallel_loop3A_85 = tpu.vector_load_idx %arg5[%add3A_3, %parallel_loop3A_80] : memref<32x512xf32, #tpu.memory_space<vmem>>[vector<16xi32>, vector<16xi32>], vector<16xf32>,
          %parallel_loop3A_86 = arith.index_cast %parallel_loop3A_72 : i32 to index
          %parallel_loop3A_87 = arith.constant 16 : index
          %parallel_loop3A_88 = tpu.vector_load %arg7[%parallel_loop3A_86, %parallel_loop3A_87] {strides = array<i32>} : memref<128x128xf32, #tpu.memory_space<vmem>>, vector<16xf32>,
          tpu.vector_store %arg7[%parallel_loop3A_86, %parallel_loop3A_87], %parallel_loop3A_85 {strides = array<i32>} : memref<128x128xf32, #tpu.memory_space<vmem>>, vector<16xf32>,
          %parallel_loop3A_89 = arith.constant 0 : i32
          %parallel_loop3A_90 = vector.broadcast %parallel_loop3A_89 : i32 to vector<16xi32>
          %parallel_loop3A_91 = arith.constant 1 : i32
          %parallel_loop3A_92 = arith.addi %parallel_loop3A_74, %parallel_loop3A_91 : i32
          %parallel_loop3A_93 = vector.broadcast %parallel_loop3A_92 : i32 to vector<16xi32>
          %parallel_loop3A_94 = arith.addi %parallel_loop3A_90, %parallel_loop3A_93 : vector<16xi32>
          %parallel_loop3A_95 = tpu.vector_load_idx %arg5[%iota3A, %parallel_loop3A_94] : memref<32x512xf32, #tpu.memory_space<vmem>>[vector<16xi32>, vector<16xi32>], vector<16xf32>,
          %parallel_loop3A_96 = arith.index_cast %parallel_loop3A_72 : i32 to index
          %parallel_loop3A_97 = arith.constant 32 : index
          %parallel_loop3A_98 = tpu.vector_load %arg7[%parallel_loop3A_96, %parallel_loop3A_97] {strides = array<i32>} : memref<128x128xf32, #tpu.memory_space<vmem>>, vector<16xf32>,
          tpu.vector_store %arg7[%parallel_loop3A_96, %parallel_loop3A_97], %parallel_loop3A_95 {strides = array<i32>} : memref<128x128xf32, #tpu.memory_space<vmem>>, vector<16xf32>,
          %parallel_loop3A_99 = tpu.vector_load_idx %arg5[%add3A_3, %parallel_loop3A_94] : memref<32x512xf32, #tpu.memory_space<vmem>>[vector<16xi32>, vector<16xi32>], vector<16xf32>,
          %parallel_loop3A_100 = arith.index_cast %parallel_loop3A_72 : i32 to index
          %parallel_loop3A_101 = arith.constant 48 : index
          %parallel_loop3A_102 = tpu.vector_load %arg7[%parallel_loop3A_100, %parallel_loop3A_101] {strides = array<i32>} : memref<128x128xf32, #tpu.memory_space<vmem>>, vector<16xf32>,
          tpu.vector_store %arg7[%parallel_loop3A_100, %parallel_loop3A_101], %parallel_loop3A_99 {strides = array<i32>} : memref<128x128xf32, #tpu.memory_space<vmem>>, vector<16xf32>,
          %parallel_loop3A_103 = arith.constant 0 : i32
          %parallel_loop3A_104 = vector.broadcast %parallel_loop3A_103 : i32 to vector<16xi32>
          %parallel_loop3A_105 = arith.constant 2 : i32
          %parallel_loop3A_106 = arith.addi %parallel_loop3A_74, %parallel_loop3A_105 : i32
          %parallel_loop3A_107 = vector.broadcast %parallel_loop3A_106 : i32 to vector<16xi32>
          %parallel_loop3A_108 = arith.addi %parallel_loop3A_104, %parallel_loop3A_107 : vector<16xi32>
          %parallel_loop3A_109 = tpu.vector_load_idx %arg5[%iota3A, %parallel_loop3A_108] : memref<32x512xf32, #tpu.memory_space<vmem>>[vector<16xi32>, vector<16xi32>], vector<16xf32>,
          %parallel_loop3A_110 = arith.index_cast %parallel_loop3A_72 : i32 to index
          %parallel_loop3A_111 = arith.constant 64 : index
          %parallel_loop3A_112 = tpu.vector_load %arg7[%parallel_loop3A_110, %parallel_loop3A_111] {strides = array<i32>} : memref<128x128xf32, #tpu.memory_space<vmem>>, vector<16xf32>,
          tpu.vector_store %arg7[%parallel_loop3A_110, %parallel_loop3A_111], %parallel_loop3A_109 {strides = array<i32>} : memref<128x128xf32, #tpu.memory_space<vmem>>, vector<16xf32>,
          %parallel_loop3A_113 = tpu.vector_load_idx %arg5[%add3A_3, %parallel_loop3A_108] : memref<32x512xf32, #tpu.memory_space<vmem>>[vector<16xi32>, vector<16xi32>], vector<16xf32>,
          %parallel_loop3A_114 = arith.index_cast %parallel_loop3A_72 : i32 to index
          %parallel_loop3A_115 = arith.constant 80 : index
          %parallel_loop3A_116 = tpu.vector_load %arg7[%parallel_loop3A_114, %parallel_loop3A_115] {strides = array<i32>} : memref<128x128xf32, #tpu.memory_space<vmem>>, vector<16xf32>,
          tpu.vector_store %arg7[%parallel_loop3A_114, %parallel_loop3A_115], %parallel_loop3A_113 {strides = array<i32>} : memref<128x128xf32, #tpu.memory_space<vmem>>, vector<16xf32>,
          %parallel_loop3A_117 = arith.constant 0 : i32
          %parallel_loop3A_118 = vector.broadcast %parallel_loop3A_117 : i32 to vector<16xi32>
          %parallel_loop3A_119 = arith.constant 3 : i32
          %parallel_loop3A_120 = arith.addi %parallel_loop3A_74, %parallel_loop3A_119 : i32
          %parallel_loop3A_121 = vector.broadcast %parallel_loop3A_120 : i32 to vector<16xi32>
          %parallel_loop3A_122 = arith.addi %parallel_loop3A_118, %parallel_loop3A_121 : vector<16xi32>
          %parallel_loop3A_123 = tpu.vector_load_idx %arg5[%iota3A, %parallel_loop3A_122] : memref<32x512xf32, #tpu.memory_space<vmem>>[vector<16xi32>, vector<16xi32>], vector<16xf32>,
          %parallel_loop3A_124 = arith.index_cast %parallel_loop3A_72 : i32 to index
          %parallel_loop3A_125 = arith.constant 96 : index
          %parallel_loop3A_126 = tpu.vector_load %arg7[%parallel_loop3A_124, %parallel_loop3A_125] {strides = array<i32>} : memref<128x128xf32, #tpu.memory_space<vmem>>, vector<16xf32>,
          tpu.vector_store %arg7[%parallel_loop3A_124, %parallel_loop3A_125], %parallel_loop3A_123 {strides = array<i32>} : memref<128x128xf32, #tpu.memory_space<vmem>>, vector<16xf32>,
          %parallel_loop3A_127 = tpu.vector_load_idx %arg5[%add3A_3, %parallel_loop3A_122] : memref<32x512xf32, #tpu.memory_space<vmem>>[vector<16xi32>, vector<16xi32>], vector<16xf32>,
          %parallel_loop3A_128 = arith.index_cast %parallel_loop3A_72 : i32 to index
          %parallel_loop3A_129 = arith.constant 112 : index
          %parallel_loop3A_130 = tpu.vector_load %arg7[%parallel_loop3A_128, %parallel_loop3A_129] {strides = array<i32>} : memref<128x128xf32, #tpu.memory_space<vmem>>, vector<16xf32>,
          tpu.vector_store %arg7[%parallel_loop3A_128, %parallel_loop3A_129], %parallel_loop3A_127 {strides = array<i32>} : memref<128x128xf32, #tpu.memory_space<vmem>>, vector<16xf32>,
        } {sc.loop_unroll_factor = 2 : i64, sc.parallel_access}
        %mul3A_70 = arith.constant 128 : i32
        %mul3A_71 = arith.muli %add3A_26, %mul3A_70 : i32
        "tpu.region"() ({
          %run_scoped3A = tpu.sem_alloc : memref<!tpu.dma_semaphore, #tpu.memory_space<semaphore_mem>>
          %dma_start3A_72 = arith.constant 0 : i32
          %dma_start3A_73 = tpu.memref_slice %arg4[%mul3A_71, %dma_start3A_72] : memref<250000x128xf32, #tpu.memory_space<hbm>> -> memref<128x128xf32, #tpu.memory_space<hbm>>
          %dma_start3A_74 = arith.constant 0 : i32
          %dma_start3A_75 = tpu.memref_slice %arg4[%mul3A_71, %dma_start3A_74] : memref<250000x128xf32, #tpu.memory_space<hbm>> -> memref<128x128xf32, #tpu.memory_space<hbm>>
          tpu.enqueue_dma source(%arg7 : memref<128x128xf32, #tpu.memory_space<vmem>>) target(%dma_start3A_75 : memref<128x128xf32, #tpu.memory_space<hbm>>) target_semaphore(%run_scoped3A : memref<!tpu.dma_semaphore, #tpu.memory_space<semaphore_mem>>)
          %dma_wait3A_76 = arith.constant 0 : i32
          %dma_wait3A_77 = tpu.memref_slice %arg4[%mul3A_71, %dma_wait3A_76] : memref<250000x128xf32, #tpu.memory_space<hbm>> -> memref<128x128xf32, #tpu.memory_space<hbm>>
          %dma_wait3A_78 = arith.constant 0 : i32
          %dma_wait3A_79 = tpu.memref_slice %arg4[%mul3A_71, %dma_wait3A_78] : memref<250000x128xf32, #tpu.memory_space<hbm>> -> memref<128x128xf32, #tpu.memory_space<hbm>>
          tpu.wait_dma2 semaphore(%run_scoped3A : memref<!tpu.dma_semaphore, #tpu.memory_space<semaphore_mem>>) src(%arg7 : memref<128x128xf32, #tpu.memory_space<vmem>>) dst(%dma_wait3A_79 : memref<128x128xf32, #tpu.memory_space<hbm>>)
          tpu.yield
        }) : () -> ()
      } else {
      }
      %mul3A_41 = arith.constant 2 : i32
      %mul3A_42 = arith.muli %add3A_19, %mul3A_41 : i32
      %add3A_43 = arith.constant 1 : i32
      %add3A_44 = arith.addi %mul3A_42, %add3A_43 : i32
      %mul3A_45 = arith.constant 32 : i32
      %mul3A_46 = arith.muli %mul3A_45, %add3A_44 : i32
      %add3A_47 = arith.addi %add3A, %mul3A_46 : i32
      %add3A_48 = arith.constant 1 : i32
      %add3A_49 = arith.addi %add3A_44, %add3A_48 : i32
      %mul3A_50 = arith.constant 32 : i32
      %mul3A_51 = arith.muli %mul3A_50, %add3A_49 : i32
      %add3A_52 = arith.addi %add3A, %mul3A_51 : i32
      %lt3A_53 = arith.constant 1953 : i32
      %lt3A_54 = arith.cmpi slt, %add3A_52, %lt3A_53 : i32
      %convert_element_type3A_55 = arith.extui %lt3A_54 : i1 to i32
      %cond3A_56 = arith.constant 0 : i32
      %cond3A_57 = arith.cmpi ne, %convert_element_type3A_55, %cond3A_56 : i32
      scf.if %cond3A_57 {
        %mul3A_63 = arith.constant 512 : i32
        %mul3A_64 = arith.muli %add3A_52, %mul3A_63 : i32
        %dma_start3A_65 = arith.constant 0 : i32
        %dma_start3A_66 = tpu.memref_slice %arg2[%dma_start3A_65, %mul3A_64] : memref<32x1000000xf32, #tpu.memory_space<hbm>> -> memref<32x512xf32, #tpu.memory_space<hbm>>
        %dma_start3A_67 = arith.constant 0 : i32
        %dma_start3A_68 = tpu.memref_slice %arg2[%dma_start3A_67, %mul3A_64] : memref<32x1000000xf32, #tpu.memory_space<hbm>> -> memref<32x512xf32, #tpu.memory_space<hbm>>
        tpu.enqueue_dma source(%dma_start3A_68 : memref<32x512xf32, #tpu.memory_space<hbm>>) target(%arg5 : memref<32x512xf32, #tpu.memory_space<vmem>>) target_semaphore(%arg8 : memref<!tpu.dma_semaphore, #tpu.memory_space<semaphore_mem>>)
      } else {
      }
      %lt3A_58 = arith.constant 1953 : i32
      %lt3A_59 = arith.cmpi slt, %add3A_47, %lt3A_58 : i32
      %convert_element_type3A_60 = arith.extui %lt3A_59 : i1 to i32
      %cond3A_61 = arith.constant 0 : i32
      %cond3A_62 = arith.cmpi ne, %convert_element_type3A_60, %cond3A_61 : i32
      scf.if %cond3A_62 {
        %mul3A_63 = arith.constant 512 : i32
        %mul3A_64 = arith.muli %add3A_47, %mul3A_63 : i32
        %dma_wait3A = arith.constant 0 : i32
        %dma_wait3A_65 = tpu.memref_slice %arg2[%dma_wait3A, %mul3A_64] : memref<32x1000000xf32, #tpu.memory_space<hbm>> -> memref<32x512xf32, #tpu.memory_space<hbm>>
        %dma_wait3A_66 = arith.constant 0 : i32
        %dma_wait3A_67 = tpu.memref_slice %arg2[%dma_wait3A_66, %mul3A_64] : memref<32x1000000xf32, #tpu.memory_space<hbm>> -> memref<32x512xf32, #tpu.memory_space<hbm>>
        tpu.wait_dma2 semaphore(%arg9 : memref<!tpu.dma_semaphore, #tpu.memory_space<semaphore_mem>>) src(%dma_wait3A_67 : memref<32x512xf32, #tpu.memory_space<hbm>>) dst(%arg6 : memref<32x512xf32, #tpu.memory_space<vmem>>)
        %parallel_loop3A = arith.constant 0 : i32
        %parallel_loop3A_68 = arith.constant 128 : i32
        %parallel_loop3A_69 = arith.constant 1 : i32
        scf.for %parallel_loop3A_72 = %parallel_loop3A to %parallel_loop3A_68 step %parallel_loop3A_69  : i32 {
          %parallel_loop3A_73 = arith.constant 4 : i32
          %parallel_loop3A_74 = arith.muli %parallel_loop3A_72, %parallel_loop3A_73 : i32
          %parallel_loop3A_75 = arith.constant 0 : i32
          %parallel_loop3A_76 = vector.broadcast %parallel_loop3A_75 : i32 to vector<16xi32>
          %parallel_loop3A_77 = arith.constant 0 : i32
          %parallel_loop3A_78 = arith.addi %parallel_loop3A_74, %parallel_loop3A_77 : i32
          %parallel_loop3A_79 = vector.broadcast %parallel_loop3A_78 : i32 to vector<16xi32>
          %parallel_loop3A_80 = arith.addi %parallel_loop3A_76, %parallel_loop3A_79 : vector<16xi32>
          %parallel_loop3A_81 = tpu.vector_load_idx %arg6[%iota3A, %parallel_loop3A_80] : memref<32x512xf32, #tpu.memory_space<vmem>>[vector<16xi32>, vector<16xi32>], vector<16xf32>,
          %parallel_loop3A_82 = arith.index_cast %parallel_loop3A_72 : i32 to index
          %parallel_loop3A_83 = arith.constant 0 : index
          %parallel_loop3A_84 = tpu.vector_load %arg7[%parallel_loop3A_82, %parallel_loop3A_83] {strides = array<i32>} : memref<128x128xf32, #tpu.memory_space<vmem>>, vector<16xf32>,
          tpu.vector_store %arg7[%parallel_loop3A_82, %parallel_loop3A_83], %parallel_loop3A_81 {strides = array<i32>} : memref<128x128xf32, #tpu.memory_space<vmem>>, vector<16xf32>,
          %parallel_loop3A_85 = tpu.vector_load_idx %arg6[%add3A_3, %parallel_loop3A_80] : memref<32x512xf32, #tpu.memory_space<vmem>>[vector<16xi32>, vector<16xi32>], vector<16xf32>,
          %parallel_loop3A_86 = arith.index_cast %parallel_loop3A_72 : i32 to index
          %parallel_loop3A_87 = arith.constant 16 : index
          %parallel_loop3A_88 = tpu.vector_load %arg7[%parallel_loop3A_86, %parallel_loop3A_87] {strides = array<i32>} : memref<128x128xf32, #tpu.memory_space<vmem>>, vector<16xf32>,
          tpu.vector_store %arg7[%parallel_loop3A_86, %parallel_loop3A_87], %parallel_loop3A_85 {strides = array<i32>} : memref<128x128xf32, #tpu.memory_space<vmem>>, vector<16xf32>,
          %parallel_loop3A_89 = arith.constant 0 : i32
          %parallel_loop3A_90 = vector.broadcast %parallel_loop3A_89 : i32 to vector<16xi32>
          %parallel_loop3A_91 = arith.constant 1 : i32
          %parallel_loop3A_92 = arith.addi %parallel_loop3A_74, %parallel_loop3A_91 : i32
          %parallel_loop3A_93 = vector.broadcast %parallel_loop3A_92 : i32 to vector<16xi32>
          %parallel_loop3A_94 = arith.addi %parallel_loop3A_90, %parallel_loop3A_93 : vector<16xi32>
          %parallel_loop3A_95 = tpu.vector_load_idx %arg6[%iota3A, %parallel_loop3A_94] : memref<32x512xf32, #tpu.memory_space<vmem>>[vector<16xi32>, vector<16xi32>], vector<16xf32>,
          %parallel_loop3A_96 = arith.index_cast %parallel_loop3A_72 : i32 to index
          %parallel_loop3A_97 = arith.constant 32 : index
          %parallel_loop3A_98 = tpu.vector_load %arg7[%parallel_loop3A_96, %parallel_loop3A_97] {strides = array<i32>} : memref<128x128xf32, #tpu.memory_space<vmem>>, vector<16xf32>,
          tpu.vector_store %arg7[%parallel_loop3A_96, %parallel_loop3A_97], %parallel_loop3A_95 {strides = array<i32>} : memref<128x128xf32, #tpu.memory_space<vmem>>, vector<16xf32>,
          %parallel_loop3A_99 = tpu.vector_load_idx %arg6[%add3A_3, %parallel_loop3A_94] : memref<32x512xf32, #tpu.memory_space<vmem>>[vector<16xi32>, vector<16xi32>], vector<16xf32>,
          %parallel_loop3A_100 = arith.index_cast %parallel_loop3A_72 : i32 to index
          %parallel_loop3A_101 = arith.constant 48 : index
          %parallel_loop3A_102 = tpu.vector_load %arg7[%parallel_loop3A_100, %parallel_loop3A_101] {strides = array<i32>} : memref<128x128xf32, #tpu.memory_space<vmem>>, vector<16xf32>,
          tpu.vector_store %arg7[%parallel_loop3A_100, %parallel_loop3A_101], %parallel_loop3A_99 {strides = array<i32>} : memref<128x128xf32, #tpu.memory_space<vmem>>, vector<16xf32>,
          %parallel_loop3A_103 = arith.constant 0 : i32
          %parallel_loop3A_104 = vector.broadcast %parallel_loop3A_103 : i32 to vector<16xi32>
          %parallel_loop3A_105 = arith.constant 2 : i32
          %parallel_loop3A_106 = arith.addi %parallel_loop3A_74, %parallel_loop3A_105 : i32
          %parallel_loop3A_107 = vector.broadcast %parallel_loop3A_106 : i32 to vector<16xi32>
          %parallel_loop3A_108 = arith.addi %parallel_loop3A_104, %parallel_loop3A_107 : vector<16xi32>
          %parallel_loop3A_109 = tpu.vector_load_idx %arg6[%iota3A, %parallel_loop3A_108] : memref<32x512xf32, #tpu.memory_space<vmem>>[vector<16xi32>, vector<16xi32>], vector<16xf32>,
          %parallel_loop3A_110 = arith.index_cast %parallel_loop3A_72 : i32 to index
          %parallel_loop3A_111 = arith.constant 64 : index
          %parallel_loop3A_112 = tpu.vector_load %arg7[%parallel_loop3A_110, %parallel_loop3A_111] {strides = array<i32>} : memref<128x128xf32, #tpu.memory_space<vmem>>, vector<16xf32>,
          tpu.vector_store %arg7[%parallel_loop3A_110, %parallel_loop3A_111], %parallel_loop3A_109 {strides = array<i32>} : memref<128x128xf32, #tpu.memory_space<vmem>>, vector<16xf32>,
          %parallel_loop3A_113 = tpu.vector_load_idx %arg6[%add3A_3, %parallel_loop3A_108] : memref<32x512xf32, #tpu.memory_space<vmem>>[vector<16xi32>, vector<16xi32>], vector<16xf32>,
          %parallel_loop3A_114 = arith.index_cast %parallel_loop3A_72 : i32 to index
          %parallel_loop3A_115 = arith.constant 80 : index
          %parallel_loop3A_116 = tpu.vector_load %arg7[%parallel_loop3A_114, %parallel_loop3A_115] {strides = array<i32>} : memref<128x128xf32, #tpu.memory_space<vmem>>, vector<16xf32>,
          tpu.vector_store %arg7[%parallel_loop3A_114, %parallel_loop3A_115], %parallel_loop3A_113 {strides = array<i32>} : memref<128x128xf32, #tpu.memory_space<vmem>>, vector<16xf32>,
          %parallel_loop3A_117 = arith.constant 0 : i32
          %parallel_loop3A_118 = vector.broadcast %parallel_loop3A_117 : i32 to vector<16xi32>
          %parallel_loop3A_119 = arith.constant 3 : i32
          %parallel_loop3A_120 = arith.addi %parallel_loop3A_74, %parallel_loop3A_119 : i32
          %parallel_loop3A_121 = vector.broadcast %parallel_loop3A_120 : i32 to vector<16xi32>
          %parallel_loop3A_122 = arith.addi %parallel_loop3A_118, %parallel_loop3A_121 : vector<16xi32>
          %parallel_loop3A_123 = tpu.vector_load_idx %arg6[%iota3A, %parallel_loop3A_122] : memref<32x512xf32, #tpu.memory_space<vmem>>[vector<16xi32>, vector<16xi32>], vector<16xf32>,
          %parallel_loop3A_124 = arith.index_cast %parallel_loop3A_72 : i32 to index
          %parallel_loop3A_125 = arith.constant 96 : index
          %parallel_loop3A_126 = tpu.vector_load %arg7[%parallel_loop3A_124, %parallel_loop3A_125] {strides = array<i32>} : memref<128x128xf32, #tpu.memory_space<vmem>>, vector<16xf32>,
          tpu.vector_store %arg7[%parallel_loop3A_124, %parallel_loop3A_125], %parallel_loop3A_123 {strides = array<i32>} : memref<128x128xf32, #tpu.memory_space<vmem>>, vector<16xf32>,
          %parallel_loop3A_127 = tpu.vector_load_idx %arg6[%add3A_3, %parallel_loop3A_122] : memref<32x512xf32, #tpu.memory_space<vmem>>[vector<16xi32>, vector<16xi32>], vector<16xf32>,
          %parallel_loop3A_128 = arith.index_cast %parallel_loop3A_72 : i32 to index
          %parallel_loop3A_129 = arith.constant 112 : index
          %parallel_loop3A_130 = tpu.vector_load %arg7[%parallel_loop3A_128, %parallel_loop3A_129] {strides = array<i32>} : memref<128x128xf32, #tpu.memory_space<vmem>>, vector<16xf32>,
          tpu.vector_store %arg7[%parallel_loop3A_128, %parallel_loop3A_129], %parallel_loop3A_127 {strides = array<i32>} : memref<128x128xf32, #tpu.memory_space<vmem>>, vector<16xf32>,
        } {sc.loop_unroll_factor = 2 : i64, sc.parallel_access}
        %mul3A_70 = arith.constant 128 : i32
        %mul3A_71 = arith.muli %add3A_47, %mul3A_70 : i32
        "tpu.region"() ({
          %run_scoped3A = tpu.sem_alloc : memref<!tpu.dma_semaphore, #tpu.memory_space<semaphore_mem>>
          %dma_start3A_72 = arith.constant 0 : i32
          %dma_start3A_73 = tpu.memref_slice %arg4[%mul3A_71, %dma_start3A_72] : memref<250000x128xf32, #tpu.memory_space<hbm>> -> memref<128x128xf32, #tpu.memory_space<hbm>>
          %dma_start3A_74 = arith.constant 0 : i32
          %dma_start3A_75 = tpu.memref_slice %arg4[%mul3A_71, %dma_start3A_74] : memref<250000x128xf32, #tpu.memory_space<hbm>> -> memref<128x128xf32, #tpu.memory_space<hbm>>
          tpu.enqueue_dma source(%arg7 : memref<128x128xf32, #tpu.memory_space<vmem>>) target(%dma_start3A_75 : memref<128x128xf32, #tpu.memory_space<hbm>>) target_semaphore(%run_scoped3A : memref<!tpu.dma_semaphore, #tpu.memory_space<semaphore_mem>>)
          %dma_wait3A_76 = arith.constant 0 : i32
          %dma_wait3A_77 = tpu.memref_slice %arg4[%mul3A_71, %dma_wait3A_76] : memref<250000x128xf32, #tpu.memory_space<hbm>> -> memref<128x128xf32, #tpu.memory_space<hbm>>
          %dma_wait3A_78 = arith.constant 0 : i32
          %dma_wait3A_79 = tpu.memref_slice %arg4[%mul3A_71, %dma_wait3A_78] : memref<250000x128xf32, #tpu.memory_space<hbm>> -> memref<128x128xf32, #tpu.memory_space<hbm>>
          tpu.wait_dma2 semaphore(%run_scoped3A : memref<!tpu.dma_semaphore, #tpu.memory_space<semaphore_mem>>) src(%arg7 : memref<128x128xf32, #tpu.memory_space<vmem>>) dst(%dma_wait3A_79 : memref<128x128xf32, #tpu.memory_space<hbm>>)
          tpu.yield
        }) : () -> ()
      } else {
      }
    }
    %scan3A_14 = arith.constant 32 : i32
    return
  }
}

#map = affine_map<(d0, d1) -> (0, 0)>
#map1 = affine_map<(d0, d1) -> (0, 0, 0, 0, 0)>
module attributes {stable_mosaic.version = 14 : i64} {
  func.func @_body(%arg0: i32, %arg1: i32, %arg2: memref<200x4096xi32, #tpu.memory_space<hbm>>, %arg3: memref<1000000x32xf32, #tpu.memory_space<hbm>>, %arg4: memref<200x4x32x8x128xf32, #tpu.memory_space<hbm>>, %arg5: memref<200x128xi32, #tpu.memory_space<vmem>>, %arg6: memref<128x32xf32, #tpu.memory_space<vmem>>, %arg7: memref<128x32xf32, #tpu.memory_space<vmem>>, %arg8: memref<4x8x128xf32, #tpu.memory_space<vmem>>, %arg9: memref<!tpu.dma_semaphore, #tpu.memory_space<semaphore_mem>>, %arg10: memref<!tpu.dma_semaphore, #tpu.memory_space<semaphore_mem>>) attributes {dimension_semantics = [#tpu.dimension_semantics<core_parallel>, #tpu.dimension_semantics<subcore_parallel>], iteration_bounds = array<i64: 2, 16>, scalar_prefetch = 0 : i64, scratch_operands = 6 : i64, tpu.core_type = #tpu.core_type<sc_vector_subcore>, window_params = [{transform_indices = #map}, {transform_indices = #map}, {transform_indices = #map1}]} {
    %mul3A = arith.constant 2 : i32
    %mul3A_0 = arith.muli %arg1, %mul3A : i32
    %add3A = arith.addi %mul3A_0, %arg0 : i32
    %mul3A_1 = arith.constant 128 : i32
    %mul3A_2 = arith.muli %add3A, %mul3A_1 : i32
    %multiple_of3A = tpu.assume_multiple %mul3A_2, 128 : i32
    "tpu.region"() ({
      %run_scoped3A = tpu.sem_alloc : memref<!tpu.dma_semaphore, #tpu.memory_space<semaphore_mem>>
      %dma_start3A_37 = arith.constant 0 : i32
      %dma_start3A_38 = tpu.memref_slice %arg2[%dma_start3A_37, %multiple_of3A] : memref<200x4096xi32, #tpu.memory_space<hbm>> -> memref<200x128xi32, #tpu.memory_space<hbm>>
      %dma_start3A_39 = arith.constant 0 : i32
      %dma_start3A_40 = tpu.memref_slice %arg2[%dma_start3A_39, %multiple_of3A] : memref<200x4096xi32, #tpu.memory_space<hbm>> -> memref<200x128xi32, #tpu.memory_space<hbm>>
      tpu.enqueue_dma source(%dma_start3A_40 : memref<200x128xi32, #tpu.memory_space<hbm>>) target(%arg5 : memref<200x128xi32, #tpu.memory_space<vmem>>) target_semaphore(%run_scoped3A : memref<!tpu.dma_semaphore, #tpu.memory_space<semaphore_mem>>)
      %dma_wait3A = arith.constant 0 : i32
      %dma_wait3A_41 = tpu.memref_slice %arg2[%dma_wait3A, %multiple_of3A] : memref<200x4096xi32, #tpu.memory_space<hbm>> -> memref<200x128xi32, #tpu.memory_space<hbm>>
      %dma_wait3A_42 = arith.constant 0 : i32
      %dma_wait3A_43 = tpu.memref_slice %arg2[%dma_wait3A_42, %multiple_of3A] : memref<200x4096xi32, #tpu.memory_space<hbm>> -> memref<200x128xi32, #tpu.memory_space<hbm>>
      tpu.wait_dma2 semaphore(%run_scoped3A : memref<!tpu.dma_semaphore, #tpu.memory_space<semaphore_mem>>) src(%dma_wait3A_43 : memref<200x128xi32, #tpu.memory_space<hbm>>) dst(%arg5 : memref<200x128xi32, #tpu.memory_space<vmem>>)
      tpu.yield
    }) : () -> ()
    %iota3A = tpu.iota {dimensions = array<i32: 0>} : vector<16xi32>
    %add3A_3 = arith.constant 0 : i32
    %add3A_4 = vector.broadcast %add3A_3 : i32 to vector<16xi32>
    %add3A_5 = arith.addi %iota3A, %add3A_4 : vector<16xi32>
    %add3A_6 = arith.constant 16 : i32
    %add3A_7 = vector.broadcast %add3A_6 : i32 to vector<16xi32>
    %add3A_8 = arith.addi %iota3A, %add3A_7 : vector<16xi32>
    %add3A_9 = arith.constant 32 : i32
    %add3A_10 = vector.broadcast %add3A_9 : i32 to vector<16xi32>
    %add3A_11 = arith.addi %iota3A, %add3A_10 : vector<16xi32>
    %add3A_12 = arith.constant 48 : i32
    %add3A_13 = vector.broadcast %add3A_12 : i32 to vector<16xi32>
    %add3A_14 = arith.addi %iota3A, %add3A_13 : vector<16xi32>
    %add3A_15 = arith.constant 64 : i32
    %add3A_16 = vector.broadcast %add3A_15 : i32 to vector<16xi32>
    %add3A_17 = arith.addi %iota3A, %add3A_16 : vector<16xi32>
    %add3A_18 = arith.constant 80 : i32
    %add3A_19 = vector.broadcast %add3A_18 : i32 to vector<16xi32>
    %add3A_20 = arith.addi %iota3A, %add3A_19 : vector<16xi32>
    %add3A_21 = arith.constant 96 : i32
    %add3A_22 = vector.broadcast %add3A_21 : i32 to vector<16xi32>
    %add3A_23 = arith.addi %iota3A, %add3A_22 : vector<16xi32>
    %add3A_24 = arith.constant 112 : i32
    %add3A_25 = vector.broadcast %add3A_24 : i32 to vector<16xi32>
    %add3A_26 = arith.addi %iota3A, %add3A_25 : vector<16xi32>
    %dma_start3A = arith.constant 0 : i32
    %dma_start3A_27 = arith.constant 0 : i32
    %dma_start3A_28 = tpu.memref_slice %arg5[%dma_start3A, %dma_start3A_27] : memref<200x128xi32, #tpu.memory_space<vmem>> -> memref<1x128xi32, #tpu.memory_space<vmem>>
    %dma_start3A_29 = tpu.memref_squeeze %dma_start3A_28 : memref<1x128xi32, #tpu.memory_space<vmem>> -> memref<128xi32, #tpu.memory_space<vmem>>
    %dma_start3A_30 = arith.constant 0 : i32
    %dma_start3A_31 = arith.constant 0 : i32
    %dma_start3A_32 = tpu.memref_slice %arg3[%dma_start3A_30, %dma_start3A_31] : memref<1000000x32xf32, #tpu.memory_space<hbm>> -> memref<1000000x32xf32, #tpu.memory_space<hbm>>
    tpu.enqueue_indirect_dma source(%dma_start3A_32 : memref<1000000x32xf32, #tpu.memory_space<hbm>>) target(%arg6 : memref<128x32xf32, #tpu.memory_space<vmem>>) offsets(%dma_start3A_29 : memref<128xi32, #tpu.memory_space<vmem>>) semaphore(%arg9 : memref<!tpu.dma_semaphore, #tpu.memory_space<semaphore_mem>>)
    %scan3A = arith.constant 0 : i32
    %scan3A_33 = arith.constant 100 : i32
    %scan3A_34 = arith.addi %scan3A, %scan3A_33 : i32
    %scan3A_35 = arith.constant 1 : i32
    scf.for %scan3A_37 = %scan3A to %scan3A_34 step %scan3A_35  : i32 {
      %mul3A_38 = arith.constant 1 : i32
      %mul3A_39 = arith.muli %scan3A_37, %mul3A_38 : i32
      %add3A_40 = arith.constant 0 : i32
      %add3A_41 = arith.addi %add3A_40, %mul3A_39 : i32
      %mul3A_42 = arith.constant 2 : i32
      %mul3A_43 = arith.muli %add3A_41, %mul3A_42 : i32
      %add3A_44 = arith.constant 0 : i32
      %add3A_45 = arith.addi %mul3A_43, %add3A_44 : i32
      %add3A_46 = arith.constant 1 : i32
      %add3A_47 = arith.addi %add3A_45, %add3A_46 : i32
      %lt3A = arith.constant 200 : i32
      %lt3A_48 = arith.cmpi slt, %add3A_47, %lt3A : i32
      %convert_element_type3A = arith.extui %lt3A_48 : i1 to i32
      %cond3A = arith.constant 0 : i32
      %cond3A_49 = arith.cmpi ne, %convert_element_type3A, %cond3A : i32
      scf.if %cond3A_49 {
        %add3A_77 = arith.constant 1 : i32
        %add3A_78 = arith.addi %add3A_45, %add3A_77 : i32
        %dma_start3A_79 = arith.constant 0 : i32
        %dma_start3A_80 = tpu.memref_slice %arg5[%add3A_78, %dma_start3A_79] : memref<200x128xi32, #tpu.memory_space<vmem>> -> memref<1x128xi32, #tpu.memory_space<vmem>>
        %dma_start3A_81 = tpu.memref_squeeze %dma_start3A_80 : memref<1x128xi32, #tpu.memory_space<vmem>> -> memref<128xi32, #tpu.memory_space<vmem>>
        %dma_start3A_82 = arith.constant 0 : i32
        %dma_start3A_83 = arith.constant 0 : i32
        %dma_start3A_84 = tpu.memref_slice %arg3[%dma_start3A_82, %dma_start3A_83] : memref<1000000x32xf32, #tpu.memory_space<hbm>> -> memref<1000000x32xf32, #tpu.memory_space<hbm>>
        tpu.enqueue_indirect_dma source(%dma_start3A_84 : memref<1000000x32xf32, #tpu.memory_space<hbm>>) target(%arg7 : memref<128x32xf32, #tpu.memory_space<vmem>>) offsets(%dma_start3A_81 : memref<128xi32, #tpu.memory_space<vmem>>) semaphore(%arg10 : memref<!tpu.dma_semaphore, #tpu.memory_space<semaphore_mem>>)
      } else {
      }
      %dma_wait3A = arith.constant 0 : i32
      %dma_wait3A_50 = tpu.memref_slice %arg5[%add3A_45, %dma_wait3A] : memref<200x128xi32, #tpu.memory_space<vmem>> -> memref<1x128xi32, #tpu.memory_space<vmem>>
      %dma_wait3A_51 = tpu.memref_squeeze %dma_wait3A_50 : memref<1x128xi32, #tpu.memory_space<vmem>> -> memref<128xi32, #tpu.memory_space<vmem>>
      %dma_wait3A_52 = arith.constant 0 : i32
      %dma_wait3A_53 = arith.constant 0 : i32
      %dma_wait3A_54 = tpu.memref_slice %arg3[%dma_wait3A_52, %dma_wait3A_53] : memref<1000000x32xf32, #tpu.memory_space<hbm>> -> memref<1000000x32xf32, #tpu.memory_space<hbm>>
      tpu.wait_indirect_dma semaphore(%arg9 : memref<!tpu.dma_semaphore, #tpu.memory_space<semaphore_mem>>) src(%dma_wait3A_54 : memref<1000000x32xf32, #tpu.memory_space<hbm>>) dst(%arg6 : memref<128x32xf32, #tpu.memory_space<vmem>>)
      %parallel_loop3A = arith.constant 0 : i32
      %parallel_loop3A_55 = arith.constant 32 : i32
      %parallel_loop3A_56 = arith.constant 1 : i32
      scf.for %parallel_loop3A_77 = %parallel_loop3A to %parallel_loop3A_55 step %parallel_loop3A_56  : i32 {
        %parallel_loop3A_78 = arith.constant 0 : i32
        %parallel_loop3A_79 = vector.broadcast %parallel_loop3A_78 : i32 to vector<16xi32>
        %parallel_loop3A_80 = vector.broadcast %parallel_loop3A_77 : i32 to vector<16xi32>
        %parallel_loop3A_81 = arith.addi %parallel_loop3A_79, %parallel_loop3A_80 : vector<16xi32>
        %parallel_loop3A_82 = tpu.vector_load_idx %arg6[%add3A_5, %parallel_loop3A_81] : memref<128x32xf32, #tpu.memory_space<vmem>>[vector<16xi32>, vector<16xi32>], vector<16xf32>,
        %parallel_loop3A_83 = arith.constant 5.65685415 : f32
        %parallel_loop3A_84 = vector.broadcast %parallel_loop3A_83 : f32 to vector<16xf32>
        %parallel_loop3A_85 = arith.mulf %parallel_loop3A_82, %parallel_loop3A_84 : vector<16xf32>
        %parallel_loop3A_86 = arith.constant 3 : i32
        %parallel_loop3A_87 = arith.shrsi %parallel_loop3A_77, %parallel_loop3A_86 : i32
        %parallel_loop3A_88 = arith.constant 7 : i32
        %parallel_loop3A_89 = arith.andi %parallel_loop3A_77, %parallel_loop3A_88 : i32
        %parallel_loop3A_90 = arith.index_cast %parallel_loop3A_87 : i32 to index
        %parallel_loop3A_91 = arith.index_cast %parallel_loop3A_89 : i32 to index
        %parallel_loop3A_92 = arith.constant 0 : index
        %parallel_loop3A_93 = tpu.vector_load %arg8[%parallel_loop3A_90, %parallel_loop3A_91, %parallel_loop3A_92] {strides = array<i32>} : memref<4x8x128xf32, #tpu.memory_space<vmem>>, vector<16xf32>,
        tpu.vector_store %arg8[%parallel_loop3A_90, %parallel_loop3A_91, %parallel_loop3A_92], %parallel_loop3A_85 {strides = array<i32>} : memref<4x8x128xf32, #tpu.memory_space<vmem>>, vector<16xf32>,
        %parallel_loop3A_94 = tpu.vector_load_idx %arg6[%add3A_8, %parallel_loop3A_81] : memref<128x32xf32, #tpu.memory_space<vmem>>[vector<16xi32>, vector<16xi32>], vector<16xf32>,
        %parallel_loop3A_95 = arith.constant 5.65685415 : f32
        %parallel_loop3A_96 = vector.broadcast %parallel_loop3A_95 : f32 to vector<16xf32>
        %parallel_loop3A_97 = arith.mulf %parallel_loop3A_94, %parallel_loop3A_96 : vector<16xf32>
        %parallel_loop3A_98 = arith.constant 3 : i32
        %parallel_loop3A_99 = arith.shrsi %parallel_loop3A_77, %parallel_loop3A_98 : i32
        %parallel_loop3A_100 = arith.constant 7 : i32
        %parallel_loop3A_101 = arith.andi %parallel_loop3A_77, %parallel_loop3A_100 : i32
        %parallel_loop3A_102 = arith.index_cast %parallel_loop3A_99 : i32 to index
        %parallel_loop3A_103 = arith.index_cast %parallel_loop3A_101 : i32 to index
        %parallel_loop3A_104 = arith.constant 16 : index
        %parallel_loop3A_105 = tpu.vector_load %arg8[%parallel_loop3A_102, %parallel_loop3A_103, %parallel_loop3A_104] {strides = array<i32>} : memref<4x8x128xf32, #tpu.memory_space<vmem>>, vector<16xf32>,
        tpu.vector_store %arg8[%parallel_loop3A_102, %parallel_loop3A_103, %parallel_loop3A_104], %parallel_loop3A_97 {strides = array<i32>} : memref<4x8x128xf32, #tpu.memory_space<vmem>>, vector<16xf32>,
        %parallel_loop3A_106 = tpu.vector_load_idx %arg6[%add3A_11, %parallel_loop3A_81] : memref<128x32xf32, #tpu.memory_space<vmem>>[vector<16xi32>, vector<16xi32>], vector<16xf32>,
        %parallel_loop3A_107 = arith.constant 5.65685415 : f32
        %parallel_loop3A_108 = vector.broadcast %parallel_loop3A_107 : f32 to vector<16xf32>
        %parallel_loop3A_109 = arith.mulf %parallel_loop3A_106, %parallel_loop3A_108 : vector<16xf32>
        %parallel_loop3A_110 = arith.constant 3 : i32
        %parallel_loop3A_111 = arith.shrsi %parallel_loop3A_77, %parallel_loop3A_110 : i32
        %parallel_loop3A_112 = arith.constant 7 : i32
        %parallel_loop3A_113 = arith.andi %parallel_loop3A_77, %parallel_loop3A_112 : i32
        %parallel_loop3A_114 = arith.index_cast %parallel_loop3A_111 : i32 to index
        %parallel_loop3A_115 = arith.index_cast %parallel_loop3A_113 : i32 to index
        %parallel_loop3A_116 = arith.constant 32 : index
        %parallel_loop3A_117 = tpu.vector_load %arg8[%parallel_loop3A_114, %parallel_loop3A_115, %parallel_loop3A_116] {strides = array<i32>} : memref<4x8x128xf32, #tpu.memory_space<vmem>>, vector<16xf32>,
        tpu.vector_store %arg8[%parallel_loop3A_114, %parallel_loop3A_115, %parallel_loop3A_116], %parallel_loop3A_109 {strides = array<i32>} : memref<4x8x128xf32, #tpu.memory_space<vmem>>, vector<16xf32>,
        %parallel_loop3A_118 = tpu.vector_load_idx %arg6[%add3A_14, %parallel_loop3A_81] : memref<128x32xf32, #tpu.memory_space<vmem>>[vector<16xi32>, vector<16xi32>], vector<16xf32>,
        %parallel_loop3A_119 = arith.constant 5.65685415 : f32
        %parallel_loop3A_120 = vector.broadcast %parallel_loop3A_119 : f32 to vector<16xf32>
        %parallel_loop3A_121 = arith.mulf %parallel_loop3A_118, %parallel_loop3A_120 : vector<16xf32>
        %parallel_loop3A_122 = arith.constant 3 : i32
        %parallel_loop3A_123 = arith.shrsi %parallel_loop3A_77, %parallel_loop3A_122 : i32
        %parallel_loop3A_124 = arith.constant 7 : i32
        %parallel_loop3A_125 = arith.andi %parallel_loop3A_77, %parallel_loop3A_124 : i32
        %parallel_loop3A_126 = arith.index_cast %parallel_loop3A_123 : i32 to index
        %parallel_loop3A_127 = arith.index_cast %parallel_loop3A_125 : i32 to index
        %parallel_loop3A_128 = arith.constant 48 : index
        %parallel_loop3A_129 = tpu.vector_load %arg8[%parallel_loop3A_126, %parallel_loop3A_127, %parallel_loop3A_128] {strides = array<i32>} : memref<4x8x128xf32, #tpu.memory_space<vmem>>, vector<16xf32>,
        tpu.vector_store %arg8[%parallel_loop3A_126, %parallel_loop3A_127, %parallel_loop3A_128], %parallel_loop3A_121 {strides = array<i32>} : memref<4x8x128xf32, #tpu.memory_space<vmem>>, vector<16xf32>,
        %parallel_loop3A_130 = tpu.vector_load_idx %arg6[%add3A_17, %parallel_loop3A_81] : memref<128x32xf32, #tpu.memory_space<vmem>>[vector<16xi32>, vector<16xi32>], vector<16xf32>,
        %parallel_loop3A_131 = arith.constant 5.65685415 : f32
        %parallel_loop3A_132 = vector.broadcast %parallel_loop3A_131 : f32 to vector<16xf32>
        %parallel_loop3A_133 = arith.mulf %parallel_loop3A_130, %parallel_loop3A_132 : vector<16xf32>
        %parallel_loop3A_134 = arith.constant 3 : i32
        %parallel_loop3A_135 = arith.shrsi %parallel_loop3A_77, %parallel_loop3A_134 : i32
        %parallel_loop3A_136 = arith.constant 7 : i32
        %parallel_loop3A_137 = arith.andi %parallel_loop3A_77, %parallel_loop3A_136 : i32
        %parallel_loop3A_138 = arith.index_cast %parallel_loop3A_135 : i32 to index
        %parallel_loop3A_139 = arith.index_cast %parallel_loop3A_137 : i32 to index
        %parallel_loop3A_140 = arith.constant 64 : index
        %parallel_loop3A_141 = tpu.vector_load %arg8[%parallel_loop3A_138, %parallel_loop3A_139, %parallel_loop3A_140] {strides = array<i32>} : memref<4x8x128xf32, #tpu.memory_space<vmem>>, vector<16xf32>,
        tpu.vector_store %arg8[%parallel_loop3A_138, %parallel_loop3A_139, %parallel_loop3A_140], %parallel_loop3A_133 {strides = array<i32>} : memref<4x8x128xf32, #tpu.memory_space<vmem>>, vector<16xf32>,
        %parallel_loop3A_142 = tpu.vector_load_idx %arg6[%add3A_20, %parallel_loop3A_81] : memref<128x32xf32, #tpu.memory_space<vmem>>[vector<16xi32>, vector<16xi32>], vector<16xf32>,
        %parallel_loop3A_143 = arith.constant 5.65685415 : f32
        %parallel_loop3A_144 = vector.broadcast %parallel_loop3A_143 : f32 to vector<16xf32>
        %parallel_loop3A_145 = arith.mulf %parallel_loop3A_142, %parallel_loop3A_144 : vector<16xf32>
        %parallel_loop3A_146 = arith.constant 3 : i32
        %parallel_loop3A_147 = arith.shrsi %parallel_loop3A_77, %parallel_loop3A_146 : i32
        %parallel_loop3A_148 = arith.constant 7 : i32
        %parallel_loop3A_149 = arith.andi %parallel_loop3A_77, %parallel_loop3A_148 : i32
        %parallel_loop3A_150 = arith.index_cast %parallel_loop3A_147 : i32 to index
        %parallel_loop3A_151 = arith.index_cast %parallel_loop3A_149 : i32 to index
        %parallel_loop3A_152 = arith.constant 80 : index
        %parallel_loop3A_153 = tpu.vector_load %arg8[%parallel_loop3A_150, %parallel_loop3A_151, %parallel_loop3A_152] {strides = array<i32>} : memref<4x8x128xf32, #tpu.memory_space<vmem>>, vector<16xf32>,
        tpu.vector_store %arg8[%parallel_loop3A_150, %parallel_loop3A_151, %parallel_loop3A_152], %parallel_loop3A_145 {strides = array<i32>} : memref<4x8x128xf32, #tpu.memory_space<vmem>>, vector<16xf32>,
        %parallel_loop3A_154 = tpu.vector_load_idx %arg6[%add3A_23, %parallel_loop3A_81] : memref<128x32xf32, #tpu.memory_space<vmem>>[vector<16xi32>, vector<16xi32>], vector<16xf32>,
        %parallel_loop3A_155 = arith.constant 5.65685415 : f32
        %parallel_loop3A_156 = vector.broadcast %parallel_loop3A_155 : f32 to vector<16xf32>
        %parallel_loop3A_157 = arith.mulf %parallel_loop3A_154, %parallel_loop3A_156 : vector<16xf32>
        %parallel_loop3A_158 = arith.constant 3 : i32
        %parallel_loop3A_159 = arith.shrsi %parallel_loop3A_77, %parallel_loop3A_158 : i32
        %parallel_loop3A_160 = arith.constant 7 : i32
        %parallel_loop3A_161 = arith.andi %parallel_loop3A_77, %parallel_loop3A_160 : i32
        %parallel_loop3A_162 = arith.index_cast %parallel_loop3A_159 : i32 to index
        %parallel_loop3A_163 = arith.index_cast %parallel_loop3A_161 : i32 to index
        %parallel_loop3A_164 = arith.constant 96 : index
        %parallel_loop3A_165 = tpu.vector_load %arg8[%parallel_loop3A_162, %parallel_loop3A_163, %parallel_loop3A_164] {strides = array<i32>} : memref<4x8x128xf32, #tpu.memory_space<vmem>>, vector<16xf32>,
        tpu.vector_store %arg8[%parallel_loop3A_162, %parallel_loop3A_163, %parallel_loop3A_164], %parallel_loop3A_157 {strides = array<i32>} : memref<4x8x128xf32, #tpu.memory_space<vmem>>, vector<16xf32>,
        %parallel_loop3A_166 = tpu.vector_load_idx %arg6[%add3A_26, %parallel_loop3A_81] : memref<128x32xf32, #tpu.memory_space<vmem>>[vector<16xi32>, vector<16xi32>], vector<16xf32>,
        %parallel_loop3A_167 = arith.constant 5.65685415 : f32
        %parallel_loop3A_168 = vector.broadcast %parallel_loop3A_167 : f32 to vector<16xf32>
        %parallel_loop3A_169 = arith.mulf %parallel_loop3A_166, %parallel_loop3A_168 : vector<16xf32>
        %parallel_loop3A_170 = arith.constant 3 : i32
        %parallel_loop3A_171 = arith.shrsi %parallel_loop3A_77, %parallel_loop3A_170 : i32
        %parallel_loop3A_172 = arith.constant 7 : i32
        %parallel_loop3A_173 = arith.andi %parallel_loop3A_77, %parallel_loop3A_172 : i32
        %parallel_loop3A_174 = arith.index_cast %parallel_loop3A_171 : i32 to index
        %parallel_loop3A_175 = arith.index_cast %parallel_loop3A_173 : i32 to index
        %parallel_loop3A_176 = arith.constant 112 : index
        %parallel_loop3A_177 = tpu.vector_load %arg8[%parallel_loop3A_174, %parallel_loop3A_175, %parallel_loop3A_176] {strides = array<i32>} : memref<4x8x128xf32, #tpu.memory_space<vmem>>, vector<16xf32>,
        tpu.vector_store %arg8[%parallel_loop3A_174, %parallel_loop3A_175, %parallel_loop3A_176], %parallel_loop3A_169 {strides = array<i32>} : memref<4x8x128xf32, #tpu.memory_space<vmem>>, vector<16xf32>,
      } {sc.loop_unroll_factor = 4 : i64, sc.parallel_access}
      "tpu.region"() ({
        %run_scoped3A = tpu.sem_alloc : memref<!tpu.dma_semaphore, #tpu.memory_space<semaphore_mem>>
        %dma_start3A_77 = arith.constant 0 : i32
        %dma_start3A_78 = arith.constant 0 : i32
        %dma_start3A_79 = arith.constant 0 : i32
        %dma_start3A_80 = tpu.memref_slice %arg4[%add3A_45, %dma_start3A_77, %add3A, %dma_start3A_78, %dma_start3A_79] : memref<200x4x32x8x128xf32, #tpu.memory_space<hbm>> -> memref<1x4x1x8x128xf32, #tpu.memory_space<hbm>>
        %dma_start3A_81 = tpu.memref_squeeze %dma_start3A_80 : memref<1x4x1x8x128xf32, #tpu.memory_space<hbm>> -> memref<4x8x128xf32, #tpu.memory_space<hbm>>
        %dma_start3A_82 = arith.constant 0 : i32
        %dma_start3A_83 = arith.constant 0 : i32
        %dma_start3A_84 = arith.constant 0 : i32
        %dma_start3A_85 = tpu.memref_slice %arg4[%add3A_45, %dma_start3A_82, %add3A, %dma_start3A_83, %dma_start3A_84] : memref<200x4x32x8x128xf32, #tpu.memory_space<hbm>> -> memref<1x4x1x8x128xf32, #tpu.memory_space<hbm>>
        %dma_start3A_86 = tpu.memref_squeeze %dma_start3A_85 : memref<1x4x1x8x128xf32, #tpu.memory_space<hbm>> -> memref<4x8x128xf32, #tpu.memory_space<hbm>>
        tpu.enqueue_dma source(%arg8 : memref<4x8x128xf32, #tpu.memory_space<vmem>>) target(%dma_start3A_86 : memref<4x8x128xf32, #tpu.memory_space<hbm>>) target_semaphore(%run_scoped3A : memref<!tpu.dma_semaphore, #tpu.memory_space<semaphore_mem>>)
        %dma_wait3A_87 = arith.constant 0 : i32
        %dma_wait3A_88 = arith.constant 0 : i32
        %dma_wait3A_89 = arith.constant 0 : i32
        %dma_wait3A_90 = tpu.memref_slice %arg4[%add3A_45, %dma_wait3A_87, %add3A, %dma_wait3A_88, %dma_wait3A_89] : memref<200x4x32x8x128xf32, #tpu.memory_space<hbm>> -> memref<1x4x1x8x128xf32, #tpu.memory_space<hbm>>
        %dma_wait3A_91 = tpu.memref_squeeze %dma_wait3A_90 : memref<1x4x1x8x128xf32, #tpu.memory_space<hbm>> -> memref<4x8x128xf32, #tpu.memory_space<hbm>>
        %dma_wait3A_92 = arith.constant 0 : i32
        %dma_wait3A_93 = arith.constant 0 : i32
        %dma_wait3A_94 = arith.constant 0 : i32
        %dma_wait3A_95 = tpu.memref_slice %arg4[%add3A_45, %dma_wait3A_92, %add3A, %dma_wait3A_93, %dma_wait3A_94] : memref<200x4x32x8x128xf32, #tpu.memory_space<hbm>> -> memref<1x4x1x8x128xf32, #tpu.memory_space<hbm>>
        %dma_wait3A_96 = tpu.memref_squeeze %dma_wait3A_95 : memref<1x4x1x8x128xf32, #tpu.memory_space<hbm>> -> memref<4x8x128xf32, #tpu.memory_space<hbm>>
        tpu.wait_dma2 semaphore(%run_scoped3A : memref<!tpu.dma_semaphore, #tpu.memory_space<semaphore_mem>>) src(%arg8 : memref<4x8x128xf32, #tpu.memory_space<vmem>>) dst(%dma_wait3A_96 : memref<4x8x128xf32, #tpu.memory_space<hbm>>)
        tpu.yield
      }) : () -> ()
      %mul3A_57 = arith.constant 2 : i32
      %mul3A_58 = arith.muli %add3A_41, %mul3A_57 : i32
      %add3A_59 = arith.constant 1 : i32
      %add3A_60 = arith.addi %mul3A_58, %add3A_59 : i32
      %add3A_61 = arith.constant 1 : i32
      %add3A_62 = arith.addi %add3A_60, %add3A_61 : i32
      %lt3A_63 = arith.constant 200 : i32
      %lt3A_64 = arith.cmpi slt, %add3A_62, %lt3A_63 : i32
      %convert_element_type3A_65 = arith.extui %lt3A_64 : i1 to i32
      %cond3A_66 = arith.constant 0 : i32
      %cond3A_67 = arith.cmpi ne, %convert_element_type3A_65, %cond3A_66 : i32
      scf.if %cond3A_67 {
        %add3A_77 = arith.constant 1 : i32
        %add3A_78 = arith.addi %add3A_60, %add3A_77 : i32
        %dma_start3A_79 = arith.constant 0 : i32
        %dma_start3A_80 = tpu.memref_slice %arg5[%add3A_78, %dma_start3A_79] : memref<200x128xi32, #tpu.memory_space<vmem>> -> memref<1x128xi32, #tpu.memory_space<vmem>>
        %dma_start3A_81 = tpu.memref_squeeze %dma_start3A_80 : memref<1x128xi32, #tpu.memory_space<vmem>> -> memref<128xi32, #tpu.memory_space<vmem>>
        %dma_start3A_82 = arith.constant 0 : i32
        %dma_start3A_83 = arith.constant 0 : i32
        %dma_start3A_84 = tpu.memref_slice %arg3[%dma_start3A_82, %dma_start3A_83] : memref<1000000x32xf32, #tpu.memory_space<hbm>> -> memref<1000000x32xf32, #tpu.memory_space<hbm>>
        tpu.enqueue_indirect_dma source(%dma_start3A_84 : memref<1000000x32xf32, #tpu.memory_space<hbm>>) target(%arg6 : memref<128x32xf32, #tpu.memory_space<vmem>>) offsets(%dma_start3A_81 : memref<128xi32, #tpu.memory_space<vmem>>) semaphore(%arg9 : memref<!tpu.dma_semaphore, #tpu.memory_space<semaphore_mem>>)
      } else {
      }
      %dma_wait3A_68 = arith.constant 0 : i32
      %dma_wait3A_69 = tpu.memref_slice %arg5[%add3A_60, %dma_wait3A_68] : memref<200x128xi32, #tpu.memory_space<vmem>> -> memref<1x128xi32, #tpu.memory_space<vmem>>
      %dma_wait3A_70 = tpu.memref_squeeze %dma_wait3A_69 : memref<1x128xi32, #tpu.memory_space<vmem>> -> memref<128xi32, #tpu.memory_space<vmem>>
      %dma_wait3A_71 = arith.constant 0 : i32
      %dma_wait3A_72 = arith.constant 0 : i32
      %dma_wait3A_73 = tpu.memref_slice %arg3[%dma_wait3A_71, %dma_wait3A_72] : memref<1000000x32xf32, #tpu.memory_space<hbm>> -> memref<1000000x32xf32, #tpu.memory_space<hbm>>
      tpu.wait_indirect_dma semaphore(%arg10 : memref<!tpu.dma_semaphore, #tpu.memory_space<semaphore_mem>>) src(%dma_wait3A_73 : memref<1000000x32xf32, #tpu.memory_space<hbm>>) dst(%arg7 : memref<128x32xf32, #tpu.memory_space<vmem>>)
      %parallel_loop3A_74 = arith.constant 0 : i32
      %parallel_loop3A_75 = arith.constant 32 : i32
      %parallel_loop3A_76 = arith.constant 1 : i32
      scf.for %parallel_loop3A_77 = %parallel_loop3A_74 to %parallel_loop3A_75 step %parallel_loop3A_76  : i32 {
        %parallel_loop3A_78 = arith.constant 0 : i32
        %parallel_loop3A_79 = vector.broadcast %parallel_loop3A_78 : i32 to vector<16xi32>
        %parallel_loop3A_80 = vector.broadcast %parallel_loop3A_77 : i32 to vector<16xi32>
        %parallel_loop3A_81 = arith.addi %parallel_loop3A_79, %parallel_loop3A_80 : vector<16xi32>
        %parallel_loop3A_82 = tpu.vector_load_idx %arg7[%add3A_5, %parallel_loop3A_81] : memref<128x32xf32, #tpu.memory_space<vmem>>[vector<16xi32>, vector<16xi32>], vector<16xf32>,
        %parallel_loop3A_83 = arith.constant 5.65685415 : f32
        %parallel_loop3A_84 = vector.broadcast %parallel_loop3A_83 : f32 to vector<16xf32>
        %parallel_loop3A_85 = arith.mulf %parallel_loop3A_82, %parallel_loop3A_84 : vector<16xf32>
        %parallel_loop3A_86 = arith.constant 3 : i32
        %parallel_loop3A_87 = arith.shrsi %parallel_loop3A_77, %parallel_loop3A_86 : i32
        %parallel_loop3A_88 = arith.constant 7 : i32
        %parallel_loop3A_89 = arith.andi %parallel_loop3A_77, %parallel_loop3A_88 : i32
        %parallel_loop3A_90 = arith.index_cast %parallel_loop3A_87 : i32 to index
        %parallel_loop3A_91 = arith.index_cast %parallel_loop3A_89 : i32 to index
        %parallel_loop3A_92 = arith.constant 0 : index
        %parallel_loop3A_93 = tpu.vector_load %arg8[%parallel_loop3A_90, %parallel_loop3A_91, %parallel_loop3A_92] {strides = array<i32>} : memref<4x8x128xf32, #tpu.memory_space<vmem>>, vector<16xf32>,
        tpu.vector_store %arg8[%parallel_loop3A_90, %parallel_loop3A_91, %parallel_loop3A_92], %parallel_loop3A_85 {strides = array<i32>} : memref<4x8x128xf32, #tpu.memory_space<vmem>>, vector<16xf32>,
        %parallel_loop3A_94 = tpu.vector_load_idx %arg7[%add3A_8, %parallel_loop3A_81] : memref<128x32xf32, #tpu.memory_space<vmem>>[vector<16xi32>, vector<16xi32>], vector<16xf32>,
        %parallel_loop3A_95 = arith.constant 5.65685415 : f32
        %parallel_loop3A_96 = vector.broadcast %parallel_loop3A_95 : f32 to vector<16xf32>
        %parallel_loop3A_97 = arith.mulf %parallel_loop3A_94, %parallel_loop3A_96 : vector<16xf32>
        %parallel_loop3A_98 = arith.constant 3 : i32
        %parallel_loop3A_99 = arith.shrsi %parallel_loop3A_77, %parallel_loop3A_98 : i32
        %parallel_loop3A_100 = arith.constant 7 : i32
        %parallel_loop3A_101 = arith.andi %parallel_loop3A_77, %parallel_loop3A_100 : i32
        %parallel_loop3A_102 = arith.index_cast %parallel_loop3A_99 : i32 to index
        %parallel_loop3A_103 = arith.index_cast %parallel_loop3A_101 : i32 to index
        %parallel_loop3A_104 = arith.constant 16 : index
        %parallel_loop3A_105 = tpu.vector_load %arg8[%parallel_loop3A_102, %parallel_loop3A_103, %parallel_loop3A_104] {strides = array<i32>} : memref<4x8x128xf32, #tpu.memory_space<vmem>>, vector<16xf32>,
        tpu.vector_store %arg8[%parallel_loop3A_102, %parallel_loop3A_103, %parallel_loop3A_104], %parallel_loop3A_97 {strides = array<i32>} : memref<4x8x128xf32, #tpu.memory_space<vmem>>, vector<16xf32>,
        %parallel_loop3A_106 = tpu.vector_load_idx %arg7[%add3A_11, %parallel_loop3A_81] : memref<128x32xf32, #tpu.memory_space<vmem>>[vector<16xi32>, vector<16xi32>], vector<16xf32>,
        %parallel_loop3A_107 = arith.constant 5.65685415 : f32
        %parallel_loop3A_108 = vector.broadcast %parallel_loop3A_107 : f32 to vector<16xf32>
        %parallel_loop3A_109 = arith.mulf %parallel_loop3A_106, %parallel_loop3A_108 : vector<16xf32>
        %parallel_loop3A_110 = arith.constant 3 : i32
        %parallel_loop3A_111 = arith.shrsi %parallel_loop3A_77, %parallel_loop3A_110 : i32
        %parallel_loop3A_112 = arith.constant 7 : i32
        %parallel_loop3A_113 = arith.andi %parallel_loop3A_77, %parallel_loop3A_112 : i32
        %parallel_loop3A_114 = arith.index_cast %parallel_loop3A_111 : i32 to index
        %parallel_loop3A_115 = arith.index_cast %parallel_loop3A_113 : i32 to index
        %parallel_loop3A_116 = arith.constant 32 : index
        %parallel_loop3A_117 = tpu.vector_load %arg8[%parallel_loop3A_114, %parallel_loop3A_115, %parallel_loop3A_116] {strides = array<i32>} : memref<4x8x128xf32, #tpu.memory_space<vmem>>, vector<16xf32>,
        tpu.vector_store %arg8[%parallel_loop3A_114, %parallel_loop3A_115, %parallel_loop3A_116], %parallel_loop3A_109 {strides = array<i32>} : memref<4x8x128xf32, #tpu.memory_space<vmem>>, vector<16xf32>,
        %parallel_loop3A_118 = tpu.vector_load_idx %arg7[%add3A_14, %parallel_loop3A_81] : memref<128x32xf32, #tpu.memory_space<vmem>>[vector<16xi32>, vector<16xi32>], vector<16xf32>,
        %parallel_loop3A_119 = arith.constant 5.65685415 : f32
        %parallel_loop3A_120 = vector.broadcast %parallel_loop3A_119 : f32 to vector<16xf32>
        %parallel_loop3A_121 = arith.mulf %parallel_loop3A_118, %parallel_loop3A_120 : vector<16xf32>
        %parallel_loop3A_122 = arith.constant 3 : i32
        %parallel_loop3A_123 = arith.shrsi %parallel_loop3A_77, %parallel_loop3A_122 : i32
        %parallel_loop3A_124 = arith.constant 7 : i32
        %parallel_loop3A_125 = arith.andi %parallel_loop3A_77, %parallel_loop3A_124 : i32
        %parallel_loop3A_126 = arith.index_cast %parallel_loop3A_123 : i32 to index
        %parallel_loop3A_127 = arith.index_cast %parallel_loop3A_125 : i32 to index
        %parallel_loop3A_128 = arith.constant 48 : index
        %parallel_loop3A_129 = tpu.vector_load %arg8[%parallel_loop3A_126, %parallel_loop3A_127, %parallel_loop3A_128] {strides = array<i32>} : memref<4x8x128xf32, #tpu.memory_space<vmem>>, vector<16xf32>,
        tpu.vector_store %arg8[%parallel_loop3A_126, %parallel_loop3A_127, %parallel_loop3A_128], %parallel_loop3A_121 {strides = array<i32>} : memref<4x8x128xf32, #tpu.memory_space<vmem>>, vector<16xf32>,
        %parallel_loop3A_130 = tpu.vector_load_idx %arg7[%add3A_17, %parallel_loop3A_81] : memref<128x32xf32, #tpu.memory_space<vmem>>[vector<16xi32>, vector<16xi32>], vector<16xf32>,
        %parallel_loop3A_131 = arith.constant 5.65685415 : f32
        %parallel_loop3A_132 = vector.broadcast %parallel_loop3A_131 : f32 to vector<16xf32>
        %parallel_loop3A_133 = arith.mulf %parallel_loop3A_130, %parallel_loop3A_132 : vector<16xf32>
        %parallel_loop3A_134 = arith.constant 3 : i32
        %parallel_loop3A_135 = arith.shrsi %parallel_loop3A_77, %parallel_loop3A_134 : i32
        %parallel_loop3A_136 = arith.constant 7 : i32
        %parallel_loop3A_137 = arith.andi %parallel_loop3A_77, %parallel_loop3A_136 : i32
        %parallel_loop3A_138 = arith.index_cast %parallel_loop3A_135 : i32 to index
        %parallel_loop3A_139 = arith.index_cast %parallel_loop3A_137 : i32 to index
        %parallel_loop3A_140 = arith.constant 64 : index
        %parallel_loop3A_141 = tpu.vector_load %arg8[%parallel_loop3A_138, %parallel_loop3A_139, %parallel_loop3A_140] {strides = array<i32>} : memref<4x8x128xf32, #tpu.memory_space<vmem>>, vector<16xf32>,
        tpu.vector_store %arg8[%parallel_loop3A_138, %parallel_loop3A_139, %parallel_loop3A_140], %parallel_loop3A_133 {strides = array<i32>} : memref<4x8x128xf32, #tpu.memory_space<vmem>>, vector<16xf32>,
        %parallel_loop3A_142 = tpu.vector_load_idx %arg7[%add3A_20, %parallel_loop3A_81] : memref<128x32xf32, #tpu.memory_space<vmem>>[vector<16xi32>, vector<16xi32>], vector<16xf32>,
        %parallel_loop3A_143 = arith.constant 5.65685415 : f32
        %parallel_loop3A_144 = vector.broadcast %parallel_loop3A_143 : f32 to vector<16xf32>
        %parallel_loop3A_145 = arith.mulf %parallel_loop3A_142, %parallel_loop3A_144 : vector<16xf32>
        %parallel_loop3A_146 = arith.constant 3 : i32
        %parallel_loop3A_147 = arith.shrsi %parallel_loop3A_77, %parallel_loop3A_146 : i32
        %parallel_loop3A_148 = arith.constant 7 : i32
        %parallel_loop3A_149 = arith.andi %parallel_loop3A_77, %parallel_loop3A_148 : i32
        %parallel_loop3A_150 = arith.index_cast %parallel_loop3A_147 : i32 to index
        %parallel_loop3A_151 = arith.index_cast %parallel_loop3A_149 : i32 to index
        %parallel_loop3A_152 = arith.constant 80 : index
        %parallel_loop3A_153 = tpu.vector_load %arg8[%parallel_loop3A_150, %parallel_loop3A_151, %parallel_loop3A_152] {strides = array<i32>} : memref<4x8x128xf32, #tpu.memory_space<vmem>>, vector<16xf32>,
        tpu.vector_store %arg8[%parallel_loop3A_150, %parallel_loop3A_151, %parallel_loop3A_152], %parallel_loop3A_145 {strides = array<i32>} : memref<4x8x128xf32, #tpu.memory_space<vmem>>, vector<16xf32>,
        %parallel_loop3A_154 = tpu.vector_load_idx %arg7[%add3A_23, %parallel_loop3A_81] : memref<128x32xf32, #tpu.memory_space<vmem>>[vector<16xi32>, vector<16xi32>], vector<16xf32>,
        %parallel_loop3A_155 = arith.constant 5.65685415 : f32
        %parallel_loop3A_156 = vector.broadcast %parallel_loop3A_155 : f32 to vector<16xf32>
        %parallel_loop3A_157 = arith.mulf %parallel_loop3A_154, %parallel_loop3A_156 : vector<16xf32>
        %parallel_loop3A_158 = arith.constant 3 : i32
        %parallel_loop3A_159 = arith.shrsi %parallel_loop3A_77, %parallel_loop3A_158 : i32
        %parallel_loop3A_160 = arith.constant 7 : i32
        %parallel_loop3A_161 = arith.andi %parallel_loop3A_77, %parallel_loop3A_160 : i32
        %parallel_loop3A_162 = arith.index_cast %parallel_loop3A_159 : i32 to index
        %parallel_loop3A_163 = arith.index_cast %parallel_loop3A_161 : i32 to index
        %parallel_loop3A_164 = arith.constant 96 : index
        %parallel_loop3A_165 = tpu.vector_load %arg8[%parallel_loop3A_162, %parallel_loop3A_163, %parallel_loop3A_164] {strides = array<i32>} : memref<4x8x128xf32, #tpu.memory_space<vmem>>, vector<16xf32>,
        tpu.vector_store %arg8[%parallel_loop3A_162, %parallel_loop3A_163, %parallel_loop3A_164], %parallel_loop3A_157 {strides = array<i32>} : memref<4x8x128xf32, #tpu.memory_space<vmem>>, vector<16xf32>,
        %parallel_loop3A_166 = tpu.vector_load_idx %arg7[%add3A_26, %parallel_loop3A_81] : memref<128x32xf32, #tpu.memory_space<vmem>>[vector<16xi32>, vector<16xi32>], vector<16xf32>,
        %parallel_loop3A_167 = arith.constant 5.65685415 : f32
        %parallel_loop3A_168 = vector.broadcast %parallel_loop3A_167 : f32 to vector<16xf32>
        %parallel_loop3A_169 = arith.mulf %parallel_loop3A_166, %parallel_loop3A_168 : vector<16xf32>
        %parallel_loop3A_170 = arith.constant 3 : i32
        %parallel_loop3A_171 = arith.shrsi %parallel_loop3A_77, %parallel_loop3A_170 : i32
        %parallel_loop3A_172 = arith.constant 7 : i32
        %parallel_loop3A_173 = arith.andi %parallel_loop3A_77, %parallel_loop3A_172 : i32
        %parallel_loop3A_174 = arith.index_cast %parallel_loop3A_171 : i32 to index
        %parallel_loop3A_175 = arith.index_cast %parallel_loop3A_173 : i32 to index
        %parallel_loop3A_176 = arith.constant 112 : index
        %parallel_loop3A_177 = tpu.vector_load %arg8[%parallel_loop3A_174, %parallel_loop3A_175, %parallel_loop3A_176] {strides = array<i32>} : memref<4x8x128xf32, #tpu.memory_space<vmem>>, vector<16xf32>,
        tpu.vector_store %arg8[%parallel_loop3A_174, %parallel_loop3A_175, %parallel_loop3A_176], %parallel_loop3A_169 {strides = array<i32>} : memref<4x8x128xf32, #tpu.memory_space<vmem>>, vector<16xf32>,
      } {sc.loop_unroll_factor = 4 : i64, sc.parallel_access}
      "tpu.region"() ({
        %run_scoped3A = tpu.sem_alloc : memref<!tpu.dma_semaphore, #tpu.memory_space<semaphore_mem>>
        %dma_start3A_77 = arith.constant 0 : i32
        %dma_start3A_78 = arith.constant 0 : i32
        %dma_start3A_79 = arith.constant 0 : i32
        %dma_start3A_80 = tpu.memref_slice %arg4[%add3A_60, %dma_start3A_77, %add3A, %dma_start3A_78, %dma_start3A_79] : memref<200x4x32x8x128xf32, #tpu.memory_space<hbm>> -> memref<1x4x1x8x128xf32, #tpu.memory_space<hbm>>
        %dma_start3A_81 = tpu.memref_squeeze %dma_start3A_80 : memref<1x4x1x8x128xf32, #tpu.memory_space<hbm>> -> memref<4x8x128xf32, #tpu.memory_space<hbm>>
        %dma_start3A_82 = arith.constant 0 : i32
        %dma_start3A_83 = arith.constant 0 : i32
        %dma_start3A_84 = arith.constant 0 : i32
        %dma_start3A_85 = tpu.memref_slice %arg4[%add3A_60, %dma_start3A_82, %add3A, %dma_start3A_83, %dma_start3A_84] : memref<200x4x32x8x128xf32, #tpu.memory_space<hbm>> -> memref<1x4x1x8x128xf32, #tpu.memory_space<hbm>>
        %dma_start3A_86 = tpu.memref_squeeze %dma_start3A_85 : memref<1x4x1x8x128xf32, #tpu.memory_space<hbm>> -> memref<4x8x128xf32, #tpu.memory_space<hbm>>
        tpu.enqueue_dma source(%arg8 : memref<4x8x128xf32, #tpu.memory_space<vmem>>) target(%dma_start3A_86 : memref<4x8x128xf32, #tpu.memory_space<hbm>>) target_semaphore(%run_scoped3A : memref<!tpu.dma_semaphore, #tpu.memory_space<semaphore_mem>>)
        %dma_wait3A_87 = arith.constant 0 : i32
        %dma_wait3A_88 = arith.constant 0 : i32
        %dma_wait3A_89 = arith.constant 0 : i32
        %dma_wait3A_90 = tpu.memref_slice %arg4[%add3A_60, %dma_wait3A_87, %add3A, %dma_wait3A_88, %dma_wait3A_89] : memref<200x4x32x8x128xf32, #tpu.memory_space<hbm>> -> memref<1x4x1x8x128xf32, #tpu.memory_space<hbm>>
        %dma_wait3A_91 = tpu.memref_squeeze %dma_wait3A_90 : memref<1x4x1x8x128xf32, #tpu.memory_space<hbm>> -> memref<4x8x128xf32, #tpu.memory_space<hbm>>
        %dma_wait3A_92 = arith.constant 0 : i32
        %dma_wait3A_93 = arith.constant 0 : i32
        %dma_wait3A_94 = arith.constant 0 : i32
        %dma_wait3A_95 = tpu.memref_slice %arg4[%add3A_60, %dma_wait3A_92, %add3A, %dma_wait3A_93, %dma_wait3A_94] : memref<200x4x32x8x128xf32, #tpu.memory_space<hbm>> -> memref<1x4x1x8x128xf32, #tpu.memory_space<hbm>>
        %dma_wait3A_96 = tpu.memref_squeeze %dma_wait3A_95 : memref<1x4x1x8x128xf32, #tpu.memory_space<hbm>> -> memref<4x8x128xf32, #tpu.memory_space<hbm>>
        tpu.wait_dma2 semaphore(%run_scoped3A : memref<!tpu.dma_semaphore, #tpu.memory_space<semaphore_mem>>) src(%arg8 : memref<4x8x128xf32, #tpu.memory_space<vmem>>) dst(%dma_wait3A_96 : memref<4x8x128xf32, #tpu.memory_space<hbm>>)
        tpu.yield
      }) : () -> ()
    }
    %scan3A_36 = arith.constant 100 : i32
    return
  }
}

</mosaic_0001>

<sc_bundles>
// kernel: kernel.4.cloned.1.call-start
scs
__scs_entry_jumppad:
0x0: {  	(pc) =	sbr.rel $0x88, $3  }
0x1: {  	(tag) =	ssettag $0x0;
	lr =	simm.s32 $0x1  }
0x2: {  	[smem:$0x3F9F] =	sst lr;
	_ =	strace $0xD0000000  }
0x3: {  	_ = 	snop  }
0x4: {  	_ = 	snop  }
0x5: {  	_ = 	snop  }
0x6: {  	_ = 	snop  }
0x7: {  	_ = 	snop  }
__scs_overlays_trampoline_lowered:
0x8: {  	[smem:$0x3FAE] =	sst s0  }
0x9: {  	[smem:$0x3FAF] =	sst s1  }
0xa: {  	[smem:$0x3FB0] =	sst s2  }
0xb: {  	[smem:$0x3FB1] =	sst s3  }
0xc: {  	[smem:$0x3FB2] =	sst s4  }
0xd: {  	[smem:$0x3FB3] =	sst s5  }
0xe: {  	[smem:$0x3FB4] =	sst s6  }
0xf: {  	[smem:$0x3FB5] =	sst s7  }
0x10: {  	[smem:$0x3FB6] =	sst s8  }
0x11: {  	[smem:$0x3FB7] =	sst s9;
	s0 =	simm.s32 @!p0 $0x0  }
0x12: {  	s1 =	sld [smem:$0x3F9D];
	s0 =	simm.s32 @p0 $0x1  }
0x13: {  	[smem:$0x3FB8] =	sst s0;
	s0 =	simm.s32 @!p1 $0x0  }
0x14: {  	s2 =	sld [smem:$0x3F9C];
	s0 =	simm.s32 @p1 $0x1  }
0x15: {  	[smem:$0x3FB9] =	sst s0;
	s0 =	simm.s32 @!p2 $0x0  }
0x16: {  	s3 =	sld [smem:$0x3FDB];
	s0 =	simm.s32 @p2 $0x1  }
0x17: {  	s4 =	simm.s32 $0x1BF5;
	[smem:$0x3FBB] =	sst s0  }
0x18: {  	s0 =	sld [smem:$0x3F9E];
	_ =	swait.ge [sflag:s4], $0x0  }
0x19: {  	s7 =	sld [smem:$0x3F9F]  }
0x1a: {  	s8 =	sadd.s32 $0xFFFFE003, lr  }
0x1b: {  	s9 =	sadd.s32 $0xFFFFFEF7, lr;
	s5 =	simm.s32 $0xFFFFFFFF;
	p2 =	slt.u32 s8, $0xFFFFF086  }
0x1c: {  	p1 =	slt.u32 s9, $0xF7A;
	s5 =	simm.s32 @!p2 $0x0  }
0x1d: {  	s5 =	simm.s32 @p1 $0x1;
	p0 =	seq.s32 s7, s2  }
0x1e: {  	s7 =	smul.u32 @!p0 $0xF7A, s2;
	p2 =	seq.s32 @!p0 s5, $0x0  }
0x1f: {  	s9 =	smul.u32 $0xF7A, s1;
	s8 =	simm.s32 @!p0 $0x1BF5;
	p2 =	por !p2, p0  }
0x20: {  	[sflag:s8] =	ssyncset.s32 @!p0 $0xFFFFF086;
	s6 =	sadd.s32 @!p0 s3, s7;
	s7 =	simm.s32 @!p0 $0x108  }
0x21: {  	s3 =	sadd.s32 s3, s9;
	s6 =	sadd.s32 @!p0 $0x88, s6;
	s7 =	simm.s32 @p2 $0x1082  }
0x22: {  	[simem:s7], [sflag:s8] =	dma.local @!p0 [hbm:s6], $0xF7A  }
0x23: {  	s9 =	sor.u32 $0xD0000000, s2;
	s6 =	simm.s32 $0x108;
	_ =	swait.ge @!p0 [sflag:s8], $0x0  }
0x24: {  	s3 =	sadd.s32 $0x88, s3;
	s6 =	simm.s32 @!p1 $0x1082;
	[sflag:s4] =	ssyncset.s32 $0xFFFFF086  }
0x25: {  	[simem:s6], [sflag:s4] =	dma.local [hbm:s3], $0xF7A  }
0x26: {  	[smem:$0x3F9F] =	sst s1;
	(tag) =	ssettag s2;
	_ =	strace s9  }
0x27: {  	s1 =	sld [smem:$0x3FAF]  }
0x28: {  	s2 =	sld [smem:$0x3FB0]  }
0x29: {  	s4 =	sld [smem:$0x3FB2]  }
0x2a: {  	p0 =	seq.s32 s5, $0x0;
	s5 =	sld [smem:$0x3FB3]  }
0x2b: {  	s6 =	sld [smem:$0x3FB4]  }
0x2c: {  	s7 =	sld [smem:$0x3FB5]  }
0x2d: {  	s3 =	simm.s32 $0x108;
	s8 =	sld [smem:$0x3FB6]  }
0x2e: {  	s3 =	simm.s32 @!p0 $0x1082;
	s9 =	sld [smem:$0x3FB7]  }
0x2f: {  	lr =	sadd.s32 s0, s3;
	s0 =	sld [smem:$0x3FAE]  }
0x30: {  	s3 =	sld [smem:$0x3FB1]  }
0x31: {  	[smem:$0x3FBA] =	sst s10  }
0x32: {  	s10 =	sld [smem:$0x3FB8];
	_ =	sdelay $0x3  }
0x33: {  	p0 =	seq.s32 s10, $0x1;
	s10 =	sld [smem:$0x3FBA];
	_ =	sdelay $0x3  }
0x34: {  	[smem:$0x3FBA] =	sst s10  }
0x35: {  	s10 =	sld [smem:$0x3FB9];
	_ =	sdelay $0x3  }
0x36: {  	p1 =	seq.s32 s10, $0x1;
	s10 =	sld [smem:$0x3FBA];
	_ =	sdelay $0x3  }
0x37: {  	[smem:$0x3FBA] =	sst s10  }
0x38: {  	s10 =	sld [smem:$0x3FBB]  }
0x39: {  	_ = 	snop;
	(pc) =	sbr.ind lr, $3  }
0x3a: {  	_ = 	snop  }
0x3b: {  	_ = 	snop  }
0x3c: {  	p2 =	seq.s32 s10, $0x1;
	s10 =	sld [smem:$0x3FBA]  }
0x3d: {  	_ =	shalt  }
0x3e: {  	_ =	shalt  }
0x3f: {  	_ =	shalt  }
0x40: {  	_ =	shalt  }
0x41: {  	_ =	shalt  }
0x42: {  	_ =	shalt  }
0x43: {  	_ =	shalt  }
0x44: {  	_ =	shalt  }
0x45: {  	_ =	shalt  }
0x46: {  	_ =	shalt  }
0x47: {  	_ =	shalt  }
0x48: {  	_ =	shalt  }
0x49: {  	_ =	shalt  }
0x4a: {  	_ =	shalt  }
0x4b: {  	_ =	shalt  }
0x4c: {  	_ =	shalt  }
0x4d: {  	_ =	shalt  }
0x4e: {  	_ =	shalt  }
0x4f: {  	_ =	shalt  }
0x50: {  	_ =	shalt  }
0x51: {  	_ =	shalt  }
0x52: {  	_ =	shalt  }
0x53: {  	_ =	shalt  }
0x54: {  	_ =	shalt  }
0x55: {  	_ =	shalt  }
0x56: {  	_ =	shalt  }
0x57: {  	_ =	shalt  }
0x58: {  	_ =	shalt  }
0x59: {  	_ =	shalt  }
0x5a: {  	_ =	shalt  }
0x5b: {  	_ =	shalt  }
0x5c: {  	_ =	shalt  }
0x5d: {  	_ =	shalt  }
0x5e: {  	_ =	shalt  }
0x5f: {  	_ =	shalt  }
0x60: {  	_ =	shalt  }
0x61: {  	_ =	shalt  }
0x62: {  	_ =	shalt  }
0x63: {  	_ =	shalt  }
0x64: {  	_ =	shalt  }
0x65: {  	_ =	shalt  }
0x66: {  	_ =	shalt  }
0x67: {  	_ =	shalt  }
0x68: {  	_ =	shalt  }
0x69: {  	_ =	shalt  }
0x6a: {  	_ =	shalt  }
0x6b: {  	_ =	shalt  }
0x6c: {  	_ =	shalt  }
0x6d: {  	_ =	shalt  }
0x6e: {  	_ =	shalt  }
0x6f: {  	_ =	shalt  }
0x70: {  	_ =	shalt  }
0x71: {  	_ =	shalt  }
0x72: {  	_ =	shalt  }
0x73: {  	_ =	shalt  }
0x74: {  	_ =	shalt  }
0x75: {  	_ =	shalt  }
0x76: {  	_ =	shalt  }
0x77: {  	_ =	shalt  }
0x78: {  	_ =	shalt  }
0x79: {  	_ =	shalt  }
0x7a: {  	_ =	shalt  }
0x7b: {  	_ =	shalt  }
0x7c: {  	_ =	shalt  }
0x7d: {  	_ =	shalt  }
0x7e: {  	_ =	shalt  }
0x7f: {  	_ =	shalt  }
0x80: {  	_ =	shalt  }
0x81: {  	_ =	shalt  }
0x82: {  	_ =	shalt  }
0x83: {  	_ =	shalt  }
0x84: {  	_ =	shalt  }
0x85: {  	_ =	shalt  }
0x86: {  	_ =	shalt  }
0x87: {  	_ =	shalt  }
.Lfunc_end0:
.L_simem_size_0:
called_computation_lowered:
.L_overlay_start_0:
0x88: {  	s2 =	sld [smem:$0x3FD9]  }
0x89: {  	s3 =	sld [smem:$0x3FFE];
	_ =	sdelay $0x1  }
0x8a: {  	s1 =	srdreg.scid  }
0x8b: {  	s0 =	sand.u32 $0x1, s1  }
0x8c: {  	s17 =	sshll.u32 s0, $0xA;
	s2 =	sadd.s32 s3, s2  }
0x8d: {  	s2 =	sadd.s32 s2, s17  }
0x8e: {  	[smem:$0x3FC6] =	sst s2  }
0x8f: {  	_ = 	snop  }
0x90: {  	s2 =	sld [smem:$0x3FC8]  }
0x91: {  	s18 =	sld [smem:$0x3FD0];
	(tm) =	ssettm $0x1  }
0x92: {  	s4 =	sld [smem:$0x3FFB];
	_ =	sdelay $0x3  }
0x93: {  	_ =	strace s4  }
0x94: {  	s4 =	sld [smem:$0x3FFC];
	_ =	sdelay $0x3  }
0x95: {  	_ =	strace s4  }
0x96: {  	s4 =	sld [smem:$0x3FFD];
	_ =	sdelay $0x3  }
0x97: {  	_ =	strace s4  }
0x98: {  	_ =	strace $0x8FFFFFFF  }
0x99: {  	s19 =	sld [smem:$0x3FDB];
	_ =	sdelay $0x1  }
0x9a: {  	s5 =	simm.s32 $_scs_section_size  }
0x9b: {  	s6 =	simm.s32 $_size__tile_overlayer_lowered;
	s7 =	simm.s32 $_tile_overlayer_lowered  }
0x9c: {  	s22 =	simm.s32 $0x1BFF;
	s21 =	sshll.u32 s7, $0x1;
	s4 =	sadd.s32 s5, s19  }
0x9d: {  	s8 =	simm.s32 $0x0;
	s20 =	sshll.u32 s6, $0x1;
	s6 =	sadd.s32 s21, s4  }
0x9e: {  	[timem:s8], [sflag:s22] =	dma.local [hbm:s6], s20  }
0x9f: {  	_ =	swait.ge [sflag:s22], s20  }
0xa0: {  	s5 =	ssub.s32 $0x0, s20;
	[sflag:s22] =	ssyncset.done $0x0  }
0xa1: {  	[sflag:s22] =	ssyncadd.s32 s5;
	_ =	sdelay $0x1  }
0xa2: {  	s23 =	simm.s32 $0x1B8B  }
0xa3: {  	_ =	swait.ge [sflag:s23], $0x1  }
0xa4: {  	[sflag:s23] =	ssyncset.done $0x0  }
0xa5: {  	s25 =	simm.s32 $0x1B8E;
	s24 =	sld [smem:$0x3FFE];
	[sflag:s23] =	ssyncadd.s32 $0xFFFFFFFF  }
0xa6: {  	s26 =	simm.s32 $execute0_lowered;
	[smem:$0x3FD2] =	sst s25  }
0xa7: {  	s6 =	sshll.u32 s26, $0x1;
	_ =	strace $0x80000046;
	[dreg:$0x1] =	wrdreg $0xFFFFFFFF  }
0xa8: {  	s28 =	simm.s32 $_size_execute0_lowered;
	s4 =	sadd.s32 s4, s6;
	[dreg:$0x0] =	wrdreg $0x0  }
0xa9: {  	s6 =	sshll.u32 s28, $0x1;
	[dreg:$0x2] =	wrdreg s4  }
0xaa: {  	[dreg:$0x3] =	wrdreg s6  }
0xab: {  	[dreg:$0x4] =	wrdreg $0xC0  }
0xac: {  	_ =	task [dreg:s8], $0x5FFFF  }
0xad: {  	[dreg:$0x1] =	wrdreg $0xFFFFFFFF  }
0xae: {  	[dreg:$0x0] =	wrdreg $0x60  }
0xaf: {  	[dreg:$0x2] =	wrdreg s2  }
0xb0: {  	[dreg:$0x3] =	wrdreg s18  }
0xb1: {  	[dreg:$0x4] =	wrdreg s24  }
0xb2: {  	[dreg:$0x5] =	wrdreg $0x9  }
0xb3: {  	_ =	task.clear_ibuf [dreg:s8], $0x6FFFF;
	_ =	strace $0x90000046  }
0xb4: {  	s29 =	simm.s32 $0x9;
	_ =	strace $0x80000048  }
0xb5: {  	_ =	swait.ge [sflag:s29], $0x1  }
0xb6: {  	[sflag:s29] =	ssyncadd.s32 $0xFFFFFFFF  }
0xb7: {  	_ =	strace $0x90000048  }
0xb8: {  	_ =	sfence  }
0xb9: {  	s30 =	sld [smem:$0x0];
	_ =	sdelay $0x2  }
0xba: {  	s31 =	sshll.u32 s1, $0xD;
	s1 =	sshrl.u32 s1, $0x2  }
0xbb: {  	s3 =	sand.u32 $0x4000, s31;
	s1 =	sadd.s32 s1, s30  }
0xbc: {  	s0 =	sor.u32 s3, s0;
	s1 =	sshll.u32 s1, $0x11  }
0xbd: {  	s0 =	sor.u32 s1, s0  }
0xbe: {  	s0 =	sadd.s32 $0x8F2B, s0  }
0xbf: {  	[sflag:s0] =	ssyncadd.remote.s32 $0x1  }
0xc0: {  	_ =	sfence.sel $0xFFFF  }
0xc1: {  	[dreg:$0x0] =	wrdreg $0xFFFFFFFF;
	(pc) =	sbr.abs _section_cstart, $3  }
0xc2: {  	[dreg:$0x1] =	wrdreg $0xFFFFFFFF  }
0xc3: {  	_ =	task.clear_ibuf [dreg:s8], $0x2FFFF;
	_ =	strace $0x9FFFFFFF  }
0xc4: {  	(tm) =	ssettm $0x7FFFFFFF  }
0xc5: {  	_ =	shalt  }
tec
execute0_lowered:
.L_overlay_start_1:
0x0: {  	(tag) =	ssettag $0x1  }
0x1: {  	v0 =	vimm.s32 $0x1380;
	vm0 =	vcmask $0x300;
	v1 =	vimm.s32 $0x3380  }
0x2: {  	vm1 =	vcmask $0x704;
	v0 =	vsel vm0, $0x0, v0;
	v1 =	vsel vm0, $0x2000, v1  }
0x3: {  	vm15 =	vcmask $0xB08;
	v0 =	vsel vm1, $0x80, v0;
	v1 =	vsel vm1, $0x2080, v1  }
0x4: {  	vm4 =	vcmask $0xF0C;
	v0 =	vsel vm15, $0x100, v0;
	v1 =	vsel vm15, $0x2100, v1  }
0x5: {  	vm5 =	vcmask $0x1310;
	v0 =	vsel vm4, $0x180, v0;
	v1 =	vsel vm4, $0x2180, v1  }
0x6: {  	s0 =	rddreg [dreg:$0x0];
	vm6 =	vcmask $0x1714;
	v0 =	vsel vm5, $0x200, v0;
	v1 =	vsel vm5, $0x2200, v1  }
0x7: {  	s1 =	rddreg [dreg:$0x2];
	s3 =	simm.s32 $0x0;
	s2 =	srdreg.scid;
	vm7 =	vcmask $0x1B18;
	v0 =	vsel vm6, $0x280, v0;
	v1 =	vsel vm6, $0x2280, v1  }
0x8: {  	s9 =	stileid.u32;
	vm8 =	vcmask $0x1F1C;
	s14 =	simm.s32 $0x1;
	s15 =	simm.s32 $0x8000;
	v0 =	vsel vm7, $0x300, v0;
	v1 =	vsel vm7, $0x2300, v1  }
0x9: {  	vm9 =	vcmask $0x2320;
	s16 =	simm.s32 $0x4;
	s17 =	simm.s32 $0x2;
	s18 =	simm.s32 $0x4000;
	v0 =	vsel vm8, $0x380, v0;
	v1 =	vsel vm8, $0x2380, v1  }
0xa: {  	vm10 =	vcmask $0x2724;
	s19 =	simm.s32 $0x3;
	s20 =	simm.s32 $0x0;
	[smem:$0x7FF] =	sst s3;
	v0 =	vsel vm9, $0x1000, v0;
	v1 =	vsel vm9, $0x3000, v1  }
0xb: {  	vm11 =	vcmask $0x2B28;
	s2 =	sand.u32 $0x1, s2;
	s5 =	sadd.s32 $0xA00, s1;
	s1 =	sadd.s32 $0x3D1200, s1;
	v0 =	vsel vm10, $0x1080, v0;
	v1 =	vsel vm10, $0x3080, v1  }
.Ltmp0:
0xc: {  	vm12 =	vcmask $0x2F2C;
	s6 =	sshll.u32 s9, $0x1;
	_ =	strace $0x80000047;
	v0 =	vsel vm11, $0x1100, v0;
	v1 =	vsel vm11, $0x3100, v1;
	(pc) =	sbr.rel .LBB2_1-.Ltmp0, $4  }
0xd: {  	vm13 =	vcmask $0x3330;
	s4 =	ssub.s32 $0x2, s2;
	s6 =	sor.u32 s2, s6;
	[dreg:$0x4] =	wrdreg s1;
	v0 =	vsel vm12, $0x1180, v0;
	v1 =	vsel vm12, $0x3180, v1  }
0xe: {  	vm14 =	vcmask $0x3734;
	s7 =	sshrl.u32 s4, $0x1;
	s31 =	sshll.u32 s6, $0x9;
	p0 =	sne.s32 s6, $0x0;
	v0 =	vsel vm13, $0x1200, v0;
	v1 =	vsel vm13, $0x3200, v1  }
0xf: {  	vm15 =	vcmask $0x3B38;
	s30 =	ssub.s32 s4, s7;
	s8 =	sadd.s32 s0, s31;
	s1 =	sshll.u32 @!p0 s9, $0x6;
	v0 =	vsel vm14, $0x1280, v0;
	v1 =	vsel vm14, $0x3280, v1  }
0x10: {  	s9 =	sor.u32 $0x40, s6;
	s10 =	smax.u32 s30, $0x1;
	s11 =	sor.u32 @!p0 $0x1C03, s1;
	v0 =	vsel vm15, $0x1300, v0;
	v1 =	vsel vm15, $0x3300, v1  }
.LBB2_11:
0x11: {  	s20 =	sadd.s32 $0x1, s20  }
0x12: {  	p1 =	sne.s32 s20, s10  }
.Ltmp1:
0x13: {  	_ = 	snop;
	(pc) =	sbr.rel @!p1 .LBB2_12-.Ltmp1, $1  }
0x14: {  	_ =	sdelay $0x3  }
.LBB2_1:
0x15: {  	s1 =	rddreg [dreg:$0x1]  }
0x16: {  	s2 =	rddreg [dreg:$0x4]  }
0x17: {  	[hbm:s2], [sflag:s11] =	dma.local @!p0 [hbm:s1], $0x100  }
.Ltmp2:
0x18: {  	s1 =	simm.s32 @!p0 $0x3;
	(pc) =	sbr.rel .LBB2_2-.Ltmp2, $4  }
0x19: {  	_ =	swait.ge @!p0 [sflag:s1], $0x100  }
0x1a: {  	s30 =	simm.s32 $0x1000;
	[sflag:s1] =	ssyncset.done @!p0 $0x0  }
0x1b: {  	s31 =	simm.s32 $0x7A1400;
	s21 =	simm.s32 $0x0;
	[sflag:s1] =	ssyncadd.s32 @!p0 $0xFFFFFF00  }
0x1c: {  	[tilespmem:s3], [sflag:$0x1] =	stream.strided.gather [hbm4b:s8+s30], $0x4000, s31, s30, $0x38;
	[tilespmem:$0xC000] =	vst v63  }
.LBB2_10:
0x1d: {  	s21 =	sadd.s32 $0x1, s21  }
0x1e: {  	p1 =	sne.s32 s21, $0x20  }
.Ltmp3:
0x1f: {  	_ = 	snop;
	(pc) =	sbr.rel @!p1 .LBB2_11-.Ltmp3, $1  }
0x20: {  	_ =	sdelay $0x3  }
.LBB2_2:
0x21: {  	s23 =	sshll.u32 s21, $0x6  }
0x22: {  	s24 =	sor.u32 s6, s23  }
0x23: {  	p2 =	sgt.u32 s24, $0x7A0  }
.Ltmp4:
0x24: {  	s22 =	sor.u32 $0x20, s24;
	(pc) =	sbr.rel @p2 .LBB2_6-.Ltmp4, $4  }
0x25: {  	p1 =	sgt.u32 s22, $0x7A0  }
0x26: {  	s1 =	sshll.u32 @!p1 s22, $0x9;
	s2 =	simm.s32 @!p1 $0x1000  }
0x27: {  	s4 =	simm.s32 @!p1 $0x7A1400;
	s25 =	simm.s32 @!p1 $0x4000;
	s1 =	sadd.s32 @!p1 s0, s1  }
0x28: {  	[tilespmem:s25], [sflag:$0x2] =	stream.strided.gather @!p1 [hbm4b:s1+s2], $0x4000, s4, s2, $0x38;
	[tilespmem:$0xC000] =	vst v63  }
0x29: {  	s1 =	simm.s32 $0x0;
	s2 =	simm.s32 $0x4  }
0x2a: {  	v2 =	vmov s1;
	v3 =	vmov s2  }
0x2b: {  	v4 =	vand.u32 $0x78, v2;
	v5 =	vshll.u32 v3, $0x3  }
0x2c: {  	v2 =	vshll.u32 v2, $0x3;
	v3 =	vand.u32 $0x7C, v3;
	v5 =	vand.u32 $0xC00, v5  }
0x2d: {  	v2 =	vand.u32 $0xC00, v2;
	v3 =	vor.u32 v3, v5  }
0x2e: {  	s7 =	simm.s32 $0x1;
	v2 =	vor.u32 v4, v2;
	v4 =	vor.u32 v0, v3  }
0x2f: {  	v5 =	vmov s7;
	v7 =	vor.u32 v0, v2  }
0x30: {  	s12 =	simm.s32 $0x2;
	_ =	swait.ge [sflag:s14], $0x4000;
	v6 =	vshll.u32 v5, $0x3  }
0x31: {  	s26 =	simm.s32 $0x8;
	v8 =	vmov s12;
	[sflag:s14] =	ssyncset.done $0x0;
	v5 =	vand.u32 $0x79, v5;
	v6 =	vand.u32 $0xC00, v6  }
0x32: {  	v14 =	vmov s26;
	[sflag:s14] =	ssyncadd.s32 $0xFFFFC000;
	v5 =	vor.u32 v5, v6;
	v6 =	vshll.u32 v8, $0x3  }
0x33: {  	s13 =	simm.s32 $0x3;
	v2 =	vor.u32 v1, v2;
	v8 =	vand.u32 $0x7A, v8;
	v6 =	vand.u32 $0xC00, v6;
	v10 =	vld.idx.msk [tilespmem:v4+s3+$0x0], $0xffff  }
0x34: {  	v11 =	vor.u32 v1, v3;
	v3 =	vor.u32 v8, v6;
	v6 =	vmov s13;
	v8 =	vld.idx.msk [tilespmem:v7+s3+$0x0], $0xffff  }
0x35: {  	s25 =	simm.s32 $0x5;
	v12 =	vor.u32 v0, v3;
	v4 =	vor.u32 v1, v3;
	v3 =	vshll.u32 v6, $0x3  }
0x36: {  	s12 =	simm.s32 $0x6;
	v6 =	vand.u32 $0x7B, v6;
	v7 =	vmov s25;
	v3 =	vand.u32 $0xC00, v3  }
0x37: {  	v18 =	vmov s12;
	s25 =	simm.s32 $0x8080;
	v13 =	vshll.u32 v7, $0x3;
	v6 =	vor.u32 v6, v3  }
0x38: {  	v7 =	vand.u32 $0x7D, v7;
	v13 =	vand.u32 $0x7FFFFC00, v13;
	v3 =	vor.u32 v0, v6;
	[tilespmem:s25+$0x0] =	vst v10  }
0x39: {  	s2 =	simm.s32 $0xC;
	v10 =	vor.u32 v7, v13;
	v7 =	vor.u32 v1, v6;
	v6 =	vshll.u32 v14, $0x3;
	[tilespmem:s25+$0xFFFFFF80] =	vst v8;
	v8 =	vld.idx.msk [tilespmem:v11+s3+$0x0], $0xffff  }
0x3a: {  	v13 =	vmov s2;
	v11 =	vand.u32 $0x78, v14;
	v2 =	vld.idx.msk [tilespmem:v2+s3+$0x0], $0xffff;
	v14 =	vadd.s32 v0, v10  }
0x3b: {  	v9 =	vor.u32 v0, v5;
	v6 =	vand.u32 $0xC00, v6;
	v15 =	vshll.u32 v13, $0x3  }
0x3c: {  	v6 =	vor.u32 v11, v6;
	v11 =	vand.u32 $0x7C, v13;
	v13 =	vand.u32 $0xC00, v15  }
0x3d: {  	s4 =	simm.s32 $0x9;
	v19 =	vshll.u32 v18, $0x3;
	v16 =	vor.u32 v0, v6;
	v11 =	vor.u32 v11, v13  }
0x3e: {  	s12 =	simm.s32 $0x12;
	v18 =	vand.u32 $0x7E, v18;
	v15 =	vmov s4;
	[tilespmem:s25+$0x10] =	vst v8;
	v8 =	vor.u32 v0, v11  }
0x3f: {  	v55 =	vmov s12;
	s7 =	simm.s32 $0xA;
	v10 =	vadd.s32 v1, v10;
	v17 =	vshll.u32 v15, $0x3;
	[tilespmem:s25+$0xFFFFFF90] =	vst v2;
	v2 =	vld.idx.msk [tilespmem:v14+s3+$0x0], $0xffff  }
0x40: {  	v13 =	vand.u32 $0x79, v15;
	v15 =	vand.u32 $0xC00, v17;
	v17 =	vmov s7;
	v9 =	vld.idx.msk [tilespmem:v9+s3+$0x0], $0xffff  }
0x41: {  	v19 =	vand.u32 $0x7FFFFC00, v19;
	v5 =	vor.u32 v1, v5;
	v14 =	vshll.u32 v17, $0x3  }
0x42: {  	v18 =	vor.u32 v18, v19;
	v17 =	vand.u32 $0x7A, v17;
	v14 =	vand.u32 $0xC00, v14;
	v16 =	vld.idx.msk [tilespmem:v16+s3+$0x0], $0xffff  }
0x43: {  	v21 =	vadd.s32 v0, v18;
	s13 =	simm.s32 $0xB;
	v6 =	vor.u32 v1, v6;
	v14 =	vor.u32 v17, v14;
	v17 =	vld.idx.msk [tilespmem:v8+s3+$0x0], $0xffff  }
0x44: {  	v18 =	vadd.s32 v1, v18;
	v20 =	vmov s13;
	s2 =	simm.s32 $0x14;
	v13 =	vor.u32 v13, v15;
	[tilespmem:s25+$0x20] =	vst v2  }
0x45: {  	s26 =	simm.s32 $0xD;
	v22 =	vmov s2;
	v15 =	vor.u32 v0, v13;
	v11 =	vor.u32 v1, v11;
	[tilespmem:s25+$0xFFFFFFA0] =	vst v9;
	v10 =	vld.idx.msk [tilespmem:v10+s3+$0x0], $0xffff  }
0x46: {  	v19 =	vor.u32 v0, v14;
	v8 =	vor.u32 v1, v14;
	v14 =	vmov s26;
	s26 =	simm.s32 $0x8180;
	v5 =	vld.idx.msk [tilespmem:v5+s3+$0x0], $0xffff  }
0x47: {  	s28 =	simm.s32 $0x10;
	v2 =	vshll.u32 v20, $0x3;
	v9 =	vand.u32 $0x7B, v20;
	v20 =	vshll.u32 v14, $0x3;
	[tilespmem:s26+$0xFFFFFF80] =	vst v16  }
0x48: {  	v14 =	vand.u32 $0x7D, v14;
	v20 =	vand.u32 $0x7FFFFC00, v20;
	v6 =	vld.idx.msk [tilespmem:v6+s3+$0x0], $0xffff;
	[tilespmem:s26+$0x0] =	vst v17;
	v17 =	vmov s28  }
0x49: {  	v14 =	vor.u32 v14, v20;
	v16 =	vand.u32 $0x78, v17;
	v17 =	vshll.u32 v17, $0x3  }
0x4a: {  	v20 =	vadd.s32 v0, v14;
	v11 =	vld.idx.msk [tilespmem:v11+s3+$0x0], $0xffff;
	[tilespmem:s25+$0x30] =	vst v10;
	v10 =	vand.u32 $0xC00, v17;
	v17 =	vshll.u32 v22, $0x3  }
0x4b: {  	[tilespmem:s25+$0xFFFFFFB0] =	vst v5;
	v5 =	vor.u32 v16, v10;
	v10 =	vand.u32 $0x7C, v22;
	v16 =	vand.u32 $0xC00, v17;
	v17 =	vld.idx.msk [tilespmem:v21+s3+$0x0], $0xffff  }
0x4c: {  	s7 =	simm.s32 $0x7;
	v21 =	vor.u32 v0, v5;
	v22 =	vor.u32 v1, v5;
	v5 =	vor.u32 v10, v16;
	v10 =	vld.idx.msk [tilespmem:v12+s3+$0x0], $0xffff  }
0x4d: {  	v23 =	vmov s7;
	v13 =	vor.u32 v1, v13;
	v2 =	vand.u32 $0xC00, v2;
	[tilespmem:s26+$0xFFFFFF90] =	vst v6  }
0x4e: {  	s7 =	simm.s32 $0x1C;
	v24 =	vshll.u32 v23, $0x3;
	v2 =	vor.u32 v9, v2;
	v15 =	vld.idx.msk [tilespmem:v15+s3+$0x0], $0xffff;
	v16 =	vor.u32 v0, v5  }
0x4f: {  	s4 =	simm.s32 $0x11;
	v59 =	vmov s7;
	v9 =	vor.u32 v0, v2;
	v2 =	vor.u32 v1, v2;
	[tilespmem:s26+$0x10] =	vst v11  }
0x50: {  	v14 =	vadd.s32 v1, v14;
	v12 =	vmov s4;
	s4 =	simm.s32 $0x15;
	v5 =	vor.u32 v1, v5;
	v6 =	vld.idx.msk [tilespmem:v20+s3+$0x0], $0xffff;
	[tilespmem:s25+$0x40] =	vst v17  }
0x51: {  	v57 =	vmov s4;
	v20 =	vand.u32 $0x7F, v23;
	v23 =	vand.u32 $0x7FFFFC00, v24;
	[tilespmem:s25+$0xFFFFFFC0] =	vst v10;
	v10 =	vld.idx.msk [tilespmem:v18+s3+$0x0], $0xffff  }
0x52: {  	v11 =	vand.u32 $0x79, v12;
	v12 =	vshll.u32 v12, $0x3;
	v20 =	vor.u32 v20, v23;
	v25 =	vld.idx.msk [tilespmem:v4+s3+$0x0], $0xffff  }
0x53: {  	s13 =	simm.s32 $0xE;
	v58 =	vshll.u32 v57, $0x3;
	v12 =	vand.u32 $0xC00, v12;
	v17 =	vadd.s32 v0, v20;
	[tilespmem:s26+$0xFFFFFFA0] =	vst v15;
	v16 =	vld.idx.msk [tilespmem:v16+s3+$0x0], $0xffff  }
0x54: {  	v11 =	vor.u32 v11, v12;
	v12 =	vshll.u32 v55, $0x3;
	v23 =	vmov s13;
	v13 =	vld.idx.msk [tilespmem:v13+s3+$0x0], $0xffff  }
0x55: {  	v18 =	vor.u32 v0, v11;
	v11 =	vor.u32 v1, v11;
	v56 =	vshll.u32 v23, $0x3;
	[tilespmem:s26+$0x20] =	vst v6  }
0x56: {  	v12 =	vand.u32 $0xC00, v12;
	v21 =	vld.idx.msk [tilespmem:v21+s3+$0x0], $0xffff;
	v6 =	vand.u32 $0x7E, v23;
	v23 =	vand.u32 $0x7FFFFC00, v56;
	[tilespmem:s25+$0x50] =	vst v10  }
0x57: {  	s29 =	simm.s32 $0x8280;
	s2 =	simm.s32 $0x13;
	v20 =	vadd.s32 v1, v20;
	v4 =	vand.u32 $0x7A, v55;
	v15 =	vor.u32 v6, v23;
	v14 =	vld.idx.msk [tilespmem:v14+s3+$0x0], $0xffff;
	[tilespmem:s25+$0xFFFFFFD0] =	vst v25  }
0x58: {  	v4 =	vor.u32 v4, v12;
	v12 =	vmov s2;
	v23 =	vadd.s32 v0, v15;
	v17 =	vld.idx.msk [tilespmem:v17+s3+$0x0], $0xffff;
	[tilespmem:s29+$0x0] =	vst v16  }
0x59: {  	v6 =	vor.u32 v0, v4;
	v10 =	vand.u32 $0x7B, v12;
	v12 =	vshll.u32 v12, $0x3;
	[tilespmem:s26+$0xFFFFFFB0] =	vst v13;
	v16 =	vld.idx.msk [tilespmem:v3+s3+$0x0], $0xffff  }
0x5a: {  	v4 =	vor.u32 v1, v4;
	v15 =	vadd.s32 v1, v15;
	v12 =	vand.u32 $0xC00, v12;
	v19 =	vld.idx.msk [tilespmem:v19+s3+$0x0], $0xffff  }
0x5b: {  	s30 =	simm.s32 $0x18;
	[tilespmem:s29+$0xFFFFFF80] =	vst v21;
	v3 =	vor.u32 v10, v12;
	v10 =	vand.u32 $0x7D, v57;
	v12 =	vand.u32 $0x7FFFFC00, v58;
	v21 =	vld.idx.msk [tilespmem:v5+s3+$0x0], $0xffff  }
0x5c: {  	v5 =	vor.u32 v0, v3;
	v10 =	vor.u32 v10, v12;
	v12 =	vld.idx.msk [tilespmem:v22+s3+$0x0], $0xffff;
	[tilespmem:s26+$0x30] =	vst v14;
	v14 =	vmov s30  }
0x5d: {  	v22 =	vadd.s32 v0, v10;
	v13 =	vld.idx.msk [tilespmem:v23+s3+$0x0], $0xffff;
	v23 =	vand.u32 $0x78, v14;
	v14 =	vshll.u32 v14, $0x3  }
0x5e: {  	v3 =	vor.u32 v1, v3;
	v26 =	vadd.s32 v1, v10;
	[tilespmem:s25+$0x60] =	vst v17;
	v14 =	vand.u32 $0xC00, v14  }
0x5f: {  	s7 =	simm.s32 $0x16;
	v17 =	vshll.u32 v59, $0x3;
	v14 =	vor.u32 v23, v14;
	v23 =	vand.u32 $0x7C, v59;
	[tilespmem:s26+$0xFFFFFFC0] =	vst v19  }
0x60: {  	s12 =	simm.s32 $0x19;
	v20 =	vld.idx.msk [tilespmem:v20+s3+$0x0], $0xffff;
	v17 =	vand.u32 $0xC00, v17;
	[tilespmem:s25+$0xFFFFFFE0] =	vst v16;
	v16 =	vmov s7;
	v60 =	vor.u32 v0, v14  }
0x61: {  	s13 =	simm.s32 $0xF;
	[tilespmem:s29+$0x10] =	vst v21;
	v61 =	vor.u32 v1, v14;
	v14 =	vor.u32 v23, v17;
	v17 =	vmov s12;
	v27 =	vld.idx.msk [tilespmem:v8+s3+$0x0], $0xffff  }
0x62: {  	[tilespmem:s29+$0xFFFFFF90] =	vst v12;
	v12 =	vmov s13;
	v21 =	vor.u32 v0, v14;
	v22 =	vld.idx.msk [tilespmem:v22+s3+$0x0], $0xffff;
	v23 =	vand.u32 $0x79, v17  }
0x63: {  	s4 =	simm.s32 $0x1A;
	v17 =	vshll.u32 v17, $0x3;
	v18 =	vld.idx.msk [tilespmem:v18+s3+$0x0], $0xffff;
	v10 =	vand.u32 $0x7F, v12;
	[tilespmem:s26+$0x40] =	vst v13;
	v13 =	vshll.u32 v12, $0x3  }
0x64: {  	v19 =	vld.idx.msk [tilespmem:v15+s3+$0x0], $0xffff;
	v12 =	vand.u32 $0x7FFFFC00, v13;
	v13 =	vand.u32 $0xC00, v17;
	v15 =	vmov s4  }
0x65: {  	v28 =	vor.u32 v10, v12;
	v8 =	vor.u32 v23, v13;
	v10 =	vshll.u32 v15, $0x3;
	v24 =	vld.idx.msk [tilespmem:v60+s3+$0x0], $0xffff  }
0x66: {  	s12 =	simm.s32 $0x1B;
	v15 =	vand.u32 $0x7A, v15;
	[tilespmem:s25+$0x70] =	vst v20;
	v13 =	vadd.s32 v0, v28;
	v17 =	vand.u32 $0xC00, v10;
	v10 =	vld.idx.msk [tilespmem:v7+s3+$0x0], $0xffff  }
0x67: {  	v20 =	vmov s12;
	v12 =	vor.u32 v0, v8;
	v21 =	vld.idx.msk [tilespmem:v21+s3+$0x0], $0xffff;
	[tilespmem:s29+$0x20] =	vst v22;
	v22 =	vshll.u32 v16, $0x3  }
0x68: {  	v7 =	vor.u32 v1, v14;
	v14 =	vand.u32 $0x7E, v16;
	[tilespmem:s29+$0xFFFFFFA0] =	vst v18;
	v23 =	vld.idx.msk [tilespmem:v26+s3+$0x0], $0xffff;
	v16 =	vand.u32 $0x7FFFFC00, v22  }
0x69: {  	v8 =	vor.u32 v1, v8;
	v18 =	vor.u32 v15, v17;
	v17 =	vld.idx.msk [tilespmem:v11+s3+$0x0], $0xffff;
	v15 =	vor.u32 v14, v16  }
0x6a: {  	s13 =	simm.s32 $0x1D;
	v11 =	vor.u32 v1, v18;
	[tilespmem:s26+$0x50] =	vst v19;
	v16 =	vor.u32 v0, v18;
	v19 =	vadd.s32 v0, v15  }
0x6b: {  	s31 =	simm.s32 $0x8380;
	[tilespmem:s26+$0xFFFFFFD0] =	vst v27;
	v18 =	vand.u32 $0x7B, v20;
	v14 =	vshll.u32 v20, $0x3;
	v20 =	vmov s13;
	v13 =	vld.idx.msk [tilespmem:v13+s3+$0x0], $0xffff  }
0x6c: {  	v9 =	vld.idx.msk [tilespmem:v9+s3+$0x0], $0xffff;
	v22 =	vand.u32 $0xC00, v14;
	v62 =	vshll.u32 v20, $0x3;
	v14 =	vadd.s32 v1, v28;
	[tilespmem:s31+$0xFFFFFF80] =	vst v24  }
0x6d: {  	v20 =	vand.u32 $0x7D, v20;
	v18 =	vor.u32 v18, v22;
	v63 =	vand.u32 $0x7FFFFC00, v62;
	[tilespmem:s31+$0x0] =	vst v21;
	v22 =	vld.idx.msk [tilespmem:v61+s3+$0x0], $0xffff  }
0x6e: {  	s2 =	simm.s32 $0x6;
	s4 =	simm.s32 $0x20;
	v20 =	vor.u32 v20, v63;
	v21 =	vld.idx.msk [tilespmem:v7+s3+$0x0], $0xffff;
	v7 =	vor.u32 v0, v18;
	[tilespmem:s29+$0x30] =	vst v23  }
.LBB2_4:
0x6f: {  	v23 =	vmov s4;
	s12 =	sadd.s32 $0x1, s4;
	s13 =	sadd.s32 $0x4, s4;
	s2 =	sadd.s32 $0x2, s2;
	v18 =	vor.u32 v1, v18;
	v24 =	vadd.s32 v0, v20;
	[tilespmem:s29+$0xFFFFFFB0] =	vst v17;
	v17 =	vld.idx.msk [tilespmem:v19+s3+$0x0], $0xffff  }
0x70: {  	s7 =	sadd.s32 $0x2, s4;
	s1 =	sadd.s32 $0x3, s4;
	v19 =	vand.u32 $0x78, v23;
	v23 =	vshll.u32 v23, $0x3;
	v25 =	vmov s13;
	p2 =	slt.u32 s2, $0x7E;
	v26 =	vld.idx.msk [tilespmem:v6+s3+$0x0], $0xffff;
	[tilespmem:s26+$0x60] =	vst v13;
	v6 =	vmovc v16  }
0x71: {  	v15 =	vadd.s32 v1, v15;
	v13 =	vand.u32 $0xC00, v23;
	v16 =	vshll.u32 v25, $0x3;
	v14 =	vld.idx.msk [tilespmem:v14+s3+$0x0], $0xffff;
	[tilespmem:s25+$0xFFFFFFF0] =	vst v10;
	s25 =	smov.u32 s26;
	s26 =	smov.u32 s29;
	s29 =	smov.u32 s31  }
0x72: {  	v10 =	vor.u32 v19, v13;
	v13 =	vand.u32 $0x7C, v25;
	v16 =	vand.u32 $0xC00, v16;
	[tilespmem:s25+$0xFFFFFFE0] =	vst v9  }
0x73: {  	s13 =	sadd.s32 $0x7, s28;
	s28 =	smov.u32 s30;
	s30 =	smov.u32 s4;
	v9 =	vor.u32 v0, v10;
	v23 =	vor.u32 v1, v10;
	v13 =	vor.u32 v13, v16;
	[tilespmem:s31+$0x10] =	vst v21  }
0x74: {  	v10 =	vmov s12;
	v21 =	vmov s13;
	v16 =	vor.u32 v0, v13;
	[tilespmem:s31+$0xFFFFFF90] =	vst v22;
	v19 =	vld.idx.msk [tilespmem:v24+s3+$0x0], $0xffff  }
0x75: {  	v22 =	vand.u32 $0x79, v10;
	v10 =	vshll.u32 v10, $0x3;
	v24 =	vld.idx.msk [tilespmem:v12+s3+$0x0], $0xffff;
	[tilespmem:s26+$0x40] =	vst v17;
	v12 =	vshll.u32 v21, $0x3  }
0x76: {  	v17 =	vadd.s32 v1, v20;
	[tilespmem:s26+$0xFFFFFFC0] =	vst v26;
	v20 =	vld.idx.msk [tilespmem:v15+s3+$0x0], $0xffff;
	v15 =	vand.u32 $0x7F, v21;
	v12 =	vand.u32 $0x7FFFFC00, v12  }
0x77: {  	v10 =	vand.u32 $0xC00, v10;
	v21 =	vmov s7;
	v25 =	vld.idx.msk [tilespmem:v4+s3+$0x0], $0xffff;
	v26 =	vor.u32 v15, v12;
	[tilespmem:s25+$0x70] =	vst v14;
	v4 =	vmovc v11  }
0x78: {  	s7 =	sadd.s32 $0x6, s28;
	v27 =	vld.idx.msk [tilespmem:v9+s3+$0x0], $0xffff;
	v9 =	vor.u32 v22, v10;
	v10 =	vshll.u32 v21, $0x3;
	v14 =	vadd.s32 v0, v26  }
0x79: {  	v11 =	vmov s7;
	v12 =	vor.u32 v0, v9;
	v9 =	vor.u32 v1, v9;
	v22 =	vld.idx.msk [tilespmem:v16+s3+$0x0], $0xffff  }
0x7a: {  	v15 =	vand.u32 $0x7A, v21;
	v16 =	vand.u32 $0xC00, v10;
	[tilespmem:s31+$0x20] =	vst v19;
	v19 =	vshll.u32 v11, $0x3;
	v10 =	vld.idx.msk [tilespmem:v2+s3+$0x0], $0xffff;
	v2 =	vmovc v3;
	v3 =	vmovc v18  }
0x7b: {  	v21 =	vor.u32 v1, v13;
	v11 =	vand.u32 $0x7E, v11;
	[tilespmem:s31+$0xFFFFFFA0] =	vst v24;
	v24 =	vld.idx.msk [tilespmem:v17+s3+$0x0], $0xffff;
	v13 =	vand.u32 $0x7FFFFC00, v19  }
0x7c: {  	v28 =	vmov s1;
	v18 =	vor.u32 v15, v16;
	v17 =	vld.idx.msk [tilespmem:v8+s3+$0x0], $0xffff;
	v15 =	vor.u32 v11, v13;
	[tilespmem:s26+$0x50] =	vst v20;
	v8 =	vmovc v9  }
.Ltmp5:
0x7d: {  	s1 =	sadd.s32 $0x5, s4;
	v16 =	vor.u32 v0, v18;
	v11 =	vor.u32 v1, v18;
	v19 =	vadd.s32 v0, v15;
	v13 =	vld.idx.msk [tilespmem:v14+s3+$0x0], $0xffff;
	(pc) =	sbr.rel @p2 .LBB2_4-.Ltmp5, $4  }
0x7e: {  	s31 =	sadd.s32 $0x100, s31;
	v18 =	vand.u32 $0x7B, v28;
	v9 =	vshll.u32 v28, $0x3;
	v20 =	vmov s1;
	[tilespmem:s26+$0xFFFFFFD0] =	vst v25  }
0x7f: {  	v14 =	vadd.s32 v1, v26;
	v25 =	vand.u32 $0xC00, v9;
	[tilespmem:s31+$0x0] =	vst v22;
	v22 =	vshll.u32 v20, $0x3;
	v9 =	vld.idx.msk [tilespmem:v5+s3+$0x0], $0xffff;
	v5 =	vmovc v7  }
0x80: {  	v18 =	vor.u32 v18, v25;
	v20 =	vand.u32 $0x7D, v20;
	[tilespmem:s31+$0xFFFFFF80] =	vst v27;
	v21 =	vld.idx.msk [tilespmem:v21+s3+$0x0], $0xffff;
	v25 =	vand.u32 $0x7FFFFC00, v22  }
0x81: {  	s4 =	sadd.s32 $0x8, s4;
	v7 =	vor.u32 v0, v18;
	v22 =	vld.idx.msk [tilespmem:v23+s3+$0x0], $0xffff;
	v20 =	vor.u32 v20, v25;
	[tilespmem:s29+$0x30] =	vst v24  }
0x82: {  	v23 =	vadd.s32 v0, v20;
	_ =	sdelay $0x3  }
0x83: {  	[tilespmem:s31+$0x10] =	vst v21  }
0x84: {  	[tilespmem:s31+$0xFFFFFF90] =	vst v22;
	v21 =	vld.idx.msk [tilespmem:v23+s3+$0x0], $0xffff  }
0x85: {  	v40 =	vadd.s32 v1, v20;
	v12 =	vld.idx.msk [tilespmem:v12+s3+$0x0], $0xffff  }
0x86: {  	s1 =	sadd.s32 $0x6, s30  }
0x87: {  	v41 =	vmov s1  }
0x88: {  	v42 =	vshll.u32 v41, $0x3  }
0x89: {  	v43 =	vand.u32 $0x7E, v41;
	v44 =	vand.u32 $0x7FFFFC00, v42;
	[tilespmem:s31+$0x20] =	vst v21  }
0x8a: {  	v46 =	vor.u32 v43, v44;
	[tilespmem:s31+$0xFFFFFFA0] =	vst v12;
	v45 =	vld.idx.msk [tilespmem:v40+s3+$0x0], $0xffff  }
0x8b: {  	v21 =	vadd.s32 v0, v46;
	v8 =	vld.idx.msk [tilespmem:v8+s3+$0x0], $0xffff;
	_ =	sdelay $0x1  }
0x8c: {  	[tilespmem:s29+$0xFFFFFFB0] =	vst v17  }
0x8d: {  	v6 =	vld.idx.msk [tilespmem:v6+s3+$0x0], $0xffff  }
0x8e: {  	v47 =	vld.idx.msk [tilespmem:v19+s3+$0x0], $0xffff;
	[tilespmem:s31+$0x30] =	vst v45  }
0x8f: {  	v15 =	vadd.s32 v1, v15;
	[tilespmem:s31+$0xFFFFFFB0] =	vst v8;
	v48 =	vld.idx.msk [tilespmem:v21+s3+$0x0], $0xffff  }
0x90: {  	s13 =	sadd.s32 $0x7, s28;
	v50 =	vadd.s32 v1, v46;
	v16 =	vld.idx.msk [tilespmem:v16+s3+$0x0], $0xffff  }
0x91: {  	s28 =	sadd.s32 $0x7, s30;
	v49 =	vmov s13  }
0x92: {  	v53 =	vmov s28;
	v51 =	vshll.u32 v49, $0x3;
	[tilespmem:s29+$0xFFFFFFC0] =	vst v6  }
0x93: {  	v55 =	vshll.u32 v53, $0x3;
	v52 =	vand.u32 $0x7FFFFC00, v51;
	[tilespmem:s29+$0x40] =	vst v47;
	v4 =	vld.idx.msk [tilespmem:v4+s3+$0x0], $0xffff;
	v12 =	vand.u32 $0x7F, v49  }
0x94: {  	v56 =	vand.u32 $0x7F, v53;
	v54 =	vld.idx.msk [tilespmem:v15+s3+$0x0], $0xffff;
	v15 =	vand.u32 $0x7FFFFC00, v55;
	v12 =	vor.u32 v12, v52;
	[tilespmem:s31+$0x40] =	vst v48  }
0x95: {  	v17 =	vadd.s32 v0, v12;
	v8 =	vor.u32 v56, v15;
	[tilespmem:s31+$0xFFFFFFC0] =	vst v16;
	v57 =	vld.idx.msk [tilespmem:v50+s3+$0x0], $0xffff  }
0x96: {  	v15 =	vadd.s32 v0, v8;
	v11 =	vld.idx.msk [tilespmem:v11+s3+$0x0], $0xffff  }
0x97: {  	[tilespmem:s26+$0x60] =	vst v13  }
0x98: {  	[tilespmem:s29+$0xFFFFFFD0] =	vst v4  }
0x99: {  	[tilespmem:s29+$0x50] =	vst v54;
	v4 =	vld.idx.msk [tilespmem:v5+s3+$0x0], $0xffff  }
0x9a: {  	v6 =	vld.idx.msk [tilespmem:v17+s3+$0x0], $0xffff;
	[tilespmem:s31+$0x50] =	vst v57  }
0x9b: {  	v58 =	vadd.s32 v1, v12;
	[tilespmem:s31+$0xFFFFFFD0] =	vst v11;
	v59 =	vld.idx.msk [tilespmem:v15+s3+$0x0], $0xffff  }
0x9c: {  	[tilespmem:s25+$0xFFFFFFF0] =	vst v10;
	v8 =	vadd.s32 v1, v8;
	v7 =	vld.idx.msk [tilespmem:v7+s3+$0x0], $0xffff  }
0x9d: {  	v60 =	vor.u32 v1, v18;
	v61 =	vld.idx.msk [tilespmem:v14+s3+$0x0], $0xffff;
	[tilespmem:s26+$0xFFFFFFE0] =	vst v9  }
0x9e: {  	v2 =	vld.idx.msk [tilespmem:v2+s3+$0x0], $0xffff;
	[tilespmem:s29+$0xFFFFFFE0] =	vst v4  }
0x9f: {  	v3 =	vld.idx.msk [tilespmem:v3+s3+$0x0], $0xffff;
	[tilespmem:s29+$0x60] =	vst v6  }
0xa0: {  	v5 =	vld.idx.msk [tilespmem:v58+s3+$0x0], $0xffff;
	[tilespmem:s31+$0x60] =	vst v59  }
0xa1: {  	[tilespmem:s31+$0xFFFFFFE0] =	vst v7;
	v62 =	vld.idx.msk [tilespmem:v8+s3+$0x0], $0xffff  }
0xa2: {  	[tilespmem:s26+$0x70] =	vst v61;
	v63 =	vld.idx.msk [tilespmem:v60+s3+$0x0], $0xffff  }
0xa3: {  	[tilespmem:s26+$0xFFFFFFF0] =	vst v2  }
0xa4: {  	[tilespmem:s29+$0xFFFFFFF0] =	vst v3  }
0xa5: {  	[tilespmem:s29+$0x70] =	vst v5  }
0xa6: {  	s30 =	sshll.u32 s24, $0xB;
	[tilespmem:s31+$0x70] =	vst v62  }
0xa7: {  	s1 =	sadd.s32 s5, s30;
	[tilespmem:s31+$0xFFFFFFF0] =	vst v63  }
0xa8: {  	[hbm4b:s1+s3] =	stream.linear.scatter [tilespmem:s15], [sflag:$0x4], $0x4000, $0x38;
	[tilespmem:$0xC000] =	vst v63  }
0xa9: {  	_ =	swait.ge [sflag:s16], $0x4000  }
0xaa: {  	[sflag:s16] =	ssyncset.done $0x0  }
0xab: {  	[sflag:s16] =	ssyncadd.s32 $0xFFFFC000  }
.LBB2_6:
.Ltmp6:
0xac: {  	s1 =	sadd.s32 s9, s23;
	(pc) =	sbr.rel @p1 .LBB2_10-.Ltmp6, $4  }
0xad: {  	p2 =	sgt.u32 s1, $0x7A0  }
0xae: {  	s1 =	sshll.u32 @!p2 s1, $0x9;
	s2 =	simm.s32 @!p2 $0x1000  }
0xaf: {  	s4 =	simm.s32 @!p2 $0x7A1400;
	s7 =	simm.s32 @!p2 $0x0;
	s1 =	sadd.s32 @!p2 s0, s1  }
0xb0: {  	[tilespmem:s7], [sflag:$0x1] =	stream.strided.gather @!p2 [hbm4b:s1+s2], $0x4000, s4, s2, $0x38;
	[tilespmem:$0xC000] =	vst v63  }
0xb1: {  	s1 =	simm.s32 $0x0;
	s2 =	simm.s32 $0x4  }
0xb2: {  	v2 =	vmov s1;
	v3 =	vmov s2  }
0xb3: {  	v4 =	vand.u32 $0x78, v2;
	v5 =	vshll.u32 v3, $0x3  }
0xb4: {  	v2 =	vshll.u32 v2, $0x3;
	v3 =	vand.u32 $0x7C, v3;
	v5 =	vand.u32 $0xC00, v5  }
0xb5: {  	v2 =	vand.u32 $0xC00, v2;
	v3 =	vor.u32 v3, v5  }
0xb6: {  	s2 =	simm.s32 $0x1;
	v2 =	vor.u32 v4, v2;
	v4 =	vor.u32 v0, v3  }
0xb7: {  	v5 =	vmov s2;
	v7 =	vor.u32 v0, v2  }
0xb8: {  	s4 =	simm.s32 $0x2;
	_ =	swait.ge [sflag:s17], $0x4000;
	v6 =	vshll.u32 v5, $0x3  }
0xb9: {  	s13 =	simm.s32 $0x8;
	v8 =	vmov s4;
	[sflag:s17] =	ssyncset.done $0x0;
	v5 =	vand.u32 $0x79, v5;
	v6 =	vand.u32 $0xC00, v6  }
0xba: {  	v14 =	vmov s13;
	[sflag:s17] =	ssyncadd.s32 $0xFFFFC000;
	v5 =	vor.u32 v5, v6;
	v6 =	vshll.u32 v8, $0x3  }
0xbb: {  	s7 =	simm.s32 $0x3;
	v2 =	vor.u32 v1, v2;
	v8 =	vand.u32 $0x7A, v8;
	v6 =	vand.u32 $0xC00, v6;
	v10 =	vld.idx.msk [tilespmem:v4+s18+$0x0], $0xffff  }
0xbc: {  	v11 =	vor.u32 v1, v3;
	v3 =	vor.u32 v8, v6;
	v6 =	vmov s7;
	v8 =	vld.idx.msk [tilespmem:v7+s18+$0x0], $0xffff  }
0xbd: {  	s12 =	simm.s32 $0x5;
	v12 =	vor.u32 v0, v3;
	v4 =	vor.u32 v1, v3;
	v3 =	vshll.u32 v6, $0x3  }
0xbe: {  	s30 =	simm.s32 $0x6;
	v6 =	vand.u32 $0x7B, v6;
	v7 =	vmov s12;
	v3 =	vand.u32 $0xC00, v3  }
0xbf: {  	s23 =	simm.s32 $0x8080;
	v18 =	vmov s30;
	v13 =	vshll.u32 v7, $0x3;
	v6 =	vor.u32 v6, v3  }
0xc0: {  	v7 =	vand.u32 $0x7D, v7;
	v13 =	vand.u32 $0x7FFFFC00, v13;
	v3 =	vor.u32 v0, v6;
	[tilespmem:s23+$0x0] =	vst v10  }
0xc1: {  	s24 =	simm.s32 $0xC;
	v10 =	vor.u32 v7, v13;
	v7 =	vor.u32 v1, v6;
	v6 =	vshll.u32 v14, $0x3;
	[tilespmem:s23+$0xFFFFFF80] =	vst v8;
	v8 =	vld.idx.msk [tilespmem:v11+s18+$0x0], $0xffff  }
0xc2: {  	v13 =	vmov s24;
	v11 =	vand.u32 $0x78, v14;
	v2 =	vld.idx.msk [tilespmem:v2+s18+$0x0], $0xffff;
	v14 =	vadd.s32 v0, v10  }
0xc3: {  	v9 =	vor.u32 v0, v5;
	v6 =	vand.u32 $0xC00, v6;
	v15 =	vshll.u32 v13, $0x3  }
0xc4: {  	s31 =	simm.s32 $0xB;
	v6 =	vor.u32 v11, v6;
	v11 =	vand.u32 $0x7C, v13;
	v13 =	vand.u32 $0xC00, v15  }
0xc5: {  	s25 =	simm.s32 $0x9;
	v20 =	vmov s31;
	v16 =	vor.u32 v0, v6;
	v11 =	vor.u32 v11, v13  }
0xc6: {  	v19 =	vshll.u32 v18, $0x3;
	v15 =	vmov s25;
	[tilespmem:s23+$0x10] =	vst v8;
	v8 =	vor.u32 v0, v11  }
0xc7: {  	s26 =	simm.s32 $0xA;
	v18 =	vand.u32 $0x7E, v18;
	v10 =	vadd.s32 v1, v10;
	v17 =	vshll.u32 v15, $0x3;
	[tilespmem:s23+$0xFFFFFF90] =	vst v2;
	v2 =	vld.idx.msk [tilespmem:v14+s18+$0x0], $0xffff  }
0xc8: {  	s4 =	simm.s32 $0x14;
	v13 =	vand.u32 $0x79, v15;
	v15 =	vand.u32 $0xC00, v17;
	v17 =	vmov s26;
	v9 =	vld.idx.msk [tilespmem:v9+s18+$0x0], $0xffff  }
0xc9: {  	v22 =	vmov s4;
	v5 =	vor.u32 v1, v5;
	v14 =	vshll.u32 v17, $0x3  }
0xca: {  	v19 =	vand.u32 $0x7FFFFC00, v19;
	v17 =	vand.u32 $0x7A, v17;
	v14 =	vand.u32 $0xC00, v14;
	v16 =	vld.idx.msk [tilespmem:v16+s18+$0x0], $0xffff  }
0xcb: {  	v18 =	vor.u32 v18, v19;
	v6 =	vor.u32 v1, v6;
	v14 =	vor.u32 v17, v14;
	v17 =	vld.idx.msk [tilespmem:v8+s18+$0x0], $0xffff  }
0xcc: {  	s31 =	simm.s32 $0x15;
	v21 =	vadd.s32 v0, v18;
	v18 =	vadd.s32 v1, v18;
	v13 =	vor.u32 v13, v15;
	[tilespmem:s23+$0x20] =	vst v2  }
0xcd: {  	v57 =	vmov s31;
	s2 =	simm.s32 $0xD;
	v15 =	vor.u32 v0, v13;
	v11 =	vor.u32 v1, v11;
	[tilespmem:s23+$0xFFFFFFA0] =	vst v9;
	v10 =	vld.idx.msk [tilespmem:v10+s18+$0x0], $0xffff  }
0xce: {  	s24 =	simm.s32 $0x8180;
	v19 =	vor.u32 v0, v14;
	v8 =	vor.u32 v1, v14;
	v14 =	vmov s2;
	v5 =	vld.idx.msk [tilespmem:v5+s18+$0x0], $0xffff  }
0xcf: {  	s25 =	simm.s32 $0x10;
	v2 =	vshll.u32 v20, $0x3;
	v9 =	vand.u32 $0x7B, v20;
	v20 =	vshll.u32 v14, $0x3;
	[tilespmem:s24+$0xFFFFFF80] =	vst v16  }
0xd0: {  	v14 =	vand.u32 $0x7D, v14;
	v20 =	vand.u32 $0x7FFFFC00, v20;
	v6 =	vld.idx.msk [tilespmem:v6+s18+$0x0], $0xffff;
	[tilespmem:s24+$0x0] =	vst v17;
	v17 =	vmov s25  }
0xd1: {  	v14 =	vor.u32 v14, v20;
	v16 =	vand.u32 $0x78, v17;
	v17 =	vshll.u32 v17, $0x3  }
0xd2: {  	v20 =	vadd.s32 v0, v14;
	v11 =	vld.idx.msk [tilespmem:v11+s18+$0x0], $0xffff;
	[tilespmem:s23+$0x30] =	vst v10;
	v10 =	vand.u32 $0xC00, v17;
	v17 =	vshll.u32 v22, $0x3  }
0xd3: {  	[tilespmem:s23+$0xFFFFFFB0] =	vst v5;
	v5 =	vor.u32 v16, v10;
	v10 =	vand.u32 $0x7C, v22;
	v16 =	vand.u32 $0xC00, v17;
	v17 =	vld.idx.msk [tilespmem:v21+s18+$0x0], $0xffff  }
0xd4: {  	s13 =	simm.s32 $0x12;
	v21 =	vor.u32 v0, v5;
	v22 =	vor.u32 v1, v5;
	v5 =	vor.u32 v10, v16;
	v10 =	vld.idx.msk [tilespmem:v12+s18+$0x0], $0xffff  }
0xd5: {  	v55 =	vmov s13;
	v58 =	vshll.u32 v57, $0x3;
	s12 =	simm.s32 $0x7;
	v2 =	vand.u32 $0xC00, v2;
	[tilespmem:s24+$0xFFFFFF90] =	vst v6  }
0xd6: {  	v23 =	vmov s12;
	v2 =	vor.u32 v9, v2;
	v15 =	vld.idx.msk [tilespmem:v15+s18+$0x0], $0xffff;
	v16 =	vor.u32 v0, v5  }
0xd7: {  	v24 =	vshll.u32 v23, $0x3;
	v13 =	vor.u32 v1, v13;
	s2 =	simm.s32 $0x1C;
	v9 =	vor.u32 v0, v2;
	[tilespmem:s24+$0x10] =	vst v11  }
0xd8: {  	s7 =	simm.s32 $0x11;
	v59 =	vmov s2;
	v2 =	vor.u32 v1, v2;
	v14 =	vadd.s32 v1, v14;
	v6 =	vld.idx.msk [tilespmem:v20+s18+$0x0], $0xffff;
	[tilespmem:s23+$0x40] =	vst v17  }
0xd9: {  	v12 =	vmov s7;
	v20 =	vand.u32 $0x7F, v23;
	v23 =	vand.u32 $0x7FFFFC00, v24;
	[tilespmem:s23+$0xFFFFFFC0] =	vst v10;
	v10 =	vld.idx.msk [tilespmem:v18+s18+$0x0], $0xffff  }
0xda: {  	v11 =	vand.u32 $0x79, v12;
	v12 =	vshll.u32 v12, $0x3;
	v20 =	vor.u32 v20, v23;
	v25 =	vld.idx.msk [tilespmem:v4+s18+$0x0], $0xffff  }
0xdb: {  	s26 =	simm.s32 $0xE;
	v5 =	vor.u32 v1, v5;
	v12 =	vand.u32 $0xC00, v12;
	v17 =	vadd.s32 v0, v20;
	[tilespmem:s24+$0xFFFFFFA0] =	vst v15;
	v16 =	vld.idx.msk [tilespmem:v16+s18+$0x0], $0xffff  }
0xdc: {  	v11 =	vor.u32 v11, v12;
	v12 =	vshll.u32 v55, $0x3;
	v23 =	vmov s26;
	v13 =	vld.idx.msk [tilespmem:v13+s18+$0x0], $0xffff  }
0xdd: {  	v18 =	vor.u32 v0, v11;
	v11 =	vor.u32 v1, v11;
	v56 =	vshll.u32 v23, $0x3;
	[tilespmem:s24+$0x20] =	vst v6  }
0xde: {  	v12 =	vand.u32 $0xC00, v12;
	v21 =	vld.idx.msk [tilespmem:v21+s18+$0x0], $0xffff;
	v6 =	vand.u32 $0x7E, v23;
	v23 =	vand.u32 $0x7FFFFC00, v56;
	[tilespmem:s23+$0x50] =	vst v10  }
0xdf: {  	s30 =	simm.s32 $0x13;
	s26 =	simm.s32 $0x8280;
	v20 =	vadd.s32 v1, v20;
	v4 =	vand.u32 $0x7A, v55;
	v15 =	vor.u32 v6, v23;
	v14 =	vld.idx.msk [tilespmem:v14+s18+$0x0], $0xffff;
	[tilespmem:s23+$0xFFFFFFD0] =	vst v25  }
0xe0: {  	v4 =	vor.u32 v4, v12;
	v12 =	vmov s30;
	v23 =	vadd.s32 v0, v15;
	v17 =	vld.idx.msk [tilespmem:v17+s18+$0x0], $0xffff;
	[tilespmem:s26+$0x0] =	vst v16  }
0xe1: {  	v6 =	vor.u32 v0, v4;
	v10 =	vand.u32 $0x7B, v12;
	v12 =	vshll.u32 v12, $0x3;
	[tilespmem:s24+$0xFFFFFFB0] =	vst v13;
	v16 =	vld.idx.msk [tilespmem:v3+s18+$0x0], $0xffff  }
0xe2: {  	v4 =	vor.u32 v1, v4;
	v15 =	vadd.s32 v1, v15;
	v12 =	vand.u32 $0xC00, v12;
	v19 =	vld.idx.msk [tilespmem:v19+s18+$0x0], $0xffff  }
0xe3: {  	s28 =	simm.s32 $0x18;
	[tilespmem:s26+$0xFFFFFF80] =	vst v21;
	v3 =	vor.u32 v10, v12;
	v10 =	vand.u32 $0x7D, v57;
	v12 =	vand.u32 $0x7FFFFC00, v58;
	v21 =	vld.idx.msk [tilespmem:v5+s18+$0x0], $0xffff  }
0xe4: {  	v5 =	vor.u32 v0, v3;
	v10 =	vor.u32 v10, v12;
	v12 =	vld.idx.msk [tilespmem:v22+s18+$0x0], $0xffff;
	[tilespmem:s24+$0x30] =	vst v14;
	v14 =	vmov s28  }
0xe5: {  	v22 =	vadd.s32 v0, v10;
	v13 =	vld.idx.msk [tilespmem:v23+s18+$0x0], $0xffff;
	v23 =	vand.u32 $0x78, v14;
	v14 =	vshll.u32 v14, $0x3  }
0xe6: {  	v3 =	vor.u32 v1, v3;
	v26 =	vadd.s32 v1, v10;
	[tilespmem:s23+$0x60] =	vst v17;
	v14 =	vand.u32 $0xC00, v14  }
0xe7: {  	s13 =	simm.s32 $0x16;
	v17 =	vshll.u32 v59, $0x3;
	v14 =	vor.u32 v23, v14;
	v23 =	vand.u32 $0x7C, v59;
	[tilespmem:s24+$0xFFFFFFC0] =	vst v19  }
0xe8: {  	s4 =	simm.s32 $0x19;
	v20 =	vld.idx.msk [tilespmem:v20+s18+$0x0], $0xffff;
	v17 =	vand.u32 $0xC00, v17;
	[tilespmem:s23+$0xFFFFFFE0] =	vst v16;
	v16 =	vmov s13;
	v60 =	vor.u32 v0, v14  }
0xe9: {  	s7 =	simm.s32 $0xF;
	[tilespmem:s26+$0x10] =	vst v21;
	v61 =	vor.u32 v1, v14;
	v14 =	vor.u32 v23, v17;
	v17 =	vmov s4;
	v27 =	vld.idx.msk [tilespmem:v8+s18+$0x0], $0xffff  }
0xea: {  	[tilespmem:s26+$0xFFFFFF90] =	vst v12;
	v12 =	vmov s7;
	v21 =	vor.u32 v0, v14;
	v22 =	vld.idx.msk [tilespmem:v22+s18+$0x0], $0xffff;
	v23 =	vand.u32 $0x79, v17  }
0xeb: {  	s12 =	simm.s32 $0x1A;
	v17 =	vshll.u32 v17, $0x3;
	v18 =	vld.idx.msk [tilespmem:v18+s18+$0x0], $0xffff;
	v10 =	vand.u32 $0x7F, v12;
	[tilespmem:s24+$0x40] =	vst v13;
	v13 =	vshll.u32 v12, $0x3  }
0xec: {  	v19 =	vld.idx.msk [tilespmem:v15+s18+$0x0], $0xffff;
	v12 =	vand.u32 $0x7FFFFC00, v13;
	v13 =	vand.u32 $0xC00, v17;
	v15 =	vmov s12  }
0xed: {  	v28 =	vor.u32 v10, v12;
	v8 =	vor.u32 v23, v13;
	v10 =	vshll.u32 v15, $0x3;
	v24 =	vld.idx.msk [tilespmem:v60+s18+$0x0], $0xffff  }
0xee: {  	s30 =	simm.s32 $0x1B;
	v15 =	vand.u32 $0x7A, v15;
	[tilespmem:s23+$0x70] =	vst v20;
	v13 =	vadd.s32 v0, v28;
	v17 =	vand.u32 $0xC00, v10;
	v10 =	vld.idx.msk [tilespmem:v7+s18+$0x0], $0xffff  }
0xef: {  	v20 =	vmov s30;
	v12 =	vor.u32 v0, v8;
	v21 =	vld.idx.msk [tilespmem:v21+s18+$0x0], $0xffff;
	[tilespmem:s26+$0x20] =	vst v22;
	v22 =	vshll.u32 v16, $0x3  }
0xf0: {  	v7 =	vor.u32 v1, v14;
	v14 =	vand.u32 $0x7E, v16;
	[tilespmem:s26+$0xFFFFFFA0] =	vst v18;
	v23 =	vld.idx.msk [tilespmem:v26+s18+$0x0], $0xffff;
	v16 =	vand.u32 $0x7FFFFC00, v22  }
0xf1: {  	v8 =	vor.u32 v1, v8;
	v18 =	vor.u32 v15, v17;
	v17 =	vld.idx.msk [tilespmem:v11+s18+$0x0], $0xffff;
	v15 =	vor.u32 v14, v16  }
0xf2: {  	s31 =	simm.s32 $0x1D;
	v11 =	vor.u32 v1, v18;
	[tilespmem:s24+$0x50] =	vst v19;
	v16 =	vor.u32 v0, v18;
	v19 =	vadd.s32 v0, v15  }
0xf3: {  	s29 =	simm.s32 $0x8380;
	[tilespmem:s24+$0xFFFFFFD0] =	vst v27;
	v18 =	vand.u32 $0x7B, v20;
	v14 =	vshll.u32 v20, $0x3;
	v20 =	vmov s31;
	v13 =	vld.idx.msk [tilespmem:v13+s18+$0x0], $0xffff  }
0xf4: {  	v9 =	vld.idx.msk [tilespmem:v9+s18+$0x0], $0xffff;
	v22 =	vand.u32 $0xC00, v14;
	v62 =	vshll.u32 v20, $0x3;
	v14 =	vadd.s32 v1, v28;
	[tilespmem:s29+$0xFFFFFF80] =	vst v24  }
0xf5: {  	v20 =	vand.u32 $0x7D, v20;
	v18 =	vor.u32 v18, v22;
	v63 =	vand.u32 $0x7FFFFC00, v62;
	[tilespmem:s29+$0x0] =	vst v21;
	v22 =	vld.idx.msk [tilespmem:v61+s18+$0x0], $0xffff  }
0xf6: {  	s2 =	simm.s32 $0x6;
	s4 =	simm.s32 $0x20;
	v20 =	vor.u32 v20, v63;
	v21 =	vld.idx.msk [tilespmem:v7+s18+$0x0], $0xffff;
	v7 =	vor.u32 v0, v18;
	[tilespmem:s26+$0x30] =	vst v23  }
.LBB2_8:
0xf7: {  	v23 =	vmov s4;
	s7 =	sadd.s32 $0x1, s4;
	s12 =	sadd.s32 $0x4, s4;
	s2 =	sadd.s32 $0x2, s2;
	v18 =	vor.u32 v1, v18;
	v24 =	vadd.s32 v0, v20;
	[tilespmem:s26+$0xFFFFFFB0] =	vst v17;
	v17 =	vld.idx.msk [tilespmem:v19+s18+$0x0], $0xffff  }
0xf8: {  	s13 =	sadd.s32 $0x2, s4;
	s1 =	sadd.s32 $0x3, s4;
	v19 =	vand.u32 $0x78, v23;
	v23 =	vshll.u32 v23, $0x3;
	v25 =	vmov s12;
	p1 =	slt.u32 s2, $0x7E;
	v26 =	vld.idx.msk [tilespmem:v6+s18+$0x0], $0xffff;
	[tilespmem:s24+$0x60] =	vst v13;
	v6 =	vmovc v16  }
0xf9: {  	v15 =	vadd.s32 v1, v15;
	v13 =	vand.u32 $0xC00, v23;
	v16 =	vshll.u32 v25, $0x3;
	v14 =	vld.idx.msk [tilespmem:v14+s18+$0x0], $0xffff;
	[tilespmem:s23+$0xFFFFFFF0] =	vst v10;
	s23 =	smov.u32 s24;
	s24 =	smov.u32 s26;
	s26 =	smov.u32 s29  }
0xfa: {  	v10 =	vor.u32 v19, v13;
	v13 =	vand.u32 $0x7C, v25;
	v16 =	vand.u32 $0xC00, v16;
	[tilespmem:s23+$0xFFFFFFE0] =	vst v9  }
0xfb: {  	s12 =	sadd.s32 $0x7, s25;
	s25 =	smov.u32 s28;
	s28 =	smov.u32 s4;
	v9 =	vor.u32 v0, v10;
	v23 =	vor.u32 v1, v10;
	v13 =	vor.u32 v13, v16;
	[tilespmem:s29+$0x10] =	vst v21  }
0xfc: {  	v10 =	vmov s7;
	v21 =	vmov s12;
	v16 =	vor.u32 v0, v13;
	[tilespmem:s29+$0xFFFFFF90] =	vst v22;
	v19 =	vld.idx.msk [tilespmem:v24+s18+$0x0], $0xffff  }
0xfd: {  	v22 =	vand.u32 $0x79, v10;
	v10 =	vshll.u32 v10, $0x3;
	v24 =	vld.idx.msk [tilespmem:v12+s18+$0x0], $0xffff;
	[tilespmem:s24+$0x40] =	vst v17;
	v12 =	vshll.u32 v21, $0x3  }
0xfe: {  	v17 =	vadd.s32 v1, v20;
	[tilespmem:s24+$0xFFFFFFC0] =	vst v26;
	v20 =	vld.idx.msk [tilespmem:v15+s18+$0x0], $0xffff;
	v15 =	vand.u32 $0x7F, v21;
	v12 =	vand.u32 $0x7FFFFC00, v12  }
0xff: {  	v10 =	vand.u32 $0xC00, v10;
	v21 =	vmov s13;
	v25 =	vld.idx.msk [tilespmem:v4+s18+$0x0], $0xffff;
	v26 =	vor.u32 v15, v12;
	[tilespmem:s23+$0x70] =	vst v14;
	v4 =	vmovc v11  }
0x100: {  	s7 =	sadd.s32 $0x6, s25;
	v27 =	vld.idx.msk [tilespmem:v9+s18+$0x0], $0xffff;
	v9 =	vor.u32 v22, v10;
	v10 =	vshll.u32 v21, $0x3;
	v14 =	vadd.s32 v0, v26  }
0x101: {  	v11 =	vmov s7;
	v12 =	vor.u32 v0, v9;
	v9 =	vor.u32 v1, v9;
	v22 =	vld.idx.msk [tilespmem:v16+s18+$0x0], $0xffff  }
0x102: {  	v15 =	vand.u32 $0x7A, v21;
	v16 =	vand.u32 $0xC00, v10;
	[tilespmem:s29+$0x20] =	vst v19;
	v19 =	vshll.u32 v11, $0x3;
	v10 =	vld.idx.msk [tilespmem:v2+s18+$0x0], $0xffff;
	v2 =	vmovc v3;
	v3 =	vmovc v18  }
0x103: {  	v21 =	vor.u32 v1, v13;
	v11 =	vand.u32 $0x7E, v11;
	[tilespmem:s29+$0xFFFFFFA0] =	vst v24;
	v24 =	vld.idx.msk [tilespmem:v17+s18+$0x0], $0xffff;
	v13 =	vand.u32 $0x7FFFFC00, v19  }
0x104: {  	v28 =	vmov s1;
	v18 =	vor.u32 v15, v16;
	v17 =	vld.idx.msk [tilespmem:v8+s18+$0x0], $0xffff;
	v15 =	vor.u32 v11, v13;
	[tilespmem:s24+$0x50] =	vst v20;
	v8 =	vmovc v9  }
.Ltmp7:
0x105: {  	s1 =	sadd.s32 $0x5, s4;
	v16 =	vor.u32 v0, v18;
	v11 =	vor.u32 v1, v18;
	v19 =	vadd.s32 v0, v15;
	v13 =	vld.idx.msk [tilespmem:v14+s18+$0x0], $0xffff;
	(pc) =	sbr.rel @p1 .LBB2_8-.Ltmp7, $4  }
0x106: {  	s29 =	sadd.s32 $0x100, s29;
	v18 =	vand.u32 $0x7B, v28;
	v9 =	vshll.u32 v28, $0x3;
	v20 =	vmov s1;
	[tilespmem:s24+$0xFFFFFFD0] =	vst v25  }
0x107: {  	v14 =	vadd.s32 v1, v26;
	v25 =	vand.u32 $0xC00, v9;
	[tilespmem:s29+$0x0] =	vst v22;
	v22 =	vshll.u32 v20, $0x3;
	v9 =	vld.idx.msk [tilespmem:v5+s18+$0x0], $0xffff;
	v5 =	vmovc v7  }
0x108: {  	v18 =	vor.u32 v18, v25;
	v20 =	vand.u32 $0x7D, v20;
	[tilespmem:s29+$0xFFFFFF80] =	vst v27;
	v21 =	vld.idx.msk [tilespmem:v21+s18+$0x0], $0xffff;
	v25 =	vand.u32 $0x7FFFFC00, v22  }
0x109: {  	s4 =	sadd.s32 $0x8, s4;
	v7 =	vor.u32 v0, v18;
	v22 =	vld.idx.msk [tilespmem:v23+s18+$0x0], $0xffff;
	v20 =	vor.u32 v20, v25;
	[tilespmem:s26+$0x30] =	vst v24  }
0x10a: {  	v23 =	vadd.s32 v0, v20;
	_ =	sdelay $0x3  }
0x10b: {  	[tilespmem:s29+$0x10] =	vst v21  }
0x10c: {  	[tilespmem:s29+$0xFFFFFF90] =	vst v22;
	v21 =	vld.idx.msk [tilespmem:v23+s18+$0x0], $0xffff  }
0x10d: {  	v40 =	vadd.s32 v1, v20;
	v12 =	vld.idx.msk [tilespmem:v12+s18+$0x0], $0xffff  }
0x10e: {  	s1 =	sadd.s32 $0x6, s28  }
0x10f: {  	v41 =	vmov s1  }
0x110: {  	v42 =	vshll.u32 v41, $0x3  }
0x111: {  	v43 =	vand.u32 $0x7E, v41;
	v44 =	vand.u32 $0x7FFFFC00, v42;
	[tilespmem:s29+$0x20] =	vst v21  }
0x112: {  	v46 =	vor.u32 v43, v44;
	[tilespmem:s29+$0xFFFFFFA0] =	vst v12;
	v45 =	vld.idx.msk [tilespmem:v40+s18+$0x0], $0xffff  }
0x113: {  	v21 =	vadd.s32 v0, v46;
	v8 =	vld.idx.msk [tilespmem:v8+s18+$0x0], $0xffff;
	_ =	sdelay $0x1  }
0x114: {  	[tilespmem:s26+$0xFFFFFFB0] =	vst v17  }
0x115: {  	v6 =	vld.idx.msk [tilespmem:v6+s18+$0x0], $0xffff  }
0x116: {  	v47 =	vld.idx.msk [tilespmem:v19+s18+$0x0], $0xffff;
	[tilespmem:s29+$0x30] =	vst v45  }
0x117: {  	v15 =	vadd.s32 v1, v15;
	[tilespmem:s29+$0xFFFFFFB0] =	vst v8;
	v48 =	vld.idx.msk [tilespmem:v21+s18+$0x0], $0xffff  }
0x118: {  	s25 =	sadd.s32 $0x7, s25;
	v50 =	vadd.s32 v1, v46;
	v16 =	vld.idx.msk [tilespmem:v16+s18+$0x0], $0xffff  }
0x119: {  	s30 =	sadd.s32 $0x7, s28;
	v49 =	vmov s25  }
0x11a: {  	v53 =	vmov s30;
	v51 =	vshll.u32 v49, $0x3;
	[tilespmem:s26+$0xFFFFFFC0] =	vst v6  }
0x11b: {  	v55 =	vshll.u32 v53, $0x3;
	v52 =	vand.u32 $0x7FFFFC00, v51;
	[tilespmem:s26+$0x40] =	vst v47;
	v4 =	vld.idx.msk [tilespmem:v4+s18+$0x0], $0xffff;
	v12 =	vand.u32 $0x7F, v49  }
0x11c: {  	v56 =	vand.u32 $0x7F, v53;
	v54 =	vld.idx.msk [tilespmem:v15+s18+$0x0], $0xffff;
	v15 =	vand.u32 $0x7FFFFC00, v55;
	v12 =	vor.u32 v12, v52;
	[tilespmem:s29+$0x40] =	vst v48  }
0x11d: {  	v17 =	vadd.s32 v0, v12;
	v8 =	vor.u32 v56, v15;
	[tilespmem:s29+$0xFFFFFFC0] =	vst v16;
	v57 =	vld.idx.msk [tilespmem:v50+s18+$0x0], $0xffff  }
0x11e: {  	v15 =	vadd.s32 v0, v8;
	v11 =	vld.idx.msk [tilespmem:v11+s18+$0x0], $0xffff  }
0x11f: {  	[tilespmem:s24+$0x60] =	vst v13  }
0x120: {  	[tilespmem:s26+$0xFFFFFFD0] =	vst v4  }
0x121: {  	[tilespmem:s26+$0x50] =	vst v54;
	v4 =	vld.idx.msk [tilespmem:v5+s18+$0x0], $0xffff  }
0x122: {  	v6 =	vld.idx.msk [tilespmem:v17+s18+$0x0], $0xffff;
	[tilespmem:s29+$0x50] =	vst v57  }
0x123: {  	v58 =	vadd.s32 v1, v12;
	[tilespmem:s29+$0xFFFFFFD0] =	vst v11;
	v59 =	vld.idx.msk [tilespmem:v15+s18+$0x0], $0xffff  }
0x124: {  	[tilespmem:s23+$0xFFFFFFF0] =	vst v10;
	v8 =	vadd.s32 v1, v8;
	v7 =	vld.idx.msk [tilespmem:v7+s18+$0x0], $0xffff  }
0x125: {  	v60 =	vor.u32 v1, v18;
	v61 =	vld.idx.msk [tilespmem:v14+s18+$0x0], $0xffff;
	[tilespmem:s24+$0xFFFFFFE0] =	vst v9  }
0x126: {  	v2 =	vld.idx.msk [tilespmem:v2+s18+$0x0], $0xffff;
	[tilespmem:s26+$0xFFFFFFE0] =	vst v4  }
0x127: {  	v3 =	vld.idx.msk [tilespmem:v3+s18+$0x0], $0xffff;
	[tilespmem:s26+$0x60] =	vst v6  }
0x128: {  	v5 =	vld.idx.msk [tilespmem:v58+s18+$0x0], $0xffff;
	[tilespmem:s29+$0x60] =	vst v59  }
0x129: {  	[tilespmem:s29+$0xFFFFFFE0] =	vst v7;
	v62 =	vld.idx.msk [tilespmem:v8+s18+$0x0], $0xffff  }
0x12a: {  	[tilespmem:s24+$0x70] =	vst v61;
	v63 =	vld.idx.msk [tilespmem:v60+s18+$0x0], $0xffff  }
0x12b: {  	[tilespmem:s24+$0xFFFFFFF0] =	vst v2  }
0x12c: {  	[tilespmem:s26+$0xFFFFFFF0] =	vst v3  }
0x12d: {  	[tilespmem:s26+$0x70] =	vst v5  }
0x12e: {  	s31 =	sshll.u32 s22, $0xB;
	[tilespmem:s29+$0x70] =	vst v62  }
.Ltmp8:
0x12f: {  	s1 =	sadd.s32 s5, s31;
	[tilespmem:s29+$0xFFFFFFF0] =	vst v63;
	(pc) =	sbr.rel .LBB2_10-.Ltmp8, $4  }
0x130: {  	[hbm4b:s1+s3] =	stream.linear.scatter [tilespmem:s15], [sflag:$0x3], $0x4000, $0x38;
	[tilespmem:$0xC000] =	vst v63  }
0x131: {  	_ =	swait.ge [sflag:s19], $0x4000  }
0x132: {  	[sflag:s19] =	ssyncset.done $0x0  }
0x133: {  	[sflag:s19] =	ssyncadd.s32 $0xFFFFC000  }
.LBB2_12:
0x134: {  	_ =	sfence.sel $0x180000  }
0x135: {  	[bflag:$0x0] =	sbarrier.arrive $0xFFFF  }
0x136: {  	_ =	strace $0x90000047  }
0x137: {  	s0 =	stileid.u32;
	[bflag:$0x2] =	sbarrier.arrive $0xFFFF  }
0x138: {  	p0 =	sne.s32 s0, $0x0;
	s0 =	rddreg [dreg:$0x3]  }
0x139: {  	s0 =	sadd.s32 @!p0 $0x100000, s0  }
0x13a: {  	[sflag:s0] =	ssyncadd.tile.s32 @!p0 $0x1;
	_ =	shalt  }
.Lfunc_end2:
_tile_overlayer_lowered:
.L_overlay_start_2:
0x13b: {  	(tag) =	ssettag $0x2  }
0x13c: {  	s0 =	rddreg [dreg:$0x0];
	s2 =	stileid.u32  }
0x13d: {  	s1 =	rddreg [dreg:$0x1];
	p0 =	sne.s32 s2, $0x0  }
0x13e: {  	s3 =	rddreg [dreg:$0x2];
	[bflag:$0x3] =	sbarrier.arrive $0xFFFF;
	s2 =	simm.s32 @!p0 $0x1C03  }
0x13f: {  	[timem:s3], [sflag:s2] =	dma.local @!p0 [hbm:s0], s1  }
0x140: {  	s0 =	simm.s32 @!p0 $0x3  }
0x141: {  	_ =	swait.ge @!p0 [sflag:s0], s1  }
0x142: {  	s1 =	ssub.s32 @!p0 $0x0, s1;
	[sflag:s0] =	ssyncset.done @!p0 $0x0  }
0x143: {  	[sflag:s0] =	ssyncadd.s32 @!p0 s1  }
0x144: {  	[bflag:$0x3] =	sbarrier.arrive $0xFFFF  }
0x145: {  	_ =	shalt  }

// kernel: kernel.7.cloned.1.call-start
scs
__scs_entry_jumppad:
0x0: {  	(pc) =	sbr.rel $0x88, $3  }
0x1: {  	(tag) =	ssettag $0x0;
	lr =	simm.s32 $0x1  }
0x2: {  	[smem:$0x3F9F] =	sst lr;
	_ =	strace $0xD0000000  }
0x3: {  	_ = 	snop  }
0x4: {  	_ = 	snop  }
0x5: {  	_ = 	snop  }
0x6: {  	_ = 	snop  }
0x7: {  	_ = 	snop  }
__scs_overlays_trampoline_lowered:
0x8: {  	[smem:$0x3FAE] =	sst s0  }
0x9: {  	[smem:$0x3FAF] =	sst s1  }
0xa: {  	[smem:$0x3FB0] =	sst s2  }
0xb: {  	[smem:$0x3FB1] =	sst s3  }
0xc: {  	[smem:$0x3FB2] =	sst s4  }
0xd: {  	[smem:$0x3FB3] =	sst s5  }
0xe: {  	[smem:$0x3FB4] =	sst s6  }
0xf: {  	[smem:$0x3FB5] =	sst s7  }
0x10: {  	[smem:$0x3FB6] =	sst s8  }
0x11: {  	[smem:$0x3FB7] =	sst s9;
	s0 =	simm.s32 @!p0 $0x0  }
0x12: {  	s1 =	sld [smem:$0x3F9D];
	s0 =	simm.s32 @p0 $0x1  }
0x13: {  	[smem:$0x3FB8] =	sst s0;
	s0 =	simm.s32 @!p1 $0x0  }
0x14: {  	s2 =	sld [smem:$0x3F9C];
	s0 =	simm.s32 @p1 $0x1  }
0x15: {  	[smem:$0x3FB9] =	sst s0;
	s0 =	simm.s32 @!p2 $0x0  }
0x16: {  	s3 =	sld [smem:$0x3FDB];
	s0 =	simm.s32 @p2 $0x1  }
0x17: {  	s4 =	simm.s32 $0x1BF5;
	[smem:$0x3FBB] =	sst s0  }
0x18: {  	s0 =	sld [smem:$0x3F9E];
	_ =	swait.ge [sflag:s4], $0x0  }
0x19: {  	s7 =	sld [smem:$0x3F9F]  }
0x1a: {  	s8 =	sadd.s32 $0xFFFFE003, lr  }
0x1b: {  	s9 =	sadd.s32 $0xFFFFFEF7, lr;
	s5 =	simm.s32 $0xFFFFFFFF;
	p2 =	slt.u32 s8, $0xFFFFF086  }
0x1c: {  	p1 =	slt.u32 s9, $0xF7A;
	s5 =	simm.s32 @!p2 $0x0  }
0x1d: {  	s5 =	simm.s32 @p1 $0x1;
	p0 =	seq.s32 s7, s2  }
0x1e: {  	s7 =	smul.u32 @!p0 $0xF7A, s2;
	p2 =	seq.s32 @!p0 s5, $0x0  }
0x1f: {  	s9 =	smul.u32 $0xF7A, s1;
	s8 =	simm.s32 @!p0 $0x1BF5;
	p2 =	por !p2, p0  }
0x20: {  	[sflag:s8] =	ssyncset.s32 @!p0 $0xFFFFF086;
	s6 =	sadd.s32 @!p0 s3, s7;
	s7 =	simm.s32 @!p0 $0x108  }
0x21: {  	s3 =	sadd.s32 s3, s9;
	s6 =	sadd.s32 @!p0 $0x88, s6;
	s7 =	simm.s32 @p2 $0x1082  }
0x22: {  	[simem:s7], [sflag:s8] =	dma.local @!p0 [hbm:s6], $0xF7A  }
0x23: {  	s9 =	sor.u32 $0xD0000000, s2;
	s6 =	simm.s32 $0x108;
	_ =	swait.ge @!p0 [sflag:s8], $0x0  }
0x24: {  	s3 =	sadd.s32 $0x88, s3;
	s6 =	simm.s32 @!p1 $0x1082;
	[sflag:s4] =	ssyncset.s32 $0xFFFFF086  }
0x25: {  	[simem:s6], [sflag:s4] =	dma.local [hbm:s3], $0xF7A  }
0x26: {  	[smem:$0x3F9F] =	sst s1;
	(tag) =	ssettag s2;
	_ =	strace s9  }
0x27: {  	s1 =	sld [smem:$0x3FAF]  }
0x28: {  	s2 =	sld [smem:$0x3FB0]  }
0x29: {  	s4 =	sld [smem:$0x3FB2]  }
0x2a: {  	p0 =	seq.s32 s5, $0x0;
	s5 =	sld [smem:$0x3FB3]  }
0x2b: {  	s6 =	sld [smem:$0x3FB4]  }
0x2c: {  	s7 =	sld [smem:$0x3FB5]  }
0x2d: {  	s3 =	simm.s32 $0x108;
	s8 =	sld [smem:$0x3FB6]  }
0x2e: {  	s3 =	simm.s32 @!p0 $0x1082;
	s9 =	sld [smem:$0x3FB7]  }
0x2f: {  	lr =	sadd.s32 s0, s3;
	s0 =	sld [smem:$0x3FAE]  }
0x30: {  	s3 =	sld [smem:$0x3FB1]  }
0x31: {  	[smem:$0x3FBA] =	sst s10  }
0x32: {  	s10 =	sld [smem:$0x3FB8];
	_ =	sdelay $0x3  }
0x33: {  	p0 =	seq.s32 s10, $0x1;
	s10 =	sld [smem:$0x3FBA];
	_ =	sdelay $0x3  }
0x34: {  	[smem:$0x3FBA] =	sst s10  }
0x35: {  	s10 =	sld [smem:$0x3FB9];
	_ =	sdelay $0x3  }
0x36: {  	p1 =	seq.s32 s10, $0x1;
	s10 =	sld [smem:$0x3FBA];
	_ =	sdelay $0x3  }
0x37: {  	[smem:$0x3FBA] =	sst s10  }
0x38: {  	s10 =	sld [smem:$0x3FBB]  }
0x39: {  	_ = 	snop;
	(pc) =	sbr.ind lr, $3  }
0x3a: {  	_ = 	snop  }
0x3b: {  	_ = 	snop  }
0x3c: {  	p2 =	seq.s32 s10, $0x1;
	s10 =	sld [smem:$0x3FBA]  }
0x3d: {  	_ =	shalt  }
0x3e: {  	_ =	shalt  }
0x3f: {  	_ =	shalt  }
0x40: {  	_ =	shalt  }
0x41: {  	_ =	shalt  }
0x42: {  	_ =	shalt  }
0x43: {  	_ =	shalt  }
0x44: {  	_ =	shalt  }
0x45: {  	_ =	shalt  }
0x46: {  	_ =	shalt  }
0x47: {  	_ =	shalt  }
0x48: {  	_ =	shalt  }
0x49: {  	_ =	shalt  }
0x4a: {  	_ =	shalt  }
0x4b: {  	_ =	shalt  }
0x4c: {  	_ =	shalt  }
0x4d: {  	_ =	shalt  }
0x4e: {  	_ =	shalt  }
0x4f: {  	_ =	shalt  }
0x50: {  	_ =	shalt  }
0x51: {  	_ =	shalt  }
0x52: {  	_ =	shalt  }
0x53: {  	_ =	shalt  }
0x54: {  	_ =	shalt  }
0x55: {  	_ =	shalt  }
0x56: {  	_ =	shalt  }
0x57: {  	_ =	shalt  }
0x58: {  	_ =	shalt  }
0x59: {  	_ =	shalt  }
0x5a: {  	_ =	shalt  }
0x5b: {  	_ =	shalt  }
0x5c: {  	_ =	shalt  }
0x5d: {  	_ =	shalt  }
0x5e: {  	_ =	shalt  }
0x5f: {  	_ =	shalt  }
0x60: {  	_ =	shalt  }
0x61: {  	_ =	shalt  }
0x62: {  	_ =	shalt  }
0x63: {  	_ =	shalt  }
0x64: {  	_ =	shalt  }
0x65: {  	_ =	shalt  }
0x66: {  	_ =	shalt  }
0x67: {  	_ =	shalt  }
0x68: {  	_ =	shalt  }
0x69: {  	_ =	shalt  }
0x6a: {  	_ =	shalt  }
0x6b: {  	_ =	shalt  }
0x6c: {  	_ =	shalt  }
0x6d: {  	_ =	shalt  }
0x6e: {  	_ =	shalt  }
0x6f: {  	_ =	shalt  }
0x70: {  	_ =	shalt  }
0x71: {  	_ =	shalt  }
0x72: {  	_ =	shalt  }
0x73: {  	_ =	shalt  }
0x74: {  	_ =	shalt  }
0x75: {  	_ =	shalt  }
0x76: {  	_ =	shalt  }
0x77: {  	_ =	shalt  }
0x78: {  	_ =	shalt  }
0x79: {  	_ =	shalt  }
0x7a: {  	_ =	shalt  }
0x7b: {  	_ =	shalt  }
0x7c: {  	_ =	shalt  }
0x7d: {  	_ =	shalt  }
0x7e: {  	_ =	shalt  }
0x7f: {  	_ =	shalt  }
0x80: {  	_ =	shalt  }
0x81: {  	_ =	shalt  }
0x82: {  	_ =	shalt  }
0x83: {  	_ =	shalt  }
0x84: {  	_ =	shalt  }
0x85: {  	_ =	shalt  }
0x86: {  	_ =	shalt  }
0x87: {  	_ =	shalt  }
.Lfunc_end0:
.L_simem_size_0:
called_computation.1_lowered:
.L_overlay_start_0:
0x88: {  	s2 =	sld [smem:$0x3FD9]  }
0x89: {  	s3 =	sld [smem:$0x3FFE];
	_ =	sdelay $0x1  }
0x8a: {  	s1 =	srdreg.scid  }
0x8b: {  	s0 =	sand.u32 $0x1, s1  }
0x8c: {  	s17 =	sshll.u32 s0, $0xA;
	s2 =	sadd.s32 s3, s2  }
0x8d: {  	s2 =	sadd.s32 s2, s17  }
0x8e: {  	[smem:$0x3FC6] =	sst s2  }
0x8f: {  	_ = 	snop  }
0x90: {  	s2 =	sld [smem:$0x3FD0];
	(tm) =	ssettm $0x1  }
0x91: {  	s18 =	sld [smem:$0x3FFB];
	_ =	sdelay $0x3  }
0x92: {  	_ =	strace s18  }
0x93: {  	s3 =	sld [smem:$0x3FFC];
	_ =	sdelay $0x3  }
0x94: {  	_ =	strace s3  }
0x95: {  	s3 =	sld [smem:$0x3FFD];
	_ =	sdelay $0x3  }
0x96: {  	_ =	strace s3  }
0x97: {  	_ =	strace $0x8FFFFFFF  }
0x98: {  	s19 =	sld [smem:$0x3FDB];
	_ =	sdelay $0x1  }
0x99: {  	s4 =	simm.s32 $_scs_section_size  }
0x9a: {  	s5 =	simm.s32 $_size__tile_overlayer_lowered;
	s6 =	simm.s32 $_tile_overlayer_lowered  }
0x9b: {  	s22 =	simm.s32 $0x1BFF;
	s21 =	sshll.u32 s6, $0x1;
	s3 =	sadd.s32 s4, s19  }
0x9c: {  	s7 =	simm.s32 $0x0;
	s20 =	sshll.u32 s5, $0x1;
	s5 =	sadd.s32 s21, s3  }
0x9d: {  	[timem:s7], [sflag:s22] =	dma.local [hbm:s5], s20  }
0x9e: {  	_ =	swait.ge [sflag:s22], s20  }
0x9f: {  	s4 =	ssub.s32 $0x0, s20;
	[sflag:s22] =	ssyncset.done $0x0  }
0xa0: {  	[sflag:s22] =	ssyncadd.s32 s4;
	_ =	sdelay $0x1  }
0xa1: {  	s23 =	simm.s32 $0x1B8B  }
0xa2: {  	_ =	swait.ge [sflag:s23], $0x1  }
0xa3: {  	[sflag:s23] =	ssyncset.done $0x0  }
0xa4: {  	s25 =	simm.s32 $0x1B8E;
	s24 =	sld [smem:$0x3FFE];
	[sflag:s23] =	ssyncadd.s32 $0xFFFFFFFF  }
0xa5: {  	s26 =	simm.s32 $execute0_lowered;
	[smem:$0x3FD2] =	sst s25  }
0xa6: {  	s5 =	sshll.u32 s26, $0x1;
	_ =	strace $0x80000049;
	[dreg:$0x1] =	wrdreg $0xFFFFFFFF  }
0xa7: {  	s28 =	simm.s32 $_size_execute0_lowered;
	s3 =	sadd.s32 s3, s5;
	[dreg:$0x0] =	wrdreg $0x0  }
0xa8: {  	s5 =	sshll.u32 s28, $0x1;
	[dreg:$0x2] =	wrdreg s3  }
0xa9: {  	[dreg:$0x3] =	wrdreg s5  }
0xaa: {  	[dreg:$0x4] =	wrdreg $0xC0  }
0xab: {  	_ =	task [dreg:s7], $0x5FFFF  }
0xac: {  	[dreg:$0x1] =	wrdreg $0xFFFFFFFF  }
0xad: {  	[dreg:$0x0] =	wrdreg $0x60  }
0xae: {  	[dreg:$0x2] =	wrdreg s24  }
0xaf: {  	[dreg:$0x3] =	wrdreg s2  }
0xb0: {  	[dreg:$0x4] =	wrdreg $0x9  }
0xb1: {  	_ =	task.clear_ibuf [dreg:s7], $0x5FFFF;
	_ =	strace $0x90000049  }
0xb2: {  	s29 =	simm.s32 $0x9;
	_ =	strace $0x8000004B  }
0xb3: {  	_ =	swait.ge [sflag:s29], $0x1  }
0xb4: {  	[sflag:s29] =	ssyncadd.s32 $0xFFFFFFFF  }
0xb5: {  	_ =	strace $0x9000004B  }
0xb6: {  	_ =	sfence  }
0xb7: {  	s30 =	sld [smem:$0x0];
	_ =	sdelay $0x2  }
0xb8: {  	s31 =	sshll.u32 s1, $0xD;
	s1 =	sshrl.u32 s1, $0x2  }
0xb9: {  	s3 =	sand.u32 $0x4000, s31;
	s1 =	sadd.s32 s1, s30  }
0xba: {  	s0 =	sor.u32 s3, s0;
	s1 =	sshll.u32 s1, $0x11  }
0xbb: {  	s0 =	sor.u32 s1, s0  }
0xbc: {  	s0 =	sadd.s32 $0x8F2B, s0  }
0xbd: {  	[sflag:s0] =	ssyncadd.remote.s32 $0x1  }
0xbe: {  	_ =	sfence.sel $0xFFFF  }
0xbf: {  	[dreg:$0x0] =	wrdreg $0xFFFFFFFF;
	(pc) =	sbr.abs _section_cstart, $3  }
0xc0: {  	[dreg:$0x1] =	wrdreg $0xFFFFFFFF  }
0xc1: {  	_ =	task.clear_ibuf [dreg:s7], $0x2FFFF;
	_ =	strace $0x9FFFFFFF  }
0xc2: {  	(tm) =	ssettm $0x7FFFFFFF  }
0xc3: {  	_ =	shalt  }
tec
execute0_lowered:
.L_overlay_start_1:
0x0: {  	(tag) =	ssettag $0x1  }
0x1: {  	s0 =	rddreg [dreg:$0x0];
	s1 =	srdreg.scid  }
0x2: {  	s2 =	stileid.u32;
	s3 =	simm.s32 $0x0;
	s10 =	simm.s32 $0x3  }
0x3: {  	s11 =	simm.s32 $0x6400;
	s1 =	sand.u32 $0x1, s1;
	s2 =	sshll.u32 s2, $0x1  }
0x4: {  	v0 =	vlaneseq.u32;
	s12 =	simm.s32 $0x7400;
	s13 =	simm.s32 $0x1;
	s2 =	sor.u32 s1, s2  }
0x5: {  	s17 =	simm.s32 $0x2;
	v0 =	vmul.u32 $0x20, v0;
	s1 =	ssub.s32 $0x2, s1;
	s29 =	sshll.u32 s2, $0x4  }
0x6: {  	[smem:$0x7FF] =	sst s3;
	s30 =	sshrl.u32 s1, $0x1;
	s3 =	sadd.s32 s29, s0  }
0x7: {  	s4 =	sadd.s32 $0xA00, s0;
	v1 =	vor.u32 $0x200, v0;
	s0 =	ssub.s32 s1, s30;
	s31 =	sadd.s32 $0x3D1400, s3  }
0x8: {  	_ =	strace $0x8000004A;
	v2 =	vor.u32 $0x400, v0;
	v3 =	vor.u32 $0x600, v0;
	v4 =	vor.u32 $0x800, v0;
	s0 =	smax.u32 s0, $0x1;
	[dreg:$0x3] =	wrdreg s31  }
0x9: {  	s6 =	sshll.u32 s2, $0xA;
	v5 =	vor.u32 $0xA00, v0;
	v6 =	vor.u32 $0xC00, v0;
	v7 =	vor.u32 $0xE00, v0;
	s1 =	simm.s32 $0x0;
	[dreg:$0x4] =	wrdreg s0  }
.LBB2_1:
0xa: {  	[dreg:$0x5] =	wrdreg s1;
	s0 =	simm.s32 $0x0  }
0xb: {  	s31 =	rddreg [dreg:$0x3];
	s2 =	simm.s32 $0x80;
	s3 =	simm.s32 $0x1000  }
0xc: {  	[tilespmem:s0], [sflag:$0x3] =	stream.strided.gather [hbm4b:s31+s2], $0x6400, s3, s2, $0x38;
	[tilespmem:$0x9400] =	vst v63  }
0xd: {  	_ =	swait.ge [sflag:s10], $0x6400  }
0xe: {  	[sflag:s10] =	ssyncset.done $0x0  }
0xf: {  	s19 =	simm.s32 $0x0;
	[sflag:s10] =	ssyncadd.s32 $0xFFFF9C00  }
0x10: {  	[tilespmem:s11], [sflag:$0x1] =	stream.indirect.gather [hbm4b:s4+s2], $0x20, s0, s2, $0xb8;
	[tilespmem:$0x9400] =	vst v63  }
.LBB2_2:
0x11: {  	s0 =	simm.s32 $0x2  }
0x12: {  	v8 =	vmov s0  }
0x13: {  	v8 =	vand.u32 $0x1E, v8  }
0x14: {  	s20 =	sshllo.u32 s19, $0x1;
	v21 =	vbroadcast v8, $0x0  }
0x15: {  	s5 =	sshll.u32 s20, $0x7  }
0x16: {  	s1 =	simm.s32 $0x80;
	s7 =	simm.s32 $0x0;
	s0 =	sand.u32 $0x3FFFFF80, s5;
	v8 =	vor.u32 v0, v21  }
0x17: {  	[tilespmem:s12], [sflag:$0x2] =	stream.indirect.gather [hbm4b:s4+s1], $0x20, s0, s1, $0xb8;
	[tilespmem:$0x9400] =	vst v63  }
0x18: {  	v9 =	vmov s7;
	_ =	swait.ge [sflag:s13], $0x1000  }
0x19: {  	v9 =	vand.u32 $0x1C, v9;
	[sflag:s13] =	ssyncset.done $0x0  }
0x1a: {  	v22 =	vbroadcast v9, $0x0;
	[sflag:s13] =	ssyncadd.s32 $0xFFFFF000  }
0x1b: {  	s8 =	simm.s32 $0x3;
	v8 =	vld.idx.msk [tilespmem:v8+s11+$0x0], $0xffff  }
0x1c: {  	v10 =	vmov s8;
	v9 =	vor.u32 v0, v22  }
0x1d: {  	v10 =	vand.u32 $0x1F, v10  }
0x1e: {  	s9 =	simm.s32 $0x0;
	v20 =	vbroadcast v10, $0x0;
	v11 =	vor.u32 v1, v21  }
0x1f: {  	s14 =	simm.s32 $0x100;
	s0 =	sand.u32 $0xC00, s9  }
0x20: {  	s15 =	simm.s32 $0x6;
	s1 =	sand.u32 $0x300, s14;
	s0 =	sadd.s32 $0x8400, s0;
	v10 =	vor.u32 v0, v20;
	v8 =	vmul.f32 $5.656854150e+00, v8  }
0x21: {  	s26 =	sor.u32 s1, s0;
	v12 =	vld.idx.msk [tilespmem:v9+s11+$0x0], $0xffff;
	v9 =	vmov s15  }
0x22: {  	s16 =	simm.s32 $0x1;
	v9 =	vand.u32 $0x1E, v9;
	[tilespmem:s26+$0x0] =	vst v8  }
0x23: {  	v13 =	vmov s16;
	v9 =	vbroadcast v9, $0x0;
	v8 =	vld.idx.msk [tilespmem:v11+s11+$0x0], $0xffff  }
0x24: {  	v13 =	vand.u32 $0x1D, v13;
	v11 =	vor.u32 v1, v22  }
0x25: {  	v24 =	vbroadcast v13, $0x0;
	v10 =	vld.idx.msk [tilespmem:v10+s11+$0x0], $0xffff;
	v15 =	vor.u32 v0, v9  }
0x26: {  	v14 =	vor.u32 v2, v21;
	v12 =	vmul.f32 $5.656854150e+00, v12  }
0x27: {  	s29 =	simm.s32 $0x8440;
	v16 =	vor.u32 v0, v24  }
0x28: {  	s18 =	simm.s32 $0x4;
	v13 =	vor.u32 v1, v20;
	[tilespmem:s29+$0xFFFFFFC0] =	vst v12;
	v8 =	vmul.f32 $5.656854150e+00, v8  }
0x29: {  	s21 =	simm.s32 $0x180;
	v12 =	vmov s18;
	v11 =	vld.idx.msk [tilespmem:v11+s11+$0x0], $0xffff  }
0x2a: {  	s2 =	simm.s32 $0x7;
	s1 =	sand.u32 $0x380, s21;
	v10 =	vmul.f32 $5.656854150e+00, v10;
	v15 =	vld.idx.msk [tilespmem:v15+s11+$0x0], $0xffff;
	[tilespmem:s26+$0x10] =	vst v8;
	v8 =	vand.u32 $0x1C, v12  }
0x2b: {  	s30 =	sor.u32 s1, s0;
	v17 =	vld.idx.msk [tilespmem:v14+s11+$0x0], $0xffff;
	v12 =	vbroadcast v8, $0x0;
	v14 =	vmov s2  }
0x2c: {  	v16 =	vld.idx.msk [tilespmem:v16+s11+$0x0], $0xffff;
	[tilespmem:s30+$0x0] =	vst v10;
	v8 =	vor.u32 v2, v22;
	v10 =	vand.u32 $0x1F, v14  }
0x2d: {  	s22 =	simm.s32 $0x200;
	v18 =	vor.u32 v0, v12;
	v14 =	vbroadcast v10, $0x0;
	v10 =	vld.idx.msk [tilespmem:v13+s11+$0x0], $0xffff  }
0x2e: {  	s23 =	simm.s32 $0x300;
	s1 =	sand.u32 $0xC00, s22;
	v19 =	vor.u32 v1, v9;
	v11 =	vmul.f32 $5.656854150e+00, v11  }
0x2f: {  	s1 =	sadd.s32 $0x8400, s1;
	v15 =	vmul.f32 $5.656854150e+00, v15;
	s2 =	sand.u32 $0x300, s23;
	v23 =	vor.u32 v0, v14  }
0x30: {  	s24 =	simm.s32 $0x80;
	s3 =	simm.s32 $0x5;
	v25 =	vor.u32 v1, v24;
	s21 =	sor.u32 s2, s1;
	[tilespmem:s29+$0xFFFFFFD0] =	vst v11;
	v17 =	vmul.f32 $5.656854150e+00, v17  }
0x31: {  	v16 =	vmul.f32 $5.656854150e+00, v16;
	s2 =	sand.u32 $0x280, s24;
	[tilespmem:s21+$0x0] =	vst v15;
	v15 =	vmov s3;
	v11 =	vor.u32 v2, v20;
	v8 =	vld.idx.msk [tilespmem:v8+s11+$0x0], $0xffff  }
0x32: {  	v13 =	vor.u32 v3, v21;
	s0 =	sor.u32 s2, s0;
	v15 =	vand.u32 $0x1D, v15;
	[tilespmem:s26+$0x20] =	vst v17;
	v17 =	vld.idx.msk [tilespmem:v18+s11+$0x0], $0xffff;
	v10 =	vmul.f32 $5.656854150e+00, v10  }
0x33: {  	[tilespmem:s0+$0x0] =	vst v16;
	v15 =	vbroadcast v15, $0x0;
	v18 =	vld.idx.msk [tilespmem:v19+s11+$0x0], $0xffff  }
0x34: {  	[tilespmem:s30+$0x10] =	vst v10;
	v10 =	vld.idx.msk [tilespmem:v23+s11+$0x0], $0xffff  }
0x35: {  	v25 =	vld.idx.msk [tilespmem:v25+s11+$0x0], $0xffff;
	v26 =	vor.u32 v0, v15  }
0x36: {  	v28 =	vor.u32 v2, v24;
	v19 =	vor.u32 v1, v12;
	v11 =	vld.idx.msk [tilespmem:v11+s11+$0x0], $0xffff;
	v8 =	vmul.f32 $5.656854150e+00, v8  }
0x37: {  	s25 =	simm.s32 $0xA;
	v30 =	vor.u32 v3, v20;
	v13 =	vld.idx.msk [tilespmem:v13+s11+$0x0], $0xffff;
	v16 =	vmul.f32 $5.656854150e+00, v17;
	v17 =	vor.u32 v2, v9  }
0x38: {  	s23 =	simm.s32 $0x8640;
	v27 =	vor.u32 v1, v14;
	v18 =	vmul.f32 $5.656854150e+00, v18;
	[tilespmem:s29+$0xFFFFFFE0] =	vst v8;
	v8 =	vmov s25  }
0x39: {  	v23 =	vor.u32 v3, v22;
	v8 =	vand.u32 $0x1E, v8;
	[tilespmem:s23+$0xFFFFFFC0] =	vst v16;
	v10 =	vmul.f32 $5.656854150e+00, v10  }
0x3a: {  	s7 =	simm.s32 $0xB;
	s5 =	simm.s32 $0x380;
	s3 =	simm.s32 $0x8;
	v16 =	vor.u32 v4, v21;
	[tilespmem:s21+$0x10] =	vst v18;
	v8 =	vbroadcast v8, $0x0;
	v18 =	vmul.f32 $5.656854150e+00, v25;
	v25 =	vld.idx.msk [tilespmem:v26+s11+$0x0], $0xffff  }
0x3b: {  	v26 =	vmov s7;
	v19 =	vld.idx.msk [tilespmem:v19+s11+$0x0], $0xffff;
	v29 =	vmul.f32 $5.656854150e+00, v11;
	v11 =	vmov s3;
	s3 =	sand.u32 $0x380, s5  }
0x3c: {  	v13 =	vmul.f32 $5.656854150e+00, v13;
	v26 =	vand.u32 $0x1F, v26;
	v11 =	vand.u32 $0x1C, v11;
	s28 =	sor.u32 s3, s1;
	[tilespmem:s0+$0x10] =	vst v18;
	v17 =	vld.idx.msk [tilespmem:v17+s11+$0x0], $0xffff  }
0x3d: {  	v31 =	vor.u32 v0, v8;
	v11 =	vbroadcast v11, $0x0;
	[tilespmem:s28+$0x0] =	vst v10;
	v10 =	vbroadcast v26, $0x0;
	v26 =	vld.idx.msk [tilespmem:v28+s11+$0x0], $0xffff  }
0x3e: {  	[tilespmem:s26+$0x30] =	vst v13;
	v13 =	vor.u32 v2, v12;
	v27 =	vld.idx.msk [tilespmem:v27+s11+$0x0], $0xffff  }
0x3f: {  	[tilespmem:s30+$0x20] =	vst v29;
	v16 =	vld.idx.msk [tilespmem:v16+s11+$0x0], $0xffff;
	v28 =	vor.u32 v0, v11  }
0x40: {  	v29 =	vld.idx.msk [tilespmem:v30+s11+$0x0], $0xffff;
	v30 =	vor.u32 v0, v10;
	v19 =	vmul.f32 $5.656854150e+00, v19  }
0x41: {  	v23 =	vld.idx.msk [tilespmem:v23+s11+$0x0], $0xffff;
	v18 =	vor.u32 v3, v9  }
0x42: {  	v32 =	vor.u32 v3, v24;
	v31 =	vld.idx.msk [tilespmem:v31+s11+$0x0], $0xffff;
	v17 =	vmul.f32 $5.656854150e+00, v17;
	[tilespmem:s23+$0xFFFFFFD0] =	vst v19  }
0x43: {  	v33 =	vor.u32 v2, v14;
	v26 =	vmul.f32 $5.656854150e+00, v26;
	v19 =	vld.idx.msk [tilespmem:v13+s11+$0x0], $0xffff  }
0x44: {  	s8 =	simm.s32 $0x9;
	[tilespmem:s21+$0x20] =	vst v17;
	v17 =	vor.u32 v5, v21;
	v16 =	vmul.f32 $5.656854150e+00, v16;
	v28 =	vld.idx.msk [tilespmem:v28+s11+$0x0], $0xffff  }
0x45: {  	s9 =	simm.s32 $0x400;
	v34 =	vor.u32 v4, v20;
	s15 =	simm.s32 $0x280;
	v13 =	vmov s8;
	v27 =	vmul.f32 $5.656854150e+00, v27;
	v30 =	vld.idx.msk [tilespmem:v30+s11+$0x0], $0xffff;
	[tilespmem:s0+$0x20] =	vst v26  }
0x46: {  	s2 =	sand.u32 $0xC00, s9;
	s5 =	simm.s32 $0x500;
	v35 =	vor.u32 v1, v8;
	v13 =	vand.u32 $0x1D, v13;
	v18 =	vld.idx.msk [tilespmem:v18+s11+$0x0], $0xffff;
	[tilespmem:s26+$0x40] =	vst v16;
	v16 =	vmul.f32 $5.656854150e+00, v29  }
0x47: {  	v61 =	vor.u32 v1, v15;
	s3 =	sadd.s32 $0x8400, s2;
	s2 =	sand.u32 $0x280, s15;
	v25 =	vmul.f32 $5.656854150e+00, v25;
	v13 =	vbroadcast v13, $0x0;
	[tilespmem:s28+$0x10] =	vst v27;
	v29 =	vld.idx.msk [tilespmem:v32+s11+$0x0], $0xffff  }
0x48: {  	s14 =	sand.u32 $0x300, s5;
	s31 =	sor.u32 s2, s1;
	v26 =	vor.u32 v3, v12;
	v27 =	vmul.f32 $5.656854150e+00, v31;
	[tilespmem:s30+$0x30] =	vst v16;
	v16 =	vmul.f32 $5.656854150e+00, v19;
	v19 =	vld.idx.msk [tilespmem:v33+s11+$0x0], $0xffff  }
0x49: {  	s22 =	sor.u32 s14, s3;
	[tilespmem:s31+$0x0] =	vst v25;
	v31 =	vor.u32 v4, v22;
	v17 =	vld.idx.msk [tilespmem:v17+s11+$0x0], $0xffff  }
0x4a: {  	v58 =	vor.u32 v0, v13;
	[tilespmem:s22+$0x0] =	vst v27;
	v59 =	vld.idx.msk [tilespmem:v34+s11+$0x0], $0xffff  }
0x4b: {  	v23 =	vmul.f32 $5.656854150e+00, v23;
	v60 =	vor.u32 v1, v11;
	[tilespmem:s23+$0xFFFFFFE0] =	vst v16;
	v16 =	vld.idx.msk [tilespmem:v35+s11+$0x0], $0xffff  }
0x4c: {  	v62 =	vor.u32 v4, v9;
	v35 =	vld.idx.msk [tilespmem:v61+s11+$0x0], $0xffff  }
0x4d: {  	[tilespmem:s29+$0xFFFFFFF0] =	vst v23;
	v27 =	vor.u32 v4, v24;
	v23 =	vmul.f32 $5.656854150e+00, v28;
	v26 =	vld.idx.msk [tilespmem:v26+s11+$0x0], $0xffff  }
0x4e: {  	s24 =	simm.s32 $0x8840;
	v63 =	vor.u32 v3, v14;
	v18 =	vmul.f32 $5.656854150e+00, v18;
	v31 =	vld.idx.msk [tilespmem:v31+s11+$0x0], $0xffff  }
0x4f: {  	v37 =	vor.u32 v6, v21;
	v29 =	vmul.f32 $5.656854150e+00, v29;
	[tilespmem:s24+$0xFFFFFFC0] =	vst v23;
	v28 =	vld.idx.msk [tilespmem:v58+s11+$0x0], $0xffff  }
0x50: {  	v36 =	vor.u32 v2, v8;
	v25 =	vmul.f32 $5.656854150e+00, v30;
	v30 =	vld.idx.msk [tilespmem:v60+s11+$0x0], $0xffff;
	[tilespmem:s21+$0x30] =	vst v18;
	v18 =	vmul.f32 $5.656854150e+00, v19  }
0x51: {  	s16 =	simm.s32 $0x580;
	v38 =	vor.u32 v5, v24;
	[tilespmem:s0+$0x30] =	vst v29;
	v29 =	vor.u32 v1, v10;
	v32 =	vld.idx.msk [tilespmem:v62+s11+$0x0], $0xffff;
	v17 =	vmul.f32 $5.656854150e+00, v17  }
0x52: {  	v39 =	vor.u32 v2, v15;
	s7 =	simm.s32 $0xE;
	s5 =	simm.s32 $0xF;
	v23 =	vld.idx.msk [tilespmem:v27+s11+$0x0], $0xffff;
	v27 =	vor.u32 v5, v20;
	v16 =	vmul.f32 $5.656854150e+00, v16;
	[tilespmem:s28+$0x20] =	vst v18  }
0x53: {  	v45 =	vmov s7;
	s1 =	sand.u32 $0x380, s16;
	v44 =	vmov s5;
	v19 =	vor.u32 v5, v22;
	v34 =	vld.idx.msk [tilespmem:v63+s11+$0x0], $0xffff;
	[tilespmem:s26+$0x50] =	vst v17  }
0x54: {  	v46 =	vand.u32 $0x1E, v45;
	s25 =	sor.u32 s1, s3;
	v33 =	vmul.f32 $5.656854150e+00, v59;
	v18 =	vand.u32 $0x1F, v44;
	[tilespmem:s22+$0x10] =	vst v16;
	v37 =	vld.idx.msk [tilespmem:v37+s11+$0x0], $0xffff  }
0x55: {  	s18 =	simm.s32 $0xC;
	v40 =	vor.u32 v2, v11;
	[tilespmem:s25+$0x0] =	vst v25;
	v31 =	vmul.f32 $5.656854150e+00, v31;
	v18 =	vbroadcast v18, $0x0;
	v25 =	vld.idx.msk [tilespmem:v36+s11+$0x0], $0xffff  }
0x56: {  	v35 =	vmul.f32 $5.656854150e+00, v35;
	[tilespmem:s30+$0x40] =	vst v33;
	v17 =	vbroadcast v46, $0x0;
	v16 =	vmov s18;
	v29 =	vld.idx.msk [tilespmem:v29+s11+$0x0], $0xffff  }
0x57: {  	v30 =	vmul.f32 $5.656854150e+00, v30;
	v16 =	vand.u32 $0x1C, v16;
	[tilespmem:s29+$0x0] =	vst v31;
	v48 =	vor.u32 v0, v18;
	v27 =	vld.idx.msk [tilespmem:v27+s11+$0x0], $0xffff  }
0x58: {  	[tilespmem:s31+$0x10] =	vst v35;
	v49 =	vor.u32 v0, v17;
	v23 =	vmul.f32 $5.656854150e+00, v23;
	v16 =	vbroadcast v16, $0x0;
	v19 =	vld.idx.msk [tilespmem:v19+s11+$0x0], $0xffff  }
0x59: {  	s9 =	simm.s32 $0x480;
	v47 =	vor.u32 v3, v8;
	v26 =	vmul.f32 $5.656854150e+00, v26;
	[tilespmem:s24+$0xFFFFFFD0] =	vst v30;
	v30 =	vld.idx.msk [tilespmem:v39+s11+$0x0], $0xffff  }
0x5a: {  	s1 =	sand.u32 $0x280, s9;
	v28 =	vmul.f32 $5.656854150e+00, v28;
	v50 =	vld.idx.msk [tilespmem:v40+s11+$0x0], $0xffff;
	[tilespmem:s0+$0x40] =	vst v23;
	v23 =	vor.u32 v0, v16  }
0x5b: {  	v53 =	vor.u32 v6, v22;
	s1 =	sor.u32 s1, s3;
	[tilespmem:s23+$0xFFFFFFF0] =	vst v26;
	v31 =	vld.idx.msk [tilespmem:v38+s11+$0x0], $0xffff;
	v25 =	vmul.f32 $5.656854150e+00, v25  }
0x5c: {  	v54 =	vor.u32 v3, v15;
	[tilespmem:s1+$0x0] =	vst v28;
	v33 =	vld.idx.msk [tilespmem:v48+s11+$0x0], $0xffff;
	v27 =	vmul.f32 $5.656854150e+00, v27  }
0x5d: {  	v41 =	vor.u32 v2, v10;
	v55 =	vld.idx.msk [tilespmem:v49+s11+$0x0], $0xffff;
	v26 =	vmul.f32 $5.656854150e+00, v19;
	[tilespmem:s22+$0x20] =	vst v25  }
0x5e: {  	v30 =	vmul.f32 $5.656854150e+00, v30;
	v25 =	vmul.f32 $5.656854150e+00, v29;
	v29 =	vor.u32 v5, v9;
	v36 =	vld.idx.msk [tilespmem:v47+s11+$0x0], $0xffff;
	[tilespmem:s30+$0x50] =	vst v27  }
0x5f: {  	v52 =	vor.u32 v6, v20;
	v23 =	vld.idx.msk [tilespmem:v23+s11+$0x0], $0xffff;
	[tilespmem:s29+$0x10] =	vst v26  }
0x60: {  	v56 =	vor.u32 v6, v24;
	s8 =	simm.s32 $0xD;
	v32 =	vmul.f32 $5.656854150e+00, v32;
	[tilespmem:s31+$0x20] =	vst v30;
	v30 =	vld.idx.msk [tilespmem:v53+s11+$0x0], $0xffff  }
0x61: {  	v27 =	vor.u32 v4, v14;
	[tilespmem:s25+$0x10] =	vst v25;
	v25 =	vmov s8;
	v26 =	vmul.f32 $5.656854150e+00, v31;
	v40 =	vld.idx.msk [tilespmem:v54+s11+$0x0], $0xffff  }
0x62: {  	s14 =	simm.s32 $0x600;
	[tilespmem:s21+$0x40] =	vst v32;
	v51 =	vmul.f32 $5.656854150e+00, v34;
	v31 =	vor.u32 v3, v11;
	v19 =	vand.u32 $0x1D, v25;
	v60 =	vld.idx.msk [tilespmem:v41+s11+$0x0], $0xffff  }
0x63: {  	s15 =	simm.s32 $0x700;
	s2 =	sand.u32 $0xC00, s14;
	v38 =	vmul.f32 $5.656854150e+00, v50;
	v19 =	vbroadcast v19, $0x0;
	[tilespmem:s0+$0x50] =	vst v26;
	v26 =	vor.u32 v1, v17;
	v25 =	vld.idx.msk [tilespmem:v29+s11+$0x0], $0xffff  }
0x64: {  	v43 =	vor.u32 v7, v21;
	s2 =	sadd.s32 $0x8400, s2;
	s3 =	sand.u32 $0x300, s15;
	v62 =	vor.u32 v7, v22;
	[tilespmem:s28+$0x30] =	vst v51;
	v32 =	vmul.f32 $5.656854150e+00, v55;
	v29 =	vld.idx.msk [tilespmem:v52+s11+$0x0], $0xffff  }
0x65: {  	v45 =	vor.u32 v4, v12;
	s3 =	sor.u32 s3, s2;
	[tilespmem:s24+$0xFFFFFFE0] =	vst v38;
	v28 =	vld.idx.msk [tilespmem:v56+s11+$0x0], $0xffff;
	v57 =	vor.u32 v0, v19;
	v58 =	vmul.f32 $5.656854150e+00, v23  }
0x66: {  	s9 =	simm.s32 $0x8A40;
	v61 =	vor.u32 v7, v20;
	v22 =	vor.u32 v1, v13;
	[tilespmem:s3+$0x0] =	vst v32;
	v27 =	vld.idx.msk [tilespmem:v27+s11+$0x0], $0xffff;
	v30 =	vmul.f32 $5.656854150e+00, v30  }
0x67: {  	v20 =	vor.u32 v5, v10;
	v63 =	vor.u32 v7, v24;
	v59 =	vmul.f32 $5.656854150e+00, v36;
	v42 =	vld.idx.msk [tilespmem:v31+s11+$0x0], $0xffff;
	[tilespmem:s9+$0xFFFFFFC0] =	vst v58  }
0x68: {  	v21 =	vor.u32 v5, v18;
	v47 =	vor.u32 v4, v15;
	v31 =	vmul.f32 $5.656854150e+00, v37;
	v44 =	vld.idx.msk [tilespmem:v26+s11+$0x0], $0xffff;
	[tilespmem:s29+$0x20] =	vst v30  }
0x69: {  	v24 =	vor.u32 v1, v18;
	v39 =	vor.u32 v4, v8;
	[tilespmem:s22+$0x30] =	vst v59;
	v29 =	vmul.f32 $5.656854150e+00, v29;
	v35 =	vld.idx.msk [tilespmem:v62+s11+$0x0], $0xffff  }
0x6a: {  	v38 =	vor.u32 v1, v16;
	v32 =	vor.u32 v2, v13;
	v46 =	vmul.f32 $5.656854150e+00, v40;
	[tilespmem:s26+$0x60] =	vst v31;
	v34 =	vld.idx.msk [tilespmem:v57+s11+$0x0], $0xffff  }
0x6b: {  	v23 =	vor.u32 v5, v14;
	v36 =	vmul.f32 $5.656854150e+00, v33;
	v26 =	vmul.f32 $5.656854150e+00, v28;
	v40 =	vld.idx.msk [tilespmem:v43+s11+$0x0], $0xffff;
	[tilespmem:s30+$0x60] =	vst v29  }
0x6c: {  	v33 =	vor.u32 v3, v10;
	v31 =	vor.u32 v1, v19;
	[tilespmem:s31+$0x30] =	vst v46;
	v28 =	vmul.f32 $5.656854150e+00, v60;
	v37 =	vld.idx.msk [tilespmem:v61+s11+$0x0], $0xffff  }
0x6d: {  	s16 =	simm.s32 $0x680;
	s18 =	simm.s32 $0x780;
	v30 =	vor.u32 v5, v15;
	v48 =	vmul.f32 $5.656854150e+00, v27;
	[tilespmem:s0+$0x60] =	vst v26;
	v27 =	vmul.f32 $5.656854150e+00, v42;
	v42 =	vld.idx.msk [tilespmem:v47+s11+$0x0], $0xffff  }
0x6e: {  	s5 =	sand.u32 $0x280, s16;
	s7 =	sand.u32 $0x380, s18;
	v43 =	vor.u32 v2, v17;
	v29 =	vor.u32 v5, v12;
	[tilespmem:s25+$0x20] =	vst v28;
	v41 =	vld.idx.msk [tilespmem:v63+s11+$0x0], $0xffff  }
0x6f: {  	s5 =	sor.u32 s5, s2;
	s7 =	sor.u32 s7, s2;
	s8 =	simm.s32 $0x10;
	v28 =	vor.u32 v6, v9;
	[tilespmem:s28+$0x40] =	vst v48;
	v44 =	vmul.f32 $5.656854150e+00, v44;
	v26 =	vmul.f32 $5.656854150e+00, v34;
	v34 =	vld.idx.msk [tilespmem:v45+s11+$0x0], $0xffff  }
.LBB2_3:
0x70: {  	s14 =	sadd.s32 $0x1, s8  }
0x71: {  	v45 =	vmov s8;
	s15 =	sadd.s32 $0x3, s8;
	v38 =	vld.idx.msk [tilespmem:v38+s11+$0x0], $0xffff;
	v46 =	vor.u32 v2, v16;
	[tilespmem:s7+$0x0] =	vst v36;
	v36 =	vmul.f32 $5.656854150e+00, v37;
	s16 =	smov.u32 s8;
	s2 =	sadd.s32 $0x4, s8  }
0x72: {  	p0 =	slt.u32 s8, $0x1C;
	v35 =	vmul.f32 $5.656854150e+00, v35;
	v37 =	vmov s14;
	s14 =	sadd.s32 $0x2, s16;
	v47 =	vmov s15;
	[tilespmem:s3+$0x10] =	vst v44;
	v44 =	vld.idx.msk [tilespmem:v22+s11+$0x0], $0xffff;
	v22 =	vmovc v31  }
0x73: {  	v40 =	vmul.f32 $5.656854150e+00, v40;
	v31 =	vmov s14;
	v47 =	vand.u32 $0x1F, v47;
	v39 =	vld.idx.msk [tilespmem:v39+s11+$0x0], $0xffff;
	[tilespmem:s30+$0x70] =	vst v36;
	s30 =	smov.u32 s28;
	s28 =	smov.u32 s25;
	s25 =	smov.u32 s7  }
0x74: {  	v31 =	vand.u32 $0x1E, v31;
	v36 =	vbroadcast v47, $0x0;
	v43 =	vld.idx.msk [tilespmem:v43+s11+$0x0], $0xffff;
	[tilespmem:s29+$0x30] =	vst v35;
	v35 =	vmul.f32 $5.656854150e+00, v41;
	s29 =	smov.u32 s23;
	s23 =	smov.u32 s24;
	s24 =	smov.u32 s9  }
0x75: {  	v25 =	vmul.f32 $5.656854150e+00, v25;
	v37 =	vand.u32 $0x1D, v37;
	v41 =	vbroadcast v31, $0x0;
	v24 =	vld.idx.msk [tilespmem:v24+s11+$0x0], $0xffff;
	[tilespmem:s26+$0x70] =	vst v40;
	s26 =	smov.u32 s21;
	s21 =	smov.u32 s22;
	s22 =	smov.u32 s3  }
0x76: {  	v34 =	vmul.f32 $5.656854150e+00, v34;
	v31 =	vand.u32 $0x1C, v45;
	v40 =	vmul.f32 $5.656854150e+00, v42;
	v42 =	vld.idx.msk [tilespmem:v23+s11+$0x0], $0xffff;
	[tilespmem:s0+$0x70] =	vst v35;
	v23 =	vmovc v20;
	v20 =	vmovc v21;
	s0 =	smov.u32 s31;
	s31 =	smov.u32 s1;
	s1 =	smov.u32 s5  }
0x77: {  	v35 =	vbroadcast v31, $0x0;
	v31 =	vbroadcast v37, $0x0;
	v37 =	vor.u32 v0, v41;
	v33 =	vld.idx.msk [tilespmem:v33+s11+$0x0], $0xffff;
	[tilespmem:s26+$0x50] =	vst v25  }
0x78: {  	v45 =	vor.u32 v3, v17;
	v25 =	vor.u32 v0, v36;
	v44 =	vmul.f32 $5.656854150e+00, v44;
	[tilespmem:s0+$0x40] =	vst v40;
	v28 =	vld.idx.msk [tilespmem:v28+s11+$0x0], $0xffff  }
0x79: {  	v21 =	vor.u32 v5, v36;
	v38 =	vmul.f32 $5.656854150e+00, v38;
	v40 =	vor.u32 v0, v35;
	[tilespmem:s29+$0x0] =	vst v34;
	v30 =	vld.idx.msk [tilespmem:v30+s11+$0x0], $0xffff  }
0x7a: {  	v34 =	vmul.f32 $5.656854150e+00, v43;
	[tilespmem:s31+$0x10] =	vst v44;
	v29 =	vld.idx.msk [tilespmem:v29+s11+$0x0], $0xffff  }
0x7b: {  	[tilespmem:s9+$0xFFFFFFD0] =	vst v38;
	v32 =	vld.idx.msk [tilespmem:v32+s11+$0x0], $0xffff;
	v38 =	vmul.f32 $5.656854150e+00, v39  }
0x7c: {  	v24 =	vmul.f32 $5.656854150e+00, v24;
	v39 =	vld.idx.msk [tilespmem:v46+s11+$0x0], $0xffff;
	[tilespmem:s22+$0x20] =	vst v34;
	v34 =	vor.u32 v5, v8  }
0x7d: {  	v33 =	vmul.f32 $5.656854150e+00, v33;
	v43 =	vld.idx.msk [tilespmem:v45+s11+$0x0], $0xffff;
	[tilespmem:s21+$0x40] =	vst v38;
	v38 =	vor.u32 v6, v14  }
0x7e: {  	s18 =	sadd.s32 $0x200, s18;
	v44 =	vor.u32 v0, v31;
	v45 =	vor.u32 v6, v12;
	v40 =	vld.idx.msk [tilespmem:v40+s11+$0x0], $0xffff;
	[tilespmem:s25+$0x10] =	vst v24  }
0x7f: {  	v47 =	vor.u32 v3, v13;
	v46 =	vld.idx.msk [tilespmem:v25+s11+$0x0], $0xffff;
	[tilespmem:s28+$0x30] =	vst v33;
	v33 =	vmul.f32 $5.656854150e+00, v42  }
0x80: {  	v42 =	vor.u32 v1, v41;
	v37 =	vld.idx.msk [tilespmem:v37+s11+$0x0], $0xffff;
	[tilespmem:s23+$0xFFFFFFF0] =	vst v27;
	v27 =	vmul.f32 $5.656854150e+00, v29;
	v29 =	vor.u32 v6, v15  }
0x81: {  	v48 =	vor.u32 v2, v18;
	s9 =	sadd.s32 $0x200, s9;
	v24 =	vor.u32 v1, v36;
	v32 =	vmul.f32 $5.656854150e+00, v32;
	v25 =	vld.idx.msk [tilespmem:v34+s11+$0x0], $0xffff;
	[tilespmem:s30+$0x50] =	vst v33  }
0x82: {  	s3 =	sadd.s32 $0xFFFFFE80, s18;
	v33 =	vor.u32 v4, v10;
	[tilespmem:s29+$0x10] =	vst v27;
	v27 =	vmul.f32 $5.656854150e+00, v30;
	v30 =	vld.idx.msk [tilespmem:v38+s11+$0x0], $0xffff  }
0x83: {  	s7 =	sadd.s32 $0xFFFFFF80, s18;
	s3 =	sand.u32 $0xC00, s3;
	v34 =	vor.u32 v3, v16;
	[tilespmem:s31+$0x20] =	vst v32;
	v32 =	vld.idx.msk [tilespmem:v45+s11+$0x0], $0xffff  }
0x84: {  	s5 =	sadd.s32 $0x8400, s3;
	s3 =	sand.u32 $0x300, s7;
	v38 =	vmul.f32 $5.656854150e+00, v40;
	v40 =	vld.idx.msk [tilespmem:v47+s11+$0x0], $0xffff;
	[tilespmem:s0+$0x50] =	vst v27  }
0x85: {  	s3 =	sor.u32 s3, s5;
	v27 =	vmul.f32 $5.656854150e+00, v39;
	[tilespmem:s1+$0x0] =	vst v26;
	v26 =	vld.idx.msk [tilespmem:v29+s11+$0x0], $0xffff  }
0x86: {  	v29 =	vmul.f32 $5.656854150e+00, v43;
	[tilespmem:s9+$0xFFFFFFC0] =	vst v38;
	v39 =	vld.idx.msk [tilespmem:v48+s11+$0x0], $0xffff;
	v38 =	vor.u32 v7, v14;
	v14 =	vmovc v10;
	v10 =	vmov v18  }
0x87: {  	v37 =	vmul.f32 $5.656854150e+00, v37;
	v18 =	vmovc v36;
	[tilespmem:s24+$0xFFFFFFE0] =	vst v27;
	v27 =	vld.idx.msk [tilespmem:v33+s11+$0x0], $0xffff;
	v33 =	vor.u32 v7, v12;
	v12 =	vmov v11  }
0x88: {  	v43 =	vor.u32 v7, v9;
	v9 =	vmovc v8;
	v8 =	vmov v17;
	v36 =	vmul.f32 $5.656854150e+00, v30;
	v34 =	vld.idx.msk [tilespmem:v34+s11+$0x0], $0xffff;
	[tilespmem:s22+$0x30] =	vst v29  }
0x89: {  	v28 =	vmul.f32 $5.656854150e+00, v28;
	v17 =	vmovc v41;
	v29 =	vmul.f32 $5.656854150e+00, v32;
	v32 =	vor.u32 v7, v15;
	v30 =	vld.idx.msk [tilespmem:v44+s11+$0x0], $0xffff;
	[tilespmem:s3+$0x0] =	vst v37  }
0x8a: {  	v11 =	vmovc v16;
	v16 =	vmov v35;
	v44 =	vor.u32 v4, v12;
	v45 =	vmul.f32 $5.656854150e+00, v40;
	v42 =	vld.idx.msk [tilespmem:v42+s11+$0x0], $0xffff;
	[tilespmem:s30+$0x60] =	vst v36  }
0x8b: {  	v15 =	vmovc v13;
	v36 =	vmul.f32 $5.656854150e+00, v46;
	v46 =	vor.u32 v4, v13;
	v26 =	vmul.f32 $5.656854150e+00, v26;
	[tilespmem:s29+$0x20] =	vst v29;
	v37 =	vld.idx.msk [tilespmem:v38+s11+$0x0], $0xffff  }
.Ltmp0:
0x8c: {  	s7 =	sand.u32 $0x380, s18;
	v13 =	vmovc v19;
	v19 =	vmov v31;
	v38 =	vor.u32 v1, v16;
	v41 =	vmul.f32 $5.656854150e+00, v39;
	v35 =	vld.idx.msk [tilespmem:v33+s11+$0x0], $0xffff;
	[tilespmem:s26+$0x60] =	vst v28;
	(pc) =	sbr.rel @p0 .LBB2_3-.Ltmp0, $4  }
0x8d: {  	s7 =	sor.u32 s7, s5;
	v31 =	vor.u32 v1, v19;
	v29 =	vor.u32 v5, v12;
	v47 =	vmul.f32 $5.656854150e+00, v27;
	[tilespmem:s0+$0x60] =	vst v26;
	v40 =	vld.idx.msk [tilespmem:v43+s11+$0x0], $0xffff  }
0x8e: {  	s8 =	sadd.s32 $0xFFFFFF00, s18;
	v39 =	vor.u32 v4, v8;
	v28 =	vor.u32 v6, v9;
	v27 =	vmul.f32 $5.656854150e+00, v34;
	[tilespmem:s25+$0x20] =	vst v41;
	v41 =	vld.idx.msk [tilespmem:v32+s11+$0x0], $0xffff  }
0x8f: {  	s8 =	sand.u32 $0x280, s8;
	v43 =	vor.u32 v2, v17;
	v26 =	vmul.f32 $5.656854150e+00, v30;
	v30 =	vor.u32 v5, v15;
	v34 =	vld.idx.msk [tilespmem:v44+s11+$0x0], $0xffff;
	[tilespmem:s31+$0x30] =	vst v45  }
0x90: {  	s5 =	sor.u32 s8, s5;
	s8 =	smov.u32 s2;
	v33 =	vor.u32 v3, v10;
	v32 =	vor.u32 v2, v13;
	v44 =	vmul.f32 $5.656854150e+00, v42;
	v42 =	vld.idx.msk [tilespmem:v46+s11+$0x0], $0xffff;
	[tilespmem:s28+$0x40] =	vst v47  }
0x91: {  	_ = 	snop  }
0x92: {  	[tilespmem:s7+$0x0] =	vst v36  }
0x93: {  	[tilespmem:s5+$0x0] =	vst v26  }
0x94: {  	v59 =	vmul.f32 $5.656854150e+00, v37;
	[tilespmem:s24+$0xFFFFFFF0] =	vst v27  }
0x95: {  	v35 =	vmul.f32 $5.656854150e+00, v35;
	v22 =	vld.idx.msk [tilespmem:v22+s11+$0x0], $0xffff;
	[tilespmem:s3+$0x10] =	vst v44  }
0x96: {  	v25 =	vmul.f32 $5.656854150e+00, v25;
	[tilespmem:s30+$0x70] =	vst v59  }
0x97: {  	v61 =	vld.idx.msk [tilespmem:v38+s11+$0x0], $0xffff;
	v60 =	vmul.f32 $5.656854150e+00, v40;
	[tilespmem:s29+$0x30] =	vst v35  }
0x98: {  	v23 =	vld.idx.msk [tilespmem:v23+s11+$0x0], $0xffff;
	v62 =	vmul.f32 $5.656854150e+00, v41;
	[tilespmem:s21+$0x50] =	vst v25  }
0x99: {  	v24 =	vld.idx.msk [tilespmem:v24+s11+$0x0], $0xffff;
	[tilespmem:s26+$0x70] =	vst v60;
	v34 =	vmul.f32 $5.656854150e+00, v34  }
0x9a: {  	v63 =	vld.idx.msk [tilespmem:v43+s11+$0x0], $0xffff;
	[tilespmem:s0+$0x70] =	vst v62;
	v22 =	vmul.f32 $5.656854150e+00, v22  }
0x9b: {  	v25 =	vld.idx.msk [tilespmem:v33+s11+$0x0], $0xffff;
	v40 =	vmul.f32 $5.656854150e+00, v42;
	[tilespmem:s23+$0x0] =	vst v34  }
0x9c: {  	v41 =	vld.idx.msk [tilespmem:v39+s11+$0x0], $0xffff;
	v42 =	vmul.f32 $5.656854150e+00, v61;
	[tilespmem:s1+$0x10] =	vst v22;
	v22 =	vor.u32 v2, v16  }
0x9d: {  	v44 =	vor.u32 v3, v17;
	v23 =	vmul.f32 $5.656854150e+00, v23;
	[tilespmem:s31+$0x40] =	vst v40;
	v29 =	vld.idx.msk [tilespmem:v29+s11+$0x0], $0xffff  }
0x9e: {  	v45 =	vor.u32 v6, v14;
	v24 =	vmul.f32 $5.656854150e+00, v24;
	[tilespmem:s9+$0xFFFFFFD0] =	vst v42;
	v30 =	vld.idx.msk [tilespmem:v30+s11+$0x0], $0xffff  }
0x9f: {  	v26 =	vor.u32 v2, v18;
	v31 =	vld.idx.msk [tilespmem:v31+s11+$0x0], $0xffff;
	v43 =	vmul.f32 $5.656854150e+00, v63;
	[tilespmem:s28+$0x50] =	vst v23  }
0xa0: {  	v25 =	vmul.f32 $5.656854150e+00, v25;
	v32 =	vld.idx.msk [tilespmem:v32+s11+$0x0], $0xffff;
	[tilespmem:s7+$0x10] =	vst v24;
	v24 =	vor.u32 v6, v12  }
0xa1: {  	v35 =	vmul.f32 $5.656854150e+00, v41;
	[tilespmem:s3+$0x20] =	vst v43;
	v22 =	vld.idx.msk [tilespmem:v22+s11+$0x0], $0xffff  }
0xa2: {  	v23 =	vor.u32 v2, v19;
	[tilespmem:s25+$0x30] =	vst v25;
	v25 =	vld.idx.msk [tilespmem:v44+s11+$0x0], $0xffff;
	v29 =	vmul.f32 $5.656854150e+00, v29  }
0xa3: {  	v27 =	vor.u32 v6, v15;
	v46 =	vld.idx.msk [tilespmem:v45+s11+$0x0], $0xffff;
	[tilespmem:s22+$0x40] =	vst v35;
	v30 =	vmul.f32 $5.656854150e+00, v30  }
0xa4: {  	v47 =	vor.u32 v3, v13;
	v26 =	vld.idx.msk [tilespmem:v26+s11+$0x0], $0xffff;
	[tilespmem:s23+$0x10] =	vst v29;
	v29 =	vmul.f32 $5.656854150e+00, v31  }
0xa5: {  	v32 =	vmul.f32 $5.656854150e+00, v32;
	v31 =	vor.u32 v4, v10;
	v24 =	vld.idx.msk [tilespmem:v24+s11+$0x0], $0xffff;
	[tilespmem:s31+$0x50] =	vst v30  }
0xa6: {  	v14 =	vor.u32 v7, v14;
	v28 =	vld.idx.msk [tilespmem:v28+s11+$0x0], $0xffff;
	[tilespmem:s5+$0x10] =	vst v29;
	v22 =	vmul.f32 $5.656854150e+00, v22  }
0xa7: {  	[tilespmem:s1+$0x20] =	vst v32;
	v25 =	vmul.f32 $5.656854150e+00, v25;
	v29 =	vor.u32 v3, v18;
	v23 =	vld.idx.msk [tilespmem:v23+s11+$0x0], $0xffff  }
0xa8: {  	v30 =	vor.u32 v3, v16;
	v27 =	vld.idx.msk [tilespmem:v27+s11+$0x0], $0xffff;
	[tilespmem:s9+$0xFFFFFFE0] =	vst v22;
	v22 =	vmul.f32 $5.656854150e+00, v46  }
0xa9: {  	v12 =	vor.u32 v7, v12;
	v32 =	vld.idx.msk [tilespmem:v47+s11+$0x0], $0xffff;
	[tilespmem:s3+$0x30] =	vst v25;
	v25 =	vmul.f32 $5.656854150e+00, v26  }
0xaa: {  	v26 =	vld.idx.msk [tilespmem:v31+s11+$0x0], $0xffff;
	v24 =	vmul.f32 $5.656854150e+00, v24;
	[tilespmem:s28+$0x60] =	vst v22;
	v22 =	vor.u32 v3, v19  }
0xab: {  	v9 =	vor.u32 v7, v9;
	v28 =	vmul.f32 $5.656854150e+00, v28;
	[tilespmem:s7+$0x20] =	vst v25;
	v14 =	vld.idx.msk [tilespmem:v14+s11+$0x0], $0xffff  }
0xac: {  	v25 =	vor.u32 v4, v11;
	[tilespmem:s23+$0x20] =	vst v24;
	v24 =	vld.idx.msk [tilespmem:v29+s11+$0x0], $0xffff;
	v23 =	vmul.f32 $5.656854150e+00, v23  }
0xad: {  	v15 =	vor.u32 v7, v15;
	[tilespmem:s21+$0x60] =	vst v28;
	v27 =	vmul.f32 $5.656854150e+00, v27;
	v29 =	vld.idx.msk [tilespmem:v30+s11+$0x0], $0xffff  }
0xae: {  	v28 =	vmul.f32 $5.656854150e+00, v32;
	v30 =	vor.u32 v4, v13;
	v12 =	vld.idx.msk [tilespmem:v12+s11+$0x0], $0xffff;
	[tilespmem:s5+$0x20] =	vst v23  }
0xaf: {  	[tilespmem:s31+$0x60] =	vst v27;
	v23 =	vmul.f32 $5.656854150e+00, v26;
	v26 =	vor.u32 v4, v18;
	v22 =	vld.idx.msk [tilespmem:v22+s11+$0x0], $0xffff  }
0xb0: {  	v9 =	vld.idx.msk [tilespmem:v9+s11+$0x0], $0xffff;
	v27 =	vor.u32 v4, v16;
	[tilespmem:s1+$0x30] =	vst v28;
	v14 =	vmul.f32 $5.656854150e+00, v14  }
0xb1: {  	v28 =	vor.u32 v4, v17;
	v25 =	vld.idx.msk [tilespmem:v25+s11+$0x0], $0xffff;
	[tilespmem:s25+$0x40] =	vst v23;
	v23 =	vmul.f32 $5.656854150e+00, v24  }
0xb2: {  	v15 =	vld.idx.msk [tilespmem:v15+s11+$0x0], $0xffff;
	v24 =	vmul.f32 $5.656854150e+00, v29;
	[tilespmem:s28+$0x70] =	vst v14;
	v14 =	vor.u32 v4, v19  }
0xb3: {  	v29 =	vld.idx.msk [tilespmem:v30+s11+$0x0], $0xffff;
	v12 =	vmul.f32 $5.656854150e+00, v12;
	[tilespmem:s7+$0x30] =	vst v23  }
0xb4: {  	v23 =	vor.u32 v5, v11;
	[tilespmem:s9+$0xFFFFFFF0] =	vst v24;
	v24 =	vld.idx.msk [tilespmem:v26+s11+$0x0], $0xffff;
	v22 =	vmul.f32 $5.656854150e+00, v22  }
0xb5: {  	v9 =	vmul.f32 $5.656854150e+00, v9;
	v26 =	vor.u32 v5, v8;
	[tilespmem:s23+$0x30] =	vst v12;
	v12 =	vld.idx.msk [tilespmem:v27+s11+$0x0], $0xffff  }
0xb6: {  	v28 =	vld.idx.msk [tilespmem:v28+s11+$0x0], $0xffff;
	v27 =	vor.u32 v5, v13;
	v25 =	vmul.f32 $5.656854150e+00, v25;
	[tilespmem:s5+$0x30] =	vst v22  }
0xb7: {  	[tilespmem:s21+$0x70] =	vst v9;
	v15 =	vmul.f32 $5.656854150e+00, v15;
	v9 =	vld.idx.msk [tilespmem:v14+s11+$0x0], $0xffff  }
0xb8: {  	v20 =	vld.idx.msk [tilespmem:v20+s11+$0x0], $0xffff;
	[tilespmem:s24+$0x0] =	vst v25;
	v22 =	vor.u32 v5, v16;
	v14 =	vmul.f32 $5.656854150e+00, v29  }
0xb9: {  	[tilespmem:s31+$0x70] =	vst v15;
	v15 =	vld.idx.msk [tilespmem:v23+s11+$0x0], $0xffff;
	v23 =	vor.u32 v5, v17;
	v24 =	vmul.f32 $5.656854150e+00, v24  }
0xba: {  	v25 =	vld.idx.msk [tilespmem:v26+s11+$0x0], $0xffff;
	v12 =	vmul.f32 $5.656854150e+00, v12;
	[tilespmem:s1+$0x40] =	vst v14;
	v14 =	vor.u32 v5, v19  }
0xbb: {  	[tilespmem:s7+$0x40] =	vst v24;
	v26 =	vld.idx.msk [tilespmem:v27+s11+$0x0], $0xffff;
	v27 =	vmul.f32 $5.656854150e+00, v28;
	v28 =	vor.u32 v6, v10  }
0xbc: {  	v24 =	vor.u32 v6, v11;
	[tilespmem:s9+$0x0] =	vst v12;
	v21 =	vld.idx.msk [tilespmem:v21+s11+$0x0], $0xffff;
	v9 =	vmul.f32 $5.656854150e+00, v9  }
0xbd: {  	v20 =	vmul.f32 $5.656854150e+00, v20;
	v12 =	vor.u32 v6, v8;
	v22 =	vld.idx.msk [tilespmem:v22+s11+$0x0], $0xffff;
	[tilespmem:s3+$0x40] =	vst v27  }
0xbe: {  	v15 =	vmul.f32 $5.656854150e+00, v15;
	v27 =	vor.u32 v6, v13;
	v23 =	vld.idx.msk [tilespmem:v23+s11+$0x0], $0xffff;
	[tilespmem:s5+$0x40] =	vst v9  }
0xbf: {  	[tilespmem:s25+$0x50] =	vst v20;
	v20 =	vor.u32 v6, v18;
	v9 =	vmul.f32 $5.656854150e+00, v25;
	v14 =	vld.idx.msk [tilespmem:v14+s11+$0x0], $0xffff  }
0xc0: {  	[tilespmem:s24+$0x10] =	vst v15;
	v15 =	vmul.f32 $5.656854150e+00, v26;
	v25 =	vld.idx.msk [tilespmem:v28+s11+$0x0], $0xffff;
	v26 =	vor.u32 v6, v16  }
0xc1: {  	v21 =	vmul.f32 $5.656854150e+00, v21;
	[tilespmem:s22+$0x50] =	vst v9;
	v9 =	vld.idx.msk [tilespmem:v24+s11+$0x0], $0xffff;
	v24 =	vor.u32 v6, v17  }
0xc2: {  	v12 =	vld.idx.msk [tilespmem:v12+s11+$0x0], $0xffff;
	[tilespmem:s1+$0x50] =	vst v15;
	v15 =	vmul.f32 $5.656854150e+00, v22;
	v22 =	vor.u32 v6, v19  }
0xc3: {  	v10 =	vor.u32 v7, v10;
	[tilespmem:s7+$0x50] =	vst v21;
	v27 =	vld.idx.msk [tilespmem:v27+s11+$0x0], $0xffff;
	v23 =	vmul.f32 $5.656854150e+00, v23  }
0xc4: {  	v11 =	vor.u32 v7, v11;
	[tilespmem:s9+$0x10] =	vst v15;
	v15 =	vld.idx.msk [tilespmem:v20+s11+$0x0], $0xffff;
	v14 =	vmul.f32 $5.656854150e+00, v14  }
0xc5: {  	v8 =	vor.u32 v7, v8;
	v20 =	vmul.f32 $5.656854150e+00, v25;
	[tilespmem:s3+$0x50] =	vst v23;
	v21 =	vld.idx.msk [tilespmem:v26+s11+$0x0], $0xffff  }
0xc6: {  	v13 =	vor.u32 v7, v13;
	v9 =	vmul.f32 $5.656854150e+00, v9;
	v23 =	vld.idx.msk [tilespmem:v24+s11+$0x0], $0xffff;
	[tilespmem:s5+$0x50] =	vst v14  }
0xc7: {  	v18 =	vor.u32 v7, v18;
	v12 =	vmul.f32 $5.656854150e+00, v12;
	[tilespmem:s25+$0x60] =	vst v20;
	v14 =	vld.idx.msk [tilespmem:v22+s11+$0x0], $0xffff  }
0xc8: {  	v16 =	vor.u32 v7, v16;
	[tilespmem:s24+$0x20] =	vst v9;
	v9 =	vmul.f32 $5.656854150e+00, v27;
	v10 =	vld.idx.msk [tilespmem:v10+s11+$0x0], $0xffff  }
0xc9: {  	v11 =	vld.idx.msk [tilespmem:v11+s11+$0x0], $0xffff;
	[tilespmem:s22+$0x60] =	vst v12;
	v12 =	vor.u32 v7, v17;
	v15 =	vmul.f32 $5.656854150e+00, v15  }
0xca: {  	v17 =	vor.u32 v7, v19;
	[tilespmem:s1+$0x60] =	vst v9;
	v8 =	vld.idx.msk [tilespmem:v8+s11+$0x0], $0xffff;
	v9 =	vmul.f32 $5.656854150e+00, v21  }
0xcb: {  	v13 =	vld.idx.msk [tilespmem:v13+s11+$0x0], $0xffff;
	v19 =	vmul.f32 $5.656854150e+00, v23;
	[tilespmem:s7+$0x60] =	vst v15  }
0xcc: {  	[tilespmem:s9+$0x20] =	vst v9;
	v9 =	vmul.f32 $5.656854150e+00, v14;
	v14 =	vld.idx.msk [tilespmem:v18+s11+$0x0], $0xffff  }
0xcd: {  	v10 =	vmul.f32 $5.656854150e+00, v10;
	v15 =	vld.idx.msk [tilespmem:v16+s11+$0x0], $0xffff;
	[tilespmem:s3+$0x60] =	vst v19  }
0xce: {  	v11 =	vmul.f32 $5.656854150e+00, v11;
	[tilespmem:s5+$0x60] =	vst v9;
	v9 =	vld.idx.msk [tilespmem:v12+s11+$0x0], $0xffff  }
0xcf: {  	v8 =	vmul.f32 $5.656854150e+00, v8;
	[tilespmem:s25+$0x70] =	vst v10;
	v10 =	vld.idx.msk [tilespmem:v17+s11+$0x0], $0xffff  }
0xd0: {  	[tilespmem:s24+$0x30] =	vst v11;
	v11 =	vmul.f32 $5.656854150e+00, v13  }
0xd1: {  	[tilespmem:s22+$0x70] =	vst v8;
	v8 =	vmul.f32 $5.656854150e+00, v14  }
0xd2: {  	[tilespmem:s1+$0x70] =	vst v11;
	v11 =	vmul.f32 $5.656854150e+00, v15  }
0xd3: {  	s15 =	sshll.u32 s19, $0x12;
	v9 =	vmul.f32 $5.656854150e+00, v9;
	[tilespmem:s7+$0x70] =	vst v8  }
0xd4: {  	s16 =	rddreg [dreg:$0x1];
	s18 =	simm.s32 $0x400;
	s0 =	sor.u32 s6, s15;
	[tilespmem:s9+$0x30] =	vst v11;
	v8 =	vmul.f32 $5.656854150e+00, v10  }
0xd5: {  	s2 =	simm.s32 $0x8000;
	s0 =	sshrl.u32 s0, $0x3;
	s22 =	simm.s32 $0x2;
	[tilespmem:s3+$0x70] =	vst v9  }
0xd6: {  	p0 =	seq.s32 s19, $0x63;
	s0 =	sadd.s32 s16, s0;
	s21 =	simm.s32 $0x8400;
	[tilespmem:s5+$0x70] =	vst v8;
	v8 =	vmov s22  }
0xd7: {  	[hbm4b:s0+s18] =	stream.strided.scatter [tilespmem:s21], [sflag:$0x3], $0x1000, s2, s18, $0x38;
	v8 =	vand.u32 $0x1E, v8;
	[tilespmem:$0x9400] =	vst v63  }
0xd8: {  	s23 =	simm.s32 $0x0;
	s0 =	sshll.u32 @!p0 s19, $0x8;
	_ =	swait.ge [sflag:s10], $0x1000;
	v21 =	vbroadcast v8, $0x0  }
0xd9: {  	s1 =	simm.s32 @!p0 $0x80;
	s0 =	sand.u32 @!p0 $0x3FFFFF00, s0;
	[sflag:s10] =	ssyncset.done $0x0  }
0xda: {  	s2 =	simm.s32 @!p0 $0x6400;
	s0 =	sadd.s32 @!p0 $0x100, s0;
	[sflag:s10] =	ssyncadd.s32 $0xFFFFF000;
	v8 =	vor.u32 v0, v21  }
0xdb: {  	[tilespmem:s2], [sflag:$0x1] =	stream.indirect.gather @!p0 [hbm4b:s4+s1], $0x20, s0, s1, $0xb8;
	[tilespmem:$0x9400] =	vst v63  }
0xdc: {  	v9 =	vmov s23;
	_ =	swait.ge [sflag:s17], $0x1000  }
0xdd: {  	v9 =	vand.u32 $0x1C, v9;
	[sflag:s17] =	ssyncset.done $0x0  }
0xde: {  	v22 =	vbroadcast v9, $0x0;
	[sflag:s17] =	ssyncadd.s32 $0xFFFFF000  }
0xdf: {  	v8 =	vld.idx.msk [tilespmem:v8+s12+$0x0], $0xffff  }
0xe0: {  	v9 =	vor.u32 v0, v22  }
0xe1: {  	s24 =	simm.s32 $0x3  }
0xe2: {  	s25 =	simm.s32 $0x0;
	v10 =	vmov s24;
	v11 =	vor.u32 v1, v21  }
0xe3: {  	s26 =	simm.s32 $0x100;
	v10 =	vand.u32 $0x1F, v10;
	s0 =	sand.u32 $0xC00, s25  }
0xe4: {  	v20 =	vbroadcast v10, $0x0;
	s1 =	sand.u32 $0x300, s26;
	s2 =	simm.s32 $0x6;
	s0 =	sadd.s32 $0x8400, s0;
	v8 =	vmul.f32 $5.656854150e+00, v8  }
0xe5: {  	s26 =	sor.u32 s1, s0;
	v12 =	vld.idx.msk [tilespmem:v9+s12+$0x0], $0xffff;
	v9 =	vmov s2  }
0xe6: {  	v10 =	vor.u32 v0, v20;
	v9 =	vand.u32 $0x1E, v9;
	[tilespmem:s26+$0x0] =	vst v8  }
0xe7: {  	s3 =	simm.s32 $0x1;
	v9 =	vbroadcast v9, $0x0;
	v8 =	vld.idx.msk [tilespmem:v11+s12+$0x0], $0xffff  }
0xe8: {  	v13 =	vmov s3;
	v11 =	vor.u32 v1, v22  }
0xe9: {  	v13 =	vand.u32 $0x1D, v13;
	v15 =	vor.u32 v0, v9  }
0xea: {  	v24 =	vbroadcast v13, $0x0;
	v14 =	vor.u32 v2, v21;
	v12 =	vmul.f32 $5.656854150e+00, v12  }
0xeb: {  	s29 =	simm.s32 $0x8440;
	v10 =	vld.idx.msk [tilespmem:v10+s12+$0x0], $0xffff  }
0xec: {  	s5 =	simm.s32 $0x4;
	v16 =	vor.u32 v0, v24;
	[tilespmem:s29+$0xFFFFFFC0] =	vst v12;
	v8 =	vmul.f32 $5.656854150e+00, v8  }
0xed: {  	v12 =	vmov s5;
	v11 =	vld.idx.msk [tilespmem:v11+s12+$0x0], $0xffff  }
0xee: {  	v13 =	vor.u32 v1, v20;
	v15 =	vld.idx.msk [tilespmem:v15+s12+$0x0], $0xffff;
	[tilespmem:s26+$0x10] =	vst v8;
	v8 =	vand.u32 $0x1C, v12  }
0xef: {  	s7 =	simm.s32 $0x180;
	v17 =	vld.idx.msk [tilespmem:v14+s12+$0x0], $0xffff;
	v12 =	vbroadcast v8, $0x0  }
0xf0: {  	s8 =	simm.s32 $0x7;
	s1 =	sand.u32 $0x380, s7;
	v10 =	vmul.f32 $5.656854150e+00, v10;
	v8 =	vor.u32 v2, v22  }
0xf1: {  	s9 =	simm.s32 $0x200;
	s30 =	sor.u32 s1, s0;
	v16 =	vld.idx.msk [tilespmem:v16+s12+$0x0], $0xffff;
	v14 =	vmov s8;
	v18 =	vor.u32 v0, v12  }
0xf2: {  	s14 =	simm.s32 $0x300;
	s1 =	sand.u32 $0xC00, s9;
	v19 =	vor.u32 v1, v9;
	[tilespmem:s30+$0x0] =	vst v10;
	v10 =	vand.u32 $0x1F, v14;
	v11 =	vmul.f32 $5.656854150e+00, v11  }
0xf3: {  	s1 =	sadd.s32 $0x8400, s1;
	s2 =	sand.u32 $0x300, s14;
	v15 =	vmul.f32 $5.656854150e+00, v15;
	v14 =	vbroadcast v10, $0x0;
	v10 =	vld.idx.msk [tilespmem:v13+s12+$0x0], $0xffff;
	v13 =	vor.u32 v3, v21  }
0xf4: {  	s16 =	simm.s32 $0x5;
	v25 =	vor.u32 v1, v24;
	s21 =	sor.u32 s2, s1;
	[tilespmem:s29+$0xFFFFFFD0] =	vst v11;
	v17 =	vmul.f32 $5.656854150e+00, v17  }
0xf5: {  	s15 =	simm.s32 $0x80;
	[tilespmem:s21+$0x0] =	vst v15;
	v15 =	vmov s16;
	v23 =	vor.u32 v0, v14;
	v8 =	vld.idx.msk [tilespmem:v8+s12+$0x0], $0xffff  }
0xf6: {  	s2 =	sand.u32 $0x280, s15;
	v16 =	vmul.f32 $5.656854150e+00, v16;
	v15 =	vand.u32 $0x1D, v15;
	v11 =	vor.u32 v2, v20;
	[tilespmem:s26+$0x20] =	vst v17;
	v17 =	vld.idx.msk [tilespmem:v18+s12+$0x0], $0xffff  }
0xf7: {  	s0 =	sor.u32 s2, s0;
	v15 =	vbroadcast v15, $0x0;
	v18 =	vld.idx.msk [tilespmem:v19+s12+$0x0], $0xffff  }
0xf8: {  	[tilespmem:s0+$0x0] =	vst v16;
	v10 =	vmul.f32 $5.656854150e+00, v10;
	v13 =	vld.idx.msk [tilespmem:v13+s12+$0x0], $0xffff  }
0xf9: {  	v25 =	vld.idx.msk [tilespmem:v25+s12+$0x0], $0xffff;
	v26 =	vor.u32 v0, v15  }
0xfa: {  	v19 =	vor.u32 v1, v12;
	[tilespmem:s30+$0x10] =	vst v10;
	v10 =	vld.idx.msk [tilespmem:v23+s12+$0x0], $0xffff;
	v8 =	vmul.f32 $5.656854150e+00, v8  }
0xfb: {  	v30 =	vor.u32 v3, v20;
	v23 =	vor.u32 v3, v22;
	v11 =	vld.idx.msk [tilespmem:v11+s12+$0x0], $0xffff;
	v16 =	vmul.f32 $5.656854150e+00, v17  }
0xfc: {  	s23 =	simm.s32 $0x8640;
	s18 =	simm.s32 $0xA;
	v28 =	vor.u32 v2, v24;
	v17 =	vor.u32 v2, v9;
	v18 =	vmul.f32 $5.656854150e+00, v18;
	[tilespmem:s29+$0xFFFFFFE0] =	vst v8  }
0xfd: {  	v27 =	vor.u32 v1, v14;
	v8 =	vmov s18;
	v13 =	vmul.f32 $5.656854150e+00, v13;
	[tilespmem:s23+$0xFFFFFFC0] =	vst v16  }
0xfe: {  	s24 =	simm.s32 $0x380;
	s25 =	simm.s32 $0xB;
	v8 =	vand.u32 $0x1E, v8;
	v16 =	vor.u32 v4, v21;
	[tilespmem:s21+$0x10] =	vst v18;
	v18 =	vmul.f32 $5.656854150e+00, v25;
	v25 =	vld.idx.msk [tilespmem:v26+s12+$0x0], $0xffff  }
0xff: {  	s22 =	simm.s32 $0x8;
	s3 =	sand.u32 $0x380, s24;
	v10 =	vmul.f32 $5.656854150e+00, v10;
	v8 =	vbroadcast v8, $0x0;
	v26 =	vmov s25;
	v19 =	vld.idx.msk [tilespmem:v19+s12+$0x0], $0xffff;
	[tilespmem:s26+$0x30] =	vst v13  }
0x100: {  	s28 =	sor.u32 s3, s1;
	v23 =	vld.idx.msk [tilespmem:v23+s12+$0x0], $0xffff;
	v29 =	vmul.f32 $5.656854150e+00, v11;
	v11 =	vmov s22;
	v26 =	vand.u32 $0x1F, v26;
	[tilespmem:s0+$0x10] =	vst v18  }
0x101: {  	v11 =	vand.u32 $0x1C, v11;
	v31 =	vor.u32 v0, v8;
	[tilespmem:s28+$0x0] =	vst v10;
	v10 =	vbroadcast v26, $0x0;
	v17 =	vld.idx.msk [tilespmem:v17+s12+$0x0], $0xffff  }
0x102: {  	v13 =	vor.u32 v2, v12;
	v11 =	vbroadcast v11, $0x0;
	v26 =	vld.idx.msk [tilespmem:v28+s12+$0x0], $0xffff;
	[tilespmem:s30+$0x20] =	vst v29  }
0x103: {  	v29 =	vld.idx.msk [tilespmem:v30+s12+$0x0], $0xffff;
	v30 =	vor.u32 v0, v10  }
0x104: {  	v16 =	vld.idx.msk [tilespmem:v16+s12+$0x0], $0xffff;
	v28 =	vor.u32 v0, v11;
	v19 =	vmul.f32 $5.656854150e+00, v19  }
0x105: {  	v18 =	vor.u32 v3, v9;
	v27 =	vld.idx.msk [tilespmem:v27+s12+$0x0], $0xffff  }
0x106: {  	v48 =	vor.u32 v3, v24;
	s5 =	simm.s32 $0x400;
	v31 =	vld.idx.msk [tilespmem:v31+s12+$0x0], $0xffff;
	v17 =	vmul.f32 $5.656854150e+00, v17;
	[tilespmem:s23+$0xFFFFFFD0] =	vst v19  }
0x107: {  	s9 =	simm.s32 $0x280;
	s3 =	simm.s32 $0x9;
	s2 =	sand.u32 $0xC00, s5;
	v55 =	vor.u32 v1, v15;
	v26 =	vmul.f32 $5.656854150e+00, v26;
	v19 =	vld.idx.msk [tilespmem:v13+s12+$0x0], $0xffff  }
0x108: {  	v49 =	vor.u32 v2, v14;
	v25 =	vmul.f32 $5.656854150e+00, v25;
	v13 =	vmov s3;
	v30 =	vld.idx.msk [tilespmem:v30+s12+$0x0], $0xffff;
	s3 =	sadd.s32 $0x8400, s2;
	s2 =	sand.u32 $0x280, s9;
	[tilespmem:s21+$0x20] =	vst v17  }
0x109: {  	v17 =	vor.u32 v5, v21;
	v16 =	vmul.f32 $5.656854150e+00, v16;
	v28 =	vld.idx.msk [tilespmem:v28+s12+$0x0], $0xffff;
	[tilespmem:s0+$0x20] =	vst v26;
	s31 =	sor.u32 s2, s1  }
0x10a: {  	v50 =	vor.u32 v4, v20;
	v27 =	vmul.f32 $5.656854150e+00, v27;
	v18 =	vld.idx.msk [tilespmem:v18+s12+$0x0], $0xffff;
	[tilespmem:s31+$0x0] =	vst v25  }
0x10b: {  	v51 =	vor.u32 v1, v8;
	v13 =	vand.u32 $0x1D, v13;
	[tilespmem:s26+$0x40] =	vst v16;
	v16 =	vmul.f32 $5.656854150e+00, v29;
	v29 =	vld.idx.msk [tilespmem:v48+s12+$0x0], $0xffff  }
0x10c: {  	s7 =	simm.s32 $0x500;
	v26 =	vor.u32 v3, v12;
	[tilespmem:s28+$0x10] =	vst v27;
	v13 =	vbroadcast v13, $0x0;
	v35 =	vld.idx.msk [tilespmem:v55+s12+$0x0], $0xffff  }
0x10d: {  	s8 =	sand.u32 $0x300, s7;
	v27 =	vmul.f32 $5.656854150e+00, v31;
	v31 =	vor.u32 v4, v22;
	[tilespmem:s30+$0x30] =	vst v16;
	v16 =	vmul.f32 $5.656854150e+00, v19;
	v19 =	vld.idx.msk [tilespmem:v49+s12+$0x0], $0xffff  }
0x10e: {  	s22 =	sor.u32 s8, s3;
	v52 =	vor.u32 v0, v13;
	v17 =	vld.idx.msk [tilespmem:v17+s12+$0x0], $0xffff  }
0x10f: {  	v23 =	vmul.f32 $5.656854150e+00, v23;
	v54 =	vor.u32 v1, v11;
	[tilespmem:s22+$0x0] =	vst v27;
	v53 =	vld.idx.msk [tilespmem:v50+s12+$0x0], $0xffff  }
0x110: {  	v56 =	vor.u32 v4, v9;
	[tilespmem:s23+$0xFFFFFFE0] =	vst v16;
	v16 =	vld.idx.msk [tilespmem:v51+s12+$0x0], $0xffff  }
0x111: {  	[tilespmem:s29+$0xFFFFFFF0] =	vst v23;
	v27 =	vor.u32 v4, v24;
	v23 =	vmul.f32 $5.656854150e+00, v28;
	v26 =	vld.idx.msk [tilespmem:v26+s12+$0x0], $0xffff  }
0x112: {  	s24 =	simm.s32 $0x8840;
	v58 =	vor.u32 v3, v14;
	v18 =	vmul.f32 $5.656854150e+00, v18;
	v31 =	vld.idx.msk [tilespmem:v31+s12+$0x0], $0xffff  }
0x113: {  	v59 =	vor.u32 v6, v21;
	v29 =	vmul.f32 $5.656854150e+00, v29;
	[tilespmem:s24+$0xFFFFFFC0] =	vst v23;
	v28 =	vld.idx.msk [tilespmem:v52+s12+$0x0], $0xffff  }
0x114: {  	v57 =	vor.u32 v2, v8;
	v25 =	vmul.f32 $5.656854150e+00, v30;
	v30 =	vld.idx.msk [tilespmem:v54+s12+$0x0], $0xffff;
	[tilespmem:s21+$0x30] =	vst v18;
	v18 =	vmul.f32 $5.656854150e+00, v19  }
0x115: {  	v60 =	vor.u32 v5, v24;
	s16 =	simm.s32 $0xF;
	[tilespmem:s0+$0x30] =	vst v29;
	v29 =	vor.u32 v1, v10;
	v32 =	vld.idx.msk [tilespmem:v56+s12+$0x0], $0xffff;
	v17 =	vmul.f32 $5.656854150e+00, v17  }
0x116: {  	s14 =	simm.s32 $0x580;
	v63 =	vmov s16;
	s18 =	simm.s32 $0xE;
	v23 =	vld.idx.msk [tilespmem:v27+s12+$0x0], $0xffff;
	v27 =	vor.u32 v5, v20;
	v16 =	vmul.f32 $5.656854150e+00, v16;
	[tilespmem:s28+$0x20] =	vst v18  }
0x117: {  	v61 =	vor.u32 v2, v15;
	v41 =	vmov s18;
	s1 =	sand.u32 $0x380, s14;
	v19 =	vor.u32 v5, v22;
	v34 =	vld.idx.msk [tilespmem:v58+s12+$0x0], $0xffff;
	[tilespmem:s26+$0x50] =	vst v17  }
0x118: {  	v42 =	vand.u32 $0x1E, v41;
	s25 =	sor.u32 s1, s3;
	v33 =	vmul.f32 $5.656854150e+00, v53;
	v18 =	vand.u32 $0x1F, v63;
	[tilespmem:s22+$0x10] =	vst v16;
	v37 =	vld.idx.msk [tilespmem:v59+s12+$0x0], $0xffff  }
0x119: {  	s15 =	simm.s32 $0xC;
	v62 =	vor.u32 v2, v11;
	[tilespmem:s25+$0x0] =	vst v25;
	v31 =	vmul.f32 $5.656854150e+00, v31;
	v18 =	vbroadcast v18, $0x0;
	v25 =	vld.idx.msk [tilespmem:v57+s12+$0x0], $0xffff  }
0x11a: {  	v35 =	vmul.f32 $5.656854150e+00, v35;
	[tilespmem:s30+$0x40] =	vst v33;
	v17 =	vbroadcast v42, $0x0;
	v16 =	vmov s15;
	v29 =	vld.idx.msk [tilespmem:v29+s12+$0x0], $0xffff  }
0x11b: {  	v30 =	vmul.f32 $5.656854150e+00, v30;
	v16 =	vand.u32 $0x1C, v16;
	[tilespmem:s29+$0x0] =	vst v31;
	v44 =	vor.u32 v0, v18;
	v27 =	vld.idx.msk [tilespmem:v27+s12+$0x0], $0xffff  }
0x11c: {  	[tilespmem:s31+$0x10] =	vst v35;
	v45 =	vor.u32 v0, v17;
	v23 =	vmul.f32 $5.656854150e+00, v23;
	v16 =	vbroadcast v16, $0x0;
	v19 =	vld.idx.msk [tilespmem:v19+s12+$0x0], $0xffff  }
0x11d: {  	s7 =	simm.s32 $0x480;
	v43 =	vor.u32 v3, v8;
	v26 =	vmul.f32 $5.656854150e+00, v26;
	[tilespmem:s24+$0xFFFFFFD0] =	vst v30;
	v30 =	vld.idx.msk [tilespmem:v61+s12+$0x0], $0xffff  }
0x11e: {  	s1 =	sand.u32 $0x280, s7;
	v28 =	vmul.f32 $5.656854150e+00, v28;
	v46 =	vld.idx.msk [tilespmem:v62+s12+$0x0], $0xffff;
	[tilespmem:s0+$0x40] =	vst v23;
	v23 =	vor.u32 v0, v16  }
0x11f: {  	s1 =	sor.u32 s1, s3;
	v49 =	vor.u32 v6, v22;
	[tilespmem:s23+$0xFFFFFFF0] =	vst v26;
	v31 =	vld.idx.msk [tilespmem:v60+s12+$0x0], $0xffff;
	v25 =	vmul.f32 $5.656854150e+00, v25  }
0x120: {  	v50 =	vor.u32 v3, v15;
	[tilespmem:s1+$0x0] =	vst v28;
	v33 =	vld.idx.msk [tilespmem:v44+s12+$0x0], $0xffff;
	v27 =	vmul.f32 $5.656854150e+00, v27  }
0x121: {  	v53 =	vor.u32 v2, v10;
	v51 =	vld.idx.msk [tilespmem:v45+s12+$0x0], $0xffff;
	v26 =	vmul.f32 $5.656854150e+00, v19;
	[tilespmem:s22+$0x20] =	vst v25  }
0x122: {  	v30 =	vmul.f32 $5.656854150e+00, v30;
	v25 =	vmul.f32 $5.656854150e+00, v29;
	v29 =	vor.u32 v5, v9;
	v36 =	vld.idx.msk [tilespmem:v43+s12+$0x0], $0xffff;
	[tilespmem:s30+$0x50] =	vst v27  }
0x123: {  	v48 =	vor.u32 v6, v20;
	v23 =	vld.idx.msk [tilespmem:v23+s12+$0x0], $0xffff;
	[tilespmem:s29+$0x10] =	vst v26  }
0x124: {  	s5 =	simm.s32 $0xD;
	v52 =	vor.u32 v6, v24;
	v32 =	vmul.f32 $5.656854150e+00, v32;
	[tilespmem:s31+$0x20] =	vst v30;
	v30 =	vld.idx.msk [tilespmem:v49+s12+$0x0], $0xffff  }
0x125: {  	v27 =	vor.u32 v4, v14;
	[tilespmem:s25+$0x10] =	vst v25;
	v25 =	vmov s5;
	v26 =	vmul.f32 $5.656854150e+00, v31;
	v40 =	vld.idx.msk [tilespmem:v50+s12+$0x0], $0xffff  }
0x126: {  	s8 =	simm.s32 $0x600;
	[tilespmem:s21+$0x40] =	vst v32;
	v47 =	vmul.f32 $5.656854150e+00, v34;
	v31 =	vor.u32 v3, v11;
	v19 =	vand.u32 $0x1D, v25;
	v57 =	vld.idx.msk [tilespmem:v53+s12+$0x0], $0xffff  }
0x127: {  	s14 =	simm.s32 $0x700;
	s2 =	sand.u32 $0xC00, s8;
	v38 =	vmul.f32 $5.656854150e+00, v46;
	v19 =	vbroadcast v19, $0x0;
	[tilespmem:s0+$0x50] =	vst v26;
	v26 =	vor.u32 v1, v17;
	v25 =	vld.idx.msk [tilespmem:v29+s12+$0x0], $0xffff  }
0x128: {  	s2 =	sadd.s32 $0x8400, s2;
	s3 =	sand.u32 $0x300, s14;
	v59 =	vor.u32 v7, v22;
	[tilespmem:s28+$0x30] =	vst v47;
	v32 =	vmul.f32 $5.656854150e+00, v51;
	v29 =	vld.idx.msk [tilespmem:v48+s12+$0x0], $0xffff  }
0x129: {  	v39 =	vor.u32 v4, v8;
	s3 =	sor.u32 s3, s2;
	[tilespmem:s24+$0xFFFFFFE0] =	vst v38;
	v28 =	vld.idx.msk [tilespmem:v52+s12+$0x0], $0xffff;
	v54 =	vor.u32 v0, v19;
	v55 =	vmul.f32 $5.656854150e+00, v23  }
0x12a: {  	s9 =	simm.s32 $0x8A40;
	v58 =	vor.u32 v7, v20;
	v61 =	vor.u32 v7, v21;
	[tilespmem:s3+$0x0] =	vst v32;
	v27 =	vld.idx.msk [tilespmem:v27+s12+$0x0], $0xffff;
	v30 =	vmul.f32 $5.656854150e+00, v30  }
0x12b: {  	v20 =	vor.u32 v5, v10;
	v22 =	vor.u32 v1, v13;
	v56 =	vmul.f32 $5.656854150e+00, v36;
	v60 =	vld.idx.msk [tilespmem:v31+s12+$0x0], $0xffff;
	[tilespmem:s9+$0xFFFFFFC0] =	vst v55  }
0x12c: {  	v21 =	vor.u32 v5, v18;
	v47 =	vor.u32 v4, v15;
	v31 =	vmul.f32 $5.656854150e+00, v37;
	v63 =	vld.idx.msk [tilespmem:v26+s12+$0x0], $0xffff;
	[tilespmem:s29+$0x20] =	vst v30  }
0x12d: {  	v62 =	vor.u32 v7, v24;
	v24 =	vor.u32 v1, v18;
	[tilespmem:s22+$0x30] =	vst v56;
	v29 =	vmul.f32 $5.656854150e+00, v29;
	v35 =	vld.idx.msk [tilespmem:v59+s12+$0x0], $0xffff  }
0x12e: {  	v45 =	vor.u32 v4, v12;
	v43 =	vor.u32 v2, v17;
	v46 =	vmul.f32 $5.656854150e+00, v40;
	[tilespmem:s26+$0x60] =	vst v31;
	v34 =	vld.idx.msk [tilespmem:v54+s12+$0x0], $0xffff  }
0x12f: {  	v38 =	vor.u32 v1, v16;
	v32 =	vor.u32 v2, v13;
	v26 =	vmul.f32 $5.656854150e+00, v28;
	v40 =	vld.idx.msk [tilespmem:v61+s12+$0x0], $0xffff;
	[tilespmem:s30+$0x60] =	vst v29  }
0x130: {  	v23 =	vor.u32 v5, v14;
	v36 =	vmul.f32 $5.656854150e+00, v33;
	[tilespmem:s31+$0x30] =	vst v46;
	v28 =	vmul.f32 $5.656854150e+00, v57;
	v37 =	vld.idx.msk [tilespmem:v58+s12+$0x0], $0xffff  }
0x131: {  	s18 =	simm.s32 $0x780;
	s15 =	simm.s32 $0x680;
	v33 =	vor.u32 v3, v10;
	v31 =	vor.u32 v1, v19;
	v42 =	vld.idx.msk [tilespmem:v47+s12+$0x0], $0xffff;
	v48 =	vmul.f32 $5.656854150e+00, v27;
	[tilespmem:s0+$0x60] =	vst v26  }
0x132: {  	s16 =	sand.u32 $0x380, s18;
	s5 =	sand.u32 $0x280, s15;
	v30 =	vor.u32 v5, v15;
	v29 =	vor.u32 v5, v12;
	v27 =	vmul.f32 $5.656854150e+00, v60;
	[tilespmem:s25+$0x20] =	vst v28;
	v41 =	vld.idx.msk [tilespmem:v62+s12+$0x0], $0xffff  }
0x133: {  	s7 =	sor.u32 s16, s2;
	s5 =	sor.u32 s5, s2;
	s2 =	simm.s32 $0x10;
	v28 =	vor.u32 v6, v9;
	[tilespmem:s28+$0x40] =	vst v48;
	v44 =	vmul.f32 $5.656854150e+00, v63;
	v26 =	vmul.f32 $5.656854150e+00, v34;
	v34 =	vld.idx.msk [tilespmem:v45+s12+$0x0], $0xffff  }
.LBB2_5:
0x134: {  	s14 =	sadd.s32 $0x1, s2  }
0x135: {  	v45 =	vmov s2;
	s15 =	sadd.s32 $0x3, s2;
	v38 =	vld.idx.msk [tilespmem:v38+s12+$0x0], $0xffff;
	v46 =	vor.u32 v2, v16;
	[tilespmem:s7+$0x0] =	vst v36;
	v36 =	vmul.f32 $5.656854150e+00, v37;
	s16 =	smov.u32 s2;
	s8 =	sadd.s32 $0x4, s2  }
0x136: {  	p0 =	slt.u32 s2, $0x1C;
	v35 =	vmul.f32 $5.656854150e+00, v35;
	v37 =	vmov s14;
	s14 =	sadd.s32 $0x2, s16;
	v47 =	vmov s15;
	[tilespmem:s3+$0x10] =	vst v44;
	v44 =	vld.idx.msk [tilespmem:v22+s12+$0x0], $0xffff;
	v22 =	vmovc v31  }
0x137: {  	v40 =	vmul.f32 $5.656854150e+00, v40;
	v31 =	vmov s14;
	v47 =	vand.u32 $0x1F, v47;
	v39 =	vld.idx.msk [tilespmem:v39+s12+$0x0], $0xffff;
	[tilespmem:s30+$0x70] =	vst v36;
	s30 =	smov.u32 s28;
	s28 =	smov.u32 s25;
	s25 =	smov.u32 s7  }
0x138: {  	v31 =	vand.u32 $0x1E, v31;
	v36 =	vbroadcast v47, $0x0;
	v43 =	vld.idx.msk [tilespmem:v43+s12+$0x0], $0xffff;
	[tilespmem:s29+$0x30] =	vst v35;
	v35 =	vmul.f32 $5.656854150e+00, v41;
	s29 =	smov.u32 s23;
	s23 =	smov.u32 s24;
	s24 =	smov.u32 s9  }
0x139: {  	v25 =	vmul.f32 $5.656854150e+00, v25;
	v37 =	vand.u32 $0x1D, v37;
	v41 =	vbroadcast v31, $0x0;
	v24 =	vld.idx.msk [tilespmem:v24+s12+$0x0], $0xffff;
	[tilespmem:s26+$0x70] =	vst v40;
	s26 =	smov.u32 s21;
	s21 =	smov.u32 s22;
	s22 =	smov.u32 s3  }
0x13a: {  	v34 =	vmul.f32 $5.656854150e+00, v34;
	v31 =	vand.u32 $0x1C, v45;
	v40 =	vmul.f32 $5.656854150e+00, v42;
	v42 =	vld.idx.msk [tilespmem:v23+s12+$0x0], $0xffff;
	[tilespmem:s0+$0x70] =	vst v35;
	v23 =	vmovc v20;
	v20 =	vmovc v21;
	s0 =	smov.u32 s31;
	s31 =	smov.u32 s1;
	s1 =	smov.u32 s5  }
0x13b: {  	v35 =	vbroadcast v31, $0x0;
	v31 =	vbroadcast v37, $0x0;
	v37 =	vor.u32 v0, v41;
	v33 =	vld.idx.msk [tilespmem:v33+s12+$0x0], $0xffff;
	[tilespmem:s26+$0x50] =	vst v25  }
0x13c: {  	v45 =	vor.u32 v3, v17;
	v25 =	vor.u32 v0, v36;
	v44 =	vmul.f32 $5.656854150e+00, v44;
	[tilespmem:s0+$0x40] =	vst v40;
	v28 =	vld.idx.msk [tilespmem:v28+s12+$0x0], $0xffff  }
0x13d: {  	v21 =	vor.u32 v5, v36;
	v38 =	vmul.f32 $5.656854150e+00, v38;
	v40 =	vor.u32 v0, v35;
	[tilespmem:s29+$0x0] =	vst v34;
	v30 =	vld.idx.msk [tilespmem:v30+s12+$0x0], $0xffff  }
0x13e: {  	v34 =	vmul.f32 $5.656854150e+00, v43;
	[tilespmem:s31+$0x10] =	vst v44;
	v29 =	vld.idx.msk [tilespmem:v29+s12+$0x0], $0xffff  }
0x13f: {  	[tilespmem:s9+$0xFFFFFFD0] =	vst v38;
	v32 =	vld.idx.msk [tilespmem:v32+s12+$0x0], $0xffff;
	v38 =	vmul.f32 $5.656854150e+00, v39  }
0x140: {  	v24 =	vmul.f32 $5.656854150e+00, v24;
	v39 =	vld.idx.msk [tilespmem:v46+s12+$0x0], $0xffff;
	[tilespmem:s22+$0x20] =	vst v34;
	v34 =	vor.u32 v5, v8  }
0x141: {  	v33 =	vmul.f32 $5.656854150e+00, v33;
	v43 =	vld.idx.msk [tilespmem:v45+s12+$0x0], $0xffff;
	[tilespmem:s21+$0x40] =	vst v38;
	v38 =	vor.u32 v6, v14  }
0x142: {  	s18 =	sadd.s32 $0x200, s18;
	v44 =	vor.u32 v0, v31;
	v45 =	vor.u32 v6, v12;
	v40 =	vld.idx.msk [tilespmem:v40+s12+$0x0], $0xffff;
	[tilespmem:s25+$0x10] =	vst v24  }
0x143: {  	v47 =	vor.u32 v3, v13;
	v46 =	vld.idx.msk [tilespmem:v25+s12+$0x0], $0xffff;
	[tilespmem:s28+$0x30] =	vst v33;
	v33 =	vmul.f32 $5.656854150e+00, v42  }
0x144: {  	v42 =	vor.u32 v1, v41;
	v37 =	vld.idx.msk [tilespmem:v37+s12+$0x0], $0xffff;
	[tilespmem:s23+$0xFFFFFFF0] =	vst v27;
	v27 =	vmul.f32 $5.656854150e+00, v29;
	v29 =	vor.u32 v6, v15  }
0x145: {  	v48 =	vor.u32 v2, v18;
	s9 =	sadd.s32 $0x200, s9;
	v24 =	vor.u32 v1, v36;
	v32 =	vmul.f32 $5.656854150e+00, v32;
	v25 =	vld.idx.msk [tilespmem:v34+s12+$0x0], $0xffff;
	[tilespmem:s30+$0x50] =	vst v33  }
0x146: {  	s2 =	sadd.s32 $0xFFFFFE80, s18;
	v33 =	vor.u32 v4, v10;
	[tilespmem:s29+$0x10] =	vst v27;
	v27 =	vmul.f32 $5.656854150e+00, v30;
	v30 =	vld.idx.msk [tilespmem:v38+s12+$0x0], $0xffff  }
0x147: {  	s2 =	sand.u32 $0xC00, s2;
	s3 =	sadd.s32 $0xFFFFFF80, s18;
	v34 =	vor.u32 v3, v16;
	[tilespmem:s31+$0x20] =	vst v32;
	v32 =	vld.idx.msk [tilespmem:v45+s12+$0x0], $0xffff  }
0x148: {  	s5 =	sadd.s32 $0x8400, s2;
	s2 =	sand.u32 $0x300, s3;
	v38 =	vmul.f32 $5.656854150e+00, v40;
	v40 =	vld.idx.msk [tilespmem:v47+s12+$0x0], $0xffff;
	[tilespmem:s0+$0x50] =	vst v27  }
0x149: {  	s3 =	sor.u32 s2, s5;
	v27 =	vmul.f32 $5.656854150e+00, v39;
	[tilespmem:s1+$0x0] =	vst v26;
	v26 =	vld.idx.msk [tilespmem:v29+s12+$0x0], $0xffff  }
0x14a: {  	v29 =	vmul.f32 $5.656854150e+00, v43;
	[tilespmem:s9+$0xFFFFFFC0] =	vst v38;
	v39 =	vld.idx.msk [tilespmem:v48+s12+$0x0], $0xffff;
	v38 =	vor.u32 v7, v14;
	v14 =	vmovc v10;
	v10 =	vmov v18  }
0x14b: {  	v37 =	vmul.f32 $5.656854150e+00, v37;
	v18 =	vmovc v36;
	[tilespmem:s24+$0xFFFFFFE0] =	vst v27;
	v27 =	vld.idx.msk [tilespmem:v33+s12+$0x0], $0xffff;
	v33 =	vor.u32 v7, v12;
	v12 =	vmov v11  }
0x14c: {  	v43 =	vor.u32 v7, v9;
	v9 =	vmovc v8;
	v8 =	vmov v17;
	v36 =	vmul.f32 $5.656854150e+00, v30;
	v34 =	vld.idx.msk [tilespmem:v34+s12+$0x0], $0xffff;
	[tilespmem:s22+$0x30] =	vst v29  }
0x14d: {  	v28 =	vmul.f32 $5.656854150e+00, v28;
	v17 =	vmovc v41;
	v29 =	vmul.f32 $5.656854150e+00, v32;
	v32 =	vor.u32 v7, v15;
	v30 =	vld.idx.msk [tilespmem:v44+s12+$0x0], $0xffff;
	[tilespmem:s3+$0x0] =	vst v37  }
0x14e: {  	v11 =	vmovc v16;
	v16 =	vmov v35;
	v44 =	vor.u32 v4, v12;
	v45 =	vmul.f32 $5.656854150e+00, v40;
	v42 =	vld.idx.msk [tilespmem:v42+s12+$0x0], $0xffff;
	[tilespmem:s30+$0x60] =	vst v36  }
0x14f: {  	v15 =	vmovc v13;
	v36 =	vmul.f32 $5.656854150e+00, v46;
	v46 =	vor.u32 v4, v13;
	v26 =	vmul.f32 $5.656854150e+00, v26;
	[tilespmem:s29+$0x20] =	vst v29;
	v37 =	vld.idx.msk [tilespmem:v38+s12+$0x0], $0xffff  }
.Ltmp1:
0x150: {  	s2 =	sand.u32 $0x380, s18;
	v13 =	vmovc v19;
	v19 =	vmov v31;
	v38 =	vor.u32 v1, v16;
	v41 =	vmul.f32 $5.656854150e+00, v39;
	v35 =	vld.idx.msk [tilespmem:v33+s12+$0x0], $0xffff;
	[tilespmem:s26+$0x60] =	vst v28;
	(pc) =	sbr.rel @p0 .LBB2_5-.Ltmp1, $4  }
0x151: {  	s7 =	sor.u32 s2, s5;
	v31 =	vor.u32 v1, v19;
	v29 =	vor.u32 v5, v12;
	v47 =	vmul.f32 $5.656854150e+00, v27;
	[tilespmem:s0+$0x60] =	vst v26;
	v40 =	vld.idx.msk [tilespmem:v43+s12+$0x0], $0xffff  }
0x152: {  	s2 =	sadd.s32 $0xFFFFFF00, s18;
	v39 =	vor.u32 v4, v8;
	v28 =	vor.u32 v6, v9;
	v27 =	vmul.f32 $5.656854150e+00, v34;
	[tilespmem:s25+$0x20] =	vst v41;
	v41 =	vld.idx.msk [tilespmem:v32+s12+$0x0], $0xffff  }
0x153: {  	s2 =	sand.u32 $0x280, s2;
	v43 =	vor.u32 v2, v17;
	v26 =	vmul.f32 $5.656854150e+00, v30;
	v30 =	vor.u32 v5, v15;
	v34 =	vld.idx.msk [tilespmem:v44+s12+$0x0], $0xffff;
	[tilespmem:s31+$0x30] =	vst v45  }
0x154: {  	s5 =	sor.u32 s2, s5;
	s2 =	smov.u32 s8;
	v33 =	vor.u32 v3, v10;
	v32 =	vor.u32 v2, v13;
	v44 =	vmul.f32 $5.656854150e+00, v42;
	v42 =	vld.idx.msk [tilespmem:v46+s12+$0x0], $0xffff;
	[tilespmem:s28+$0x40] =	vst v47  }
0x155: {  	[tilespmem:s7+$0x0] =	vst v36  }
0x156: {  	[tilespmem:s5+$0x0] =	vst v26  }
0x157: {  	v60 =	vmul.f32 $5.656854150e+00, v37;
	[tilespmem:s24+$0xFFFFFFF0] =	vst v27  }
0x158: {  	v35 =	vmul.f32 $5.656854150e+00, v35;
	[tilespmem:s3+$0x10] =	vst v44  }
0x159: {  	v22 =	vld.idx.msk [tilespmem:v22+s12+$0x0], $0xffff;
	v25 =	vmul.f32 $5.656854150e+00, v25;
	[tilespmem:s30+$0x70] =	vst v60  }
0x15a: {  	v62 =	vld.idx.msk [tilespmem:v38+s12+$0x0], $0xffff;
	v61 =	vmul.f32 $5.656854150e+00, v40;
	[tilespmem:s29+$0x30] =	vst v35  }
0x15b: {  	v23 =	vld.idx.msk [tilespmem:v23+s12+$0x0], $0xffff;
	v63 =	vmul.f32 $5.656854150e+00, v41;
	[tilespmem:s21+$0x50] =	vst v25  }
0x15c: {  	v24 =	vld.idx.msk [tilespmem:v24+s12+$0x0], $0xffff;
	[tilespmem:s26+$0x70] =	vst v61;
	v34 =	vmul.f32 $5.656854150e+00, v34  }
0x15d: {  	v31 =	vld.idx.msk [tilespmem:v31+s12+$0x0], $0xffff;
	v41 =	vmul.f32 $5.656854150e+00, v42;
	[tilespmem:s0+$0x70] =	vst v63  }
0x15e: {  	v40 =	vld.idx.msk [tilespmem:v43+s12+$0x0], $0xffff;
	v22 =	vmul.f32 $5.656854150e+00, v22;
	[tilespmem:s23+$0x0] =	vst v34  }
0x15f: {  	v43 =	vld.idx.msk [tilespmem:v33+s12+$0x0], $0xffff;
	v44 =	vmul.f32 $5.656854150e+00, v62;
	[tilespmem:s31+$0x40] =	vst v41  }
0x160: {  	v46 =	vor.u32 v2, v16;
	v28 =	vld.idx.msk [tilespmem:v28+s12+$0x0], $0xffff;
	v23 =	vmul.f32 $5.656854150e+00, v23;
	[tilespmem:s1+$0x10] =	vst v22  }
0x161: {  	v48 =	vor.u32 v6, v14;
	v42 =	vld.idx.msk [tilespmem:v39+s12+$0x0], $0xffff;
	v24 =	vmul.f32 $5.656854150e+00, v24;
	[tilespmem:s9+$0xFFFFFFD0] =	vst v44  }
0x162: {  	v49 =	vor.u32 v2, v18;
	v29 =	vld.idx.msk [tilespmem:v29+s12+$0x0], $0xffff;
	v56 =	vmul.f32 $5.656854150e+00, v31;
	[tilespmem:s28+$0x50] =	vst v23  }
0x163: {  	v52 =	vor.u32 v2, v19;
	v45 =	vmul.f32 $5.656854150e+00, v40;
	v30 =	vld.idx.msk [tilespmem:v30+s12+$0x0], $0xffff;
	[tilespmem:s7+$0x10] =	vst v24  }
0x164: {  	v47 =	vor.u32 v3, v17;
	v25 =	vmul.f32 $5.656854150e+00, v43;
	v32 =	vld.idx.msk [tilespmem:v32+s12+$0x0], $0xffff;
	[tilespmem:s5+$0x10] =	vst v56  }
0x165: {  	v57 =	vor.u32 v4, v10;
	v22 =	vld.idx.msk [tilespmem:v46+s12+$0x0], $0xffff;
	v28 =	vmul.f32 $5.656854150e+00, v28;
	[tilespmem:s3+$0x20] =	vst v45  }
0x166: {  	v9 =	vor.u32 v7, v9;
	v54 =	vld.idx.msk [tilespmem:v48+s12+$0x0], $0xffff;
	v35 =	vmul.f32 $5.656854150e+00, v42;
	[tilespmem:s25+$0x30] =	vst v25  }
0x167: {  	v50 =	vor.u32 v6, v12;
	v26 =	vld.idx.msk [tilespmem:v49+s12+$0x0], $0xffff;
	[tilespmem:s21+$0x60] =	vst v28;
	v29 =	vmul.f32 $5.656854150e+00, v29  }
0x168: {  	v53 =	vor.u32 v6, v15;
	v23 =	vld.idx.msk [tilespmem:v52+s12+$0x0], $0xffff;
	[tilespmem:s22+$0x40] =	vst v35;
	v30 =	vmul.f32 $5.656854150e+00, v30  }
0x169: {  	v55 =	vor.u32 v3, v13;
	v51 =	vld.idx.msk [tilespmem:v47+s12+$0x0], $0xffff;
	v32 =	vmul.f32 $5.656854150e+00, v32;
	[tilespmem:s23+$0x10] =	vst v29  }
0x16a: {  	v58 =	vor.u32 v7, v14;
	v33 =	vld.idx.msk [tilespmem:v57+s12+$0x0], $0xffff;
	v22 =	vmul.f32 $5.656854150e+00, v22;
	[tilespmem:s31+$0x50] =	vst v30  }
0x16b: {  	v59 =	vor.u32 v3, v18;
	v9 =	vld.idx.msk [tilespmem:v9+s12+$0x0], $0xffff;
	v61 =	vmul.f32 $5.656854150e+00, v54;
	[tilespmem:s1+$0x20] =	vst v32  }
0x16c: {  	v60 =	vor.u32 v3, v16;
	v24 =	vld.idx.msk [tilespmem:v50+s12+$0x0], $0xffff;
	v63 =	vmul.f32 $5.656854150e+00, v26;
	[tilespmem:s9+$0xFFFFFFE0] =	vst v22  }
0x16d: {  	v34 =	vor.u32 v3, v19;
	v23 =	vmul.f32 $5.656854150e+00, v23;
	v27 =	vld.idx.msk [tilespmem:v53+s12+$0x0], $0xffff;
	[tilespmem:s28+$0x60] =	vst v61  }
0x16e: {  	v35 =	vor.u32 v4, v11;
	v25 =	vmul.f32 $5.656854150e+00, v51;
	v32 =	vld.idx.msk [tilespmem:v55+s12+$0x0], $0xffff;
	[tilespmem:s7+$0x20] =	vst v63  }
0x16f: {  	v44 =	vor.u32 v4, v17;
	v41 =	vmul.f32 $5.656854150e+00, v33;
	v14 =	vld.idx.msk [tilespmem:v58+s12+$0x0], $0xffff;
	[tilespmem:s5+$0x20] =	vst v23  }
0x170: {  	v9 =	vmul.f32 $5.656854150e+00, v9;
	[tilespmem:s3+$0x30] =	vst v25;
	v36 =	vld.idx.msk [tilespmem:v59+s12+$0x0], $0xffff  }
0x171: {  	v62 =	vor.u32 v7, v12;
	v37 =	vld.idx.msk [tilespmem:v60+s12+$0x0], $0xffff;
	[tilespmem:s25+$0x40] =	vst v41;
	v24 =	vmul.f32 $5.656854150e+00, v24  }
0x172: {  	v40 =	vor.u32 v4, v13;
	v22 =	vld.idx.msk [tilespmem:v34+s12+$0x0], $0xffff;
	[tilespmem:s21+$0x70] =	vst v9;
	v27 =	vmul.f32 $5.656854150e+00, v27  }
0x173: {  	v42 =	vor.u32 v4, v18;
	v25 =	vld.idx.msk [tilespmem:v35+s12+$0x0], $0xffff;
	[tilespmem:s23+$0x20] =	vst v24;
	v39 =	vmul.f32 $5.656854150e+00, v32  }
0x174: {  	v43 =	vor.u32 v4, v16;
	v28 =	vld.idx.msk [tilespmem:v44+s12+$0x0], $0xffff;
	v14 =	vmul.f32 $5.656854150e+00, v14;
	[tilespmem:s31+$0x60] =	vst v27  }
0x175: {  	v47 =	vor.u32 v4, v19;
	v20 =	vld.idx.msk [tilespmem:v20+s12+$0x0], $0xffff;
	v45 =	vmul.f32 $5.656854150e+00, v36;
	[tilespmem:s1+$0x30] =	vst v39  }
0x176: {  	v38 =	vor.u32 v7, v15;
	v46 =	vmul.f32 $5.656854150e+00, v37;
	v12 =	vld.idx.msk [tilespmem:v62+s12+$0x0], $0xffff;
	[tilespmem:s28+$0x70] =	vst v14  }
0x177: {  	v51 =	vor.u32 v5, v8;
	v22 =	vmul.f32 $5.656854150e+00, v22;
	v48 =	vld.idx.msk [tilespmem:v40+s12+$0x0], $0xffff;
	[tilespmem:s7+$0x30] =	vst v45  }
0x178: {  	v49 =	vor.u32 v5, v11;
	v25 =	vmul.f32 $5.656854150e+00, v25;
	[tilespmem:s9+$0xFFFFFFF0] =	vst v46;
	v50 =	vld.idx.msk [tilespmem:v42+s12+$0x0], $0xffff  }
0x179: {  	v58 =	vor.u32 v5, v17;
	v62 =	vmul.f32 $5.656854150e+00, v28;
	v52 =	vld.idx.msk [tilespmem:v43+s12+$0x0], $0xffff;
	[tilespmem:s5+$0x30] =	vst v22  }
0x17a: {  	v53 =	vor.u32 v5, v13;
	v20 =	vmul.f32 $5.656854150e+00, v20;
	[tilespmem:s24+$0x0] =	vst v25;
	v54 =	vld.idx.msk [tilespmem:v47+s12+$0x0], $0xffff  }
0x17b: {  	v15 =	vld.idx.msk [tilespmem:v38+s12+$0x0], $0xffff;
	[tilespmem:s3+$0x40] =	vst v62;
	v12 =	vmul.f32 $5.656854150e+00, v12  }
0x17c: {  	v56 =	vor.u32 v5, v16;
	v59 =	vld.idx.msk [tilespmem:v51+s12+$0x0], $0xffff;
	[tilespmem:s25+$0x50] =	vst v20;
	v55 =	vmul.f32 $5.656854150e+00, v48  }
0x17d: {  	v60 =	vor.u32 v5, v19;
	v57 =	vld.idx.msk [tilespmem:v49+s12+$0x0], $0xffff;
	[tilespmem:s23+$0x30] =	vst v12;
	v24 =	vmul.f32 $5.656854150e+00, v50  }
0x17e: {  	v63 =	vor.u32 v6, v10;
	v23 =	vld.idx.msk [tilespmem:v58+s12+$0x0], $0xffff;
	v12 =	vmul.f32 $5.656854150e+00, v52;
	[tilespmem:s1+$0x40] =	vst v55  }
0x17f: {  	v33 =	vor.u32 v6, v8;
	v9 =	vmul.f32 $5.656854150e+00, v54;
	v61 =	vld.idx.msk [tilespmem:v53+s12+$0x0], $0xffff;
	[tilespmem:s7+$0x40] =	vst v24  }
0x180: {  	v32 =	vor.u32 v6, v11;
	v15 =	vmul.f32 $5.656854150e+00, v15;
	[tilespmem:s9+$0x0] =	vst v12;
	v21 =	vld.idx.msk [tilespmem:v21+s12+$0x0], $0xffff  }
0x181: {  	v41 =	vor.u32 v6, v17;
	v35 =	vmul.f32 $5.656854150e+00, v59;
	v22 =	vld.idx.msk [tilespmem:v56+s12+$0x0], $0xffff;
	[tilespmem:s5+$0x40] =	vst v9  }
0x182: {  	v34 =	vor.u32 v6, v13;
	[tilespmem:s31+$0x70] =	vst v15;
	v15 =	vmul.f32 $5.656854150e+00, v57;
	v14 =	vld.idx.msk [tilespmem:v60+s12+$0x0], $0xffff  }
0x183: {  	v36 =	vor.u32 v6, v18;
	v38 =	vld.idx.msk [tilespmem:v63+s12+$0x0], $0xffff;
	[tilespmem:s22+$0x50] =	vst v35;
	v23 =	vmul.f32 $5.656854150e+00, v23  }
0x184: {  	v39 =	vor.u32 v6, v16;
	v12 =	vld.idx.msk [tilespmem:v33+s12+$0x0], $0xffff;
	[tilespmem:s24+$0x10] =	vst v15;
	v37 =	vmul.f32 $5.656854150e+00, v61  }
0x185: {  	v43 =	vor.u32 v6, v19;
	v40 =	vld.idx.msk [tilespmem:v32+s12+$0x0], $0xffff;
	[tilespmem:s3+$0x50] =	vst v23;
	v21 =	vmul.f32 $5.656854150e+00, v21  }
0x186: {  	v44 =	vor.u32 v7, v10;
	v23 =	vld.idx.msk [tilespmem:v41+s12+$0x0], $0xffff;
	v42 =	vmul.f32 $5.656854150e+00, v22;
	[tilespmem:s1+$0x50] =	vst v37  }
0x187: {  	v8 =	vor.u32 v7, v8;
	v14 =	vmul.f32 $5.656854150e+00, v14;
	v27 =	vld.idx.msk [tilespmem:v34+s12+$0x0], $0xffff;
	[tilespmem:s7+$0x50] =	vst v21  }
0x188: {  	v45 =	vor.u32 v7, v11;
	v47 =	vmul.f32 $5.656854150e+00, v38;
	[tilespmem:s9+$0x10] =	vst v42;
	v46 =	vld.idx.msk [tilespmem:v36+s12+$0x0], $0xffff  }
0x189: {  	v53 =	vor.u32 v7, v17;
	v12 =	vmul.f32 $5.656854150e+00, v12;
	v48 =	vld.idx.msk [tilespmem:v39+s12+$0x0], $0xffff;
	[tilespmem:s5+$0x50] =	vst v14  }
0x18a: {  	v49 =	vor.u32 v7, v13;
	[tilespmem:s25+$0x60] =	vst v47;
	v9 =	vmul.f32 $5.656854150e+00, v40;
	v14 =	vld.idx.msk [tilespmem:v43+s12+$0x0], $0xffff  }
0x18b: {  	v50 =	vor.u32 v7, v18;
	v10 =	vld.idx.msk [tilespmem:v44+s12+$0x0], $0xffff;
	[tilespmem:s22+$0x60] =	vst v12;
	v56 =	vmul.f32 $5.656854150e+00, v23  }
0x18c: {  	v52 =	vor.u32 v7, v16;
	v8 =	vld.idx.msk [tilespmem:v8+s12+$0x0], $0xffff;
	[tilespmem:s24+$0x20] =	vst v9;
	v51 =	vmul.f32 $5.656854150e+00, v27  }
0x18d: {  	v55 =	vor.u32 v7, v19;
	v11 =	vld.idx.msk [tilespmem:v45+s12+$0x0], $0xffff;
	[tilespmem:s3+$0x60] =	vst v56;
	v15 =	vmul.f32 $5.656854150e+00, v46  }
0x18e: {  	v60 =	vld.idx.msk [tilespmem:v53+s12+$0x0], $0xffff;
	v54 =	vmul.f32 $5.656854150e+00, v48;
	[tilespmem:s1+$0x60] =	vst v51  }
0x18f: {  	v57 =	vmul.f32 $5.656854150e+00, v14;
	v13 =	vld.idx.msk [tilespmem:v49+s12+$0x0], $0xffff;
	[tilespmem:s7+$0x60] =	vst v15  }
0x190: {  	v10 =	vmul.f32 $5.656854150e+00, v10;
	[tilespmem:s9+$0x20] =	vst v54;
	v58 =	vld.idx.msk [tilespmem:v50+s12+$0x0], $0xffff  }
0x191: {  	v8 =	vmul.f32 $5.656854150e+00, v8;
	v59 =	vld.idx.msk [tilespmem:v52+s12+$0x0], $0xffff;
	[tilespmem:s5+$0x60] =	vst v57  }
0x192: {  	[tilespmem:s25+$0x70] =	vst v10;
	v11 =	vmul.f32 $5.656854150e+00, v11;
	v61 =	vld.idx.msk [tilespmem:v55+s12+$0x0], $0xffff  }
0x193: {  	[tilespmem:s22+$0x70] =	vst v8;
	v9 =	vmul.f32 $5.656854150e+00, v60  }
0x194: {  	[tilespmem:s24+$0x30] =	vst v11;
	v62 =	vmul.f32 $5.656854150e+00, v13  }
0x195: {  	[tilespmem:s3+$0x70] =	vst v9;
	v8 =	vmul.f32 $5.656854150e+00, v58  }
0x196: {  	s19 =	sadd.s32 $0x1, s19;
	s28 =	sshll.u32 s20, $0x11;
	v63 =	vmul.f32 $5.656854150e+00, v59;
	[tilespmem:s1+$0x70] =	vst v62  }
0x197: {  	s2 =	simm.s32 $0x8000;
	p0 =	sne.s32 s19, $0x64;
	s0 =	sor.u32 s6, s28;
	[tilespmem:s7+$0x70] =	vst v8;
	v8 =	vmul.f32 $5.656854150e+00, v61  }
0x198: {  	s29 =	rddreg [dreg:$0x1];
	s30 =	simm.s32 $0x400;
	s0 =	sshrl.u32 s0, $0x3;
	[tilespmem:s9+$0x30] =	vst v63  }
.Ltmp2:
0x199: {  	s0 =	sadd.s32 s29, s0;
	s31 =	simm.s32 $0x8400;
	[tilespmem:s5+$0x70] =	vst v8;
	(pc) =	sbr.rel @p0 .LBB2_2-.Ltmp2, $4  }
0x19a: {  	[hbm4b:s0+s30] =	stream.strided.scatter [tilespmem:s31], [sflag:$0x3], $0x1000, s2, s30, $0x38;
	[tilespmem:$0x9400] =	vst v63  }
0x19b: {  	_ =	swait.ge [sflag:s10], $0x1000  }
0x19c: {  	[sflag:s10] =	ssyncset.done $0x0  }
0x19d: {  	[sflag:s10] =	ssyncadd.s32 $0xFFFFF000  }
0x19e: {  	s1 =	rddreg [dreg:$0x5]  }
0x19f: {  	s0 =	rddreg [dreg:$0x4];
	s1 =	sadd.s32 $0x1, s1  }
0x1a0: {  	p0 =	sne.s32 s1, s0  }
.Ltmp3:
0x1a1: {  	_ = 	snop;
	(pc) =	sbr.rel @p0 .LBB2_1-.Ltmp3, $1  }
0x1a2: {  	_ =	sdelay $0x3  }
0x1a3: {  	_ =	sfence.sel $0x180000  }
0x1a4: {  	[bflag:$0x0] =	sbarrier.arrive $0xFFFF  }
0x1a5: {  	_ =	strace $0x9000004A  }
0x1a6: {  	s0 =	stileid.u32;
	[bflag:$0x2] =	sbarrier.arrive $0xFFFF  }
0x1a7: {  	p0 =	sne.s32 s0, $0x0;
	s0 =	rddreg [dreg:$0x2]  }
0x1a8: {  	s0 =	sadd.s32 @!p0 $0x100000, s0  }
0x1a9: {  	[sflag:s0] =	ssyncadd.tile.s32 @!p0 $0x1;
	_ =	shalt  }
.Lfunc_end2:
_tile_overlayer_lowered:
.L_overlay_start_2:
0x1aa: {  	(tag) =	ssettag $0x2  }
0x1ab: {  	s0 =	rddreg [dreg:$0x0];
	s2 =	stileid.u32  }
0x1ac: {  	s1 =	rddreg [dreg:$0x1];
	p0 =	sne.s32 s2, $0x0  }
0x1ad: {  	s3 =	rddreg [dreg:$0x2];
	[bflag:$0x3] =	sbarrier.arrive $0xFFFF;
	s2 =	simm.s32 @!p0 $0x1C03  }
0x1ae: {  	[timem:s3], [sflag:s2] =	dma.local @!p0 [hbm:s0], s1  }
0x1af: {  	s0 =	simm.s32 @!p0 $0x3  }
0x1b0: {  	_ =	swait.ge @!p0 [sflag:s0], s1  }
0x1b1: {  	s1 =	ssub.s32 @!p0 $0x0, s1;
	[sflag:s0] =	ssyncset.done @!p0 $0x0  }
0x1b2: {  	[sflag:s0] =	ssyncadd.s32 @!p0 s1  }
0x1b3: {  	[bflag:$0x3] =	sbarrier.arrive $0xFFFF  }
0x1b4: {  	_ =	shalt  }

</sc_bundles>
